<compile_context>
chip_gen: v7x
topology: tpu7x:2x2x1
jax: 0.10.2.dev20260603
libtpu: 0.0.44.dev20260713+nightly
codegen_flags: <defaults>
</compile_context>

<pallas_src>
import functools

import jax
import jax.numpy as jnp
from jax import lax
from jax.experimental import pallas as pl
from jax.experimental.pallas import tpu as pltpu
from jax.experimental.pallas import tpu_sc as plsc

N_NODES = 10000
N_EDGES = 320000
D = 128
CHUNK = 64
N_CHUNKS = N_EDGES // CHUNK
N_TILES = 16
N_WORKERS = 32
CH_PER_W = 160
NB = 6
PD = 5
ROWS_PER_TILE = 624
TAIL_ROWS = N_NODES - N_TILES * ROWS_PER_TILE


def _sc_scatter(edge_features, dst2d):
    mesh = plsc.VectorSubcoreMesh(core_axis_name="c", subcore_axis_name="s")

    @functools.partial(
        pl.kernel,
        mesh=mesh,
        out_type=jax.ShapeDtypeStruct((2, N_NODES, D), jnp.float32),
        scratch_types=[
            pltpu.VMEM((NB, CHUNK, D), jnp.float32),
            pltpu.VMEM((NB, CHUNK), jnp.int32),
            pltpu.VMEM_SHARED((N_NODES, D), jnp.float32),
        ] + [pltpu.SemaphoreType.DMA] * (2 * NB + 1),
    )
    def k(edge_hbm, dst_hbm, out_hbm, ebuf, iring, agg_sh, *sems):
        lsems, ssems, zsem = sems[:NB], sems[NB:2 * NB], sems[2 * NB]
        cid = lax.axis_index("c")
        sid = lax.axis_index("s")
        base = sid * ROWS_PER_TILE
        wid = cid * N_TILES + sid
        start = wid * CH_PER_W
        n_my = jnp.minimum(CH_PER_W, N_CHUNKS - start)

        def edge_desc(ch, b):
            src = edge_hbm.at[pl.ds(pl.multiple_of((start + ch) * CHUNK, 8),
                                    CHUNK)]
            return pltpu.make_async_copy(src, ebuf.at[b], lsems[b])

        def idx_desc(ch, b):
            return pltpu.make_async_copy(dst_hbm.at[1, start + ch],
                                         iring.at[b], lsems[b])

        def load(ch, b):
            edge_desc(ch, b).start()
            idx_desc(ch, b).start()

        def wait_loads(ch, b):
            edge_desc(ch, b).wait()
            idx_desc(ch, b).wait()

        def scat_desc(b):
            return pltpu.make_async_copy(ebuf.at[b], agg_sh.at[iring.at[b]],
                                         ssems[b])

        for p in range(PD):
            load(p, p)

        ZB = NB - 1

        def zrow(i, carry):
            for j in range(D // 16):
                ebuf[ZB, i, pl.ds(j * 16, 16)] = jnp.zeros((16,), jnp.float32)
            return carry
        lax.fori_loop(0, CHUNK, zrow, 0)

        zparts = []
        off = 0
        rem = ROWS_PER_TILE
        while rem > 0:
            n = min(CHUNK, rem)
            zparts.append((base + off, n))
            off += n
            rem -= n
        for o, n in zparts:
            pltpu.make_async_copy(ebuf.at[ZB, pl.ds(0, n)],
                                  agg_sh.at[pl.ds(o, n)], zsem).start()

        @pl.when(sid == N_TILES - 1)
        def _():
            pltpu.make_async_copy(
                ebuf.at[ZB, pl.ds(0, TAIL_ROWS)],
                agg_sh.at[pl.ds(N_TILES * ROWS_PER_TILE, TAIL_ROWS)],
                zsem).start()
        for o, n in zparts:
            pltpu.make_async_copy(ebuf.at[ZB, pl.ds(0, n)],
                                  agg_sh.at[pl.ds(o, n)], zsem).wait()

        @pl.when(sid == N_TILES - 1)
        def _():
            pltpu.make_async_copy(
                ebuf.at[ZB, pl.ds(0, TAIL_ROWS)],
                agg_sh.at[pl.ds(N_TILES * ROWS_PER_TILE, TAIL_ROWS)],
                zsem).wait()
        plsc.subcore_barrier()

        def body(r, carry):
            for b in range(NB):
                ch = r * NB + b

                @pl.when(ch < n_my)
                def _(ch=ch, b=b):
                    wait_loads(ch, b)
                    pltpu.async_copy(ebuf.at[b], agg_sh.at[iring.at[b]],
                                     ssems[b], add=True)
                    bn = (b + PD) % NB

                    @pl.when(ch + PD < n_my)
                    def _():
                        @pl.when(ch >= NB - PD)
                        def _():
                            scat_desc(bn).wait()
                        load(ch + PD, bn)
            return carry

        lax.fori_loop(0, (CH_PER_W + NB - 1) // NB, body, 0)
        for b in range(NB):
            scat_desc(b).wait()
        plsc.subcore_barrier()

        pltpu.sync_copy(agg_sh.at[pl.ds(base, ROWS_PER_TILE)],
                        out_hbm.at[cid, pl.ds(base, ROWS_PER_TILE)])

        @pl.when(sid == N_TILES - 1)
        def _():
            pltpu.sync_copy(
                agg_sh.at[pl.ds(N_TILES * ROWS_PER_TILE, TAIL_ROWS)],
                out_hbm.at[cid, pl.ds(N_TILES * ROWS_PER_TILE, TAIL_ROWS)])

    return k(edge_features, dst2d)


def _tc_mlp(node, partials, W1, b1, W2, b2, W3, b3, gamma, beta):
    BLK = 2000
    grid = (N_NODES // BLK,)

    def body(n_ref, p_ref, w1a, w1b, b1r, w2, b2r, w3, b3r, gr, br, o_ref):
        nd = n_ref[...]
        agg = p_ref[0] + p_ref[1]
        h = jnp.dot(nd, w1a[...], preferred_element_type=jnp.float32)
        h += jnp.dot(agg, w1b[...], preferred_element_type=jnp.float32)
        h = jnp.maximum(h + b1r[...], 0.0)
        h = jnp.maximum(jnp.dot(h, w2[...], preferred_element_type=jnp.float32)
                        + b2r[...], 0.0)
        y = jnp.dot(h, w3[...], preferred_element_type=jnp.float32) + b3r[...]
        mu = jnp.mean(y, axis=-1, keepdims=True)
        var = jnp.mean(jnp.square(y - mu), axis=-1, keepdims=True)
        y = (y - mu) * lax.rsqrt(var + 1e-5) * gr[...] + br[...]
        o_ref[...] = nd + y

    return pl.pallas_call(
        body,
        grid=grid,
        in_specs=[
            pl.BlockSpec((BLK, D), lambda i: (i, 0)),
            pl.BlockSpec((2, BLK, D), lambda i: (0, i, 0)),
            pl.BlockSpec((D, 256), lambda i: (0, 0)),
            pl.BlockSpec((D, 256), lambda i: (0, 0)),
            pl.BlockSpec((1, 256), lambda i: (0, 0)),
            pl.BlockSpec((256, 256), lambda i: (0, 0)),
            pl.BlockSpec((1, 256), lambda i: (0, 0)),
            pl.BlockSpec((256, D), lambda i: (0, 0)),
            pl.BlockSpec((1, D), lambda i: (0, 0)),
            pl.BlockSpec((1, D), lambda i: (0, 0)),
            pl.BlockSpec((1, D), lambda i: (0, 0)),
        ],
        out_specs=pl.BlockSpec((BLK, D), lambda i: (i, 0)),
        out_shape=jax.ShapeDtypeStruct((N_NODES, D), jnp.float32),
    )(node, partials, W1[:D], W1[D:], b1.reshape(1, -1), W2,
      b2.reshape(1, -1), W3, b3.reshape(1, -1), gamma.reshape(1, -1),
      beta.reshape(1, -1))


def kernel(edge_features, node_features, edge_index, W1, b1, W2, b2, W3, b3,
           gamma, beta):
    dst3d = edge_index.astype(jnp.int32).reshape(2, N_CHUNKS, CHUNK)
    partials = _sc_scatter(edge_features, dst3d)
    return _tc_mlp(node_features, partials, W1, b1, W2, b2, W3, b3, gamma, beta)

# --- scband reference (transcript-rebuilt; emitter-appended) ---
"""Pipeline reference for scband-mesh-node-block-88510686036701 (READ-ONLY COPY).

The authoritative reference and input builder live on the scoring server;
editing this copy changes nothing except your own understanding.
"""

import jax, jax.numpy as jnp
import numpy as np

N_NODES = 10000
N_EDGES = 320000
D_NODE = 128
D_EDGE = 128
HIDDEN = 256
D_OUT = 128

def setup_inputs(seed: int = 0) -> dict:
    key = jax.random.key(seed)
    ks = jax.random.split(key, 12)
    edge_features = jax.random.normal(ks[0], (N_EDGES, D_EDGE), dtype=jnp.float32)
    node_features = jax.random.normal(ks[1], (N_NODES, D_NODE), dtype=jnp.float32)
    edge_index = jax.random.randint(ks[2], (2, N_EDGES), 0, N_NODES, dtype=jnp.int64)
    d_in = D_NODE + D_EDGE
    W1 = jax.random.normal(ks[3], (d_in, HIDDEN), dtype=jnp.float32) * (1.0 / np.sqrt(d_in))
    b1 = jnp.zeros((HIDDEN,), dtype=jnp.float32)
    W2 = jax.random.normal(ks[4], (HIDDEN, HIDDEN), dtype=jnp.float32) * (1.0 / np.sqrt(HIDDEN))
    b2 = jnp.zeros((HIDDEN,), dtype=jnp.float32)
    W3 = jax.random.normal(ks[5], (HIDDEN, D_OUT), dtype=jnp.float32) * (1.0 / np.sqrt(HIDDEN))
    b3 = jnp.zeros((D_OUT,), dtype=jnp.float32)
    gamma = jnp.ones((D_OUT,), dtype=jnp.float32)
    beta = jnp.zeros((D_OUT,), dtype=jnp.float32)
    return {"edge_features": edge_features, "node_features": node_features, "edge_index": edge_index,
            "W1": W1, "b1": b1, "W2": W2, "b2": b2, "W3": W3, "b3": b3, "gamma": gamma, "beta": beta}

def _layernorm(x, gamma, beta, eps=1e-5):
    mu = jnp.mean(x, axis=-1, keepdims=True)
    var = jnp.mean((x - mu) ** 2, axis=-1, keepdims=True)
    return (x - mu) / jnp.sqrt(var + eps) * gamma + beta

def reference(edge_features, node_features, edge_index, W1, b1, W2, b2, W3, b3, gamma, beta):
    dst = edge_index[1]
    num_nodes = node_features.shape[0]
    agg = jnp.zeros((num_nodes, edge_features.shape[1]), dtype=node_features.dtype).at[dst].add(edge_features)
    node_input = jnp.concatenate([node_features, agg], axis=-1)
    h = jax.nn.relu(node_input @ W1 + b1)
    h = jax.nn.relu(h @ W2 + b2)
    y = h @ W3 + b3
    y = _layernorm(y, gamma, beta)
    return node_features + y

if __name__ == "__main__":
    import jax
    _d = setup_inputs()
    print(jax.jit(kernel)(*tuple(_d.values())))

</pallas_src>

<mosaic_0001>
#map = affine_map<(d0, d1) -> (0, 0)>
#map1 = affine_map<(d0, d1) -> (0, 0, 0)>
module attributes {stable_mosaic.version = 14 : i64} {
  func.func @k(%arg0: i32, %arg1: i32, %arg2: memref<320000x128xf32, #tpu.memory_space<hbm>>, %arg3: memref<2x5000x64xi32, #tpu.memory_space<hbm>>, %arg4: memref<2x10000x128xf32, #tpu.memory_space<hbm>>, %arg5: memref<6x64x128xf32, #tpu.memory_space<vmem>>, %arg6: memref<6x64xi32, #tpu.memory_space<vmem>>, %arg7: memref<10000x128xf32, #tpu.memory_space<vmem_shared>>, %arg8: memref<!tpu.dma_semaphore, #tpu.memory_space<semaphore_mem>>, %arg9: memref<!tpu.dma_semaphore, #tpu.memory_space<semaphore_mem>>, %arg10: memref<!tpu.dma_semaphore, #tpu.memory_space<semaphore_mem>>, %arg11: memref<!tpu.dma_semaphore, #tpu.memory_space<semaphore_mem>>, %arg12: memref<!tpu.dma_semaphore, #tpu.memory_space<semaphore_mem>>, %arg13: memref<!tpu.dma_semaphore, #tpu.memory_space<semaphore_mem>>, %arg14: memref<!tpu.dma_semaphore, #tpu.memory_space<semaphore_mem>>, %arg15: memref<!tpu.dma_semaphore, #tpu.memory_space<semaphore_mem>>, %arg16: memref<!tpu.dma_semaphore, #tpu.memory_space<semaphore_mem>>, %arg17: memref<!tpu.dma_semaphore, #tpu.memory_space<semaphore_mem>>, %arg18: memref<!tpu.dma_semaphore, #tpu.memory_space<semaphore_mem>>, %arg19: memref<!tpu.dma_semaphore, #tpu.memory_space<semaphore_mem>>, %arg20: memref<!tpu.dma_semaphore, #tpu.memory_space<semaphore_mem>>) attributes {dimension_semantics = [#tpu.dimension_semantics<core_parallel>, #tpu.dimension_semantics<subcore_parallel>], iteration_bounds = array<i64: 2, 16>, scalar_prefetch = 0 : i64, scratch_operands = 16 : i64, tpu.core_type = #tpu.core_type<sc_vector_subcore>, window_params = [{transform_indices = #map}, {transform_indices = #map1}, {transform_indices = #map1}]} {
    %mul3A = arith.constant 624 : i32
    %mul3A_0 = arith.muli %arg1, %mul3A : i32
    %mul3A_1 = arith.constant 16 : i32
    %mul3A_2 = arith.muli %arg0, %mul3A_1 : i32
    %add3A = arith.addi %mul3A_2, %arg1 : i32
    %mul3A_3 = arith.constant 160 : i32
    %mul3A_4 = arith.muli %add3A, %mul3A_3 : i32
    %sub3A = arith.constant 5000 : i32
    %sub3A_5 = arith.subi %sub3A, %mul3A_4 : i32
    %min3A = arith.constant 160 : i32
    %min3A_6 = arith.minsi %min3A, %sub3A_5 : i32
    %add3A_7 = arith.constant 0 : i32
    %add3A_8 = arith.addi %mul3A_4, %add3A_7 : i32
    %mul3A_9 = arith.constant 64 : i32
    %mul3A_10 = arith.muli %add3A_8, %mul3A_9 : i32
    %multiple_of3A = tpu.assume_multiple %mul3A_10, 8 : i32
    %dma_start3A = arith.constant 0 : i32
    %dma_start3A_11 = arith.constant 0 : i32
    %dma_start3A_12 = arith.constant 0 : i32
    %dma_start3A_13 = tpu.memref_slice %arg5[%dma_start3A, %dma_start3A_11, %dma_start3A_12] : memref<6x64x128xf32, #tpu.memory_space<vmem>> -> memref<1x64x128xf32, #tpu.memory_space<vmem>>
    %dma_start3A_14 = tpu.memref_squeeze %dma_start3A_13 : memref<1x64x128xf32, #tpu.memory_space<vmem>> -> memref<64x128xf32, #tpu.memory_space<vmem>>
    %dma_start3A_15 = arith.constant 0 : i32
    %dma_start3A_16 = tpu.memref_slice %arg2[%multiple_of3A, %dma_start3A_15] : memref<320000x128xf32, #tpu.memory_space<hbm>> -> memref<64x128xf32, #tpu.memory_space<hbm>>
    %dma_start3A_17 = arith.constant 0 : i32
    %dma_start3A_18 = arith.constant 0 : i32
    %dma_start3A_19 = tpu.memref_slice %arg5[%dma_start3A, %dma_start3A_17, %dma_start3A_18] : memref<6x64x128xf32, #tpu.memory_space<vmem>> -> memref<1x64x128xf32, #tpu.memory_space<vmem>>
    %dma_start3A_20 = tpu.memref_squeeze %dma_start3A_19 : memref<1x64x128xf32, #tpu.memory_space<vmem>> -> memref<64x128xf32, #tpu.memory_space<vmem>>
    %dma_start3A_21 = arith.constant 0 : i32
    %dma_start3A_22 = tpu.memref_slice %arg2[%multiple_of3A, %dma_start3A_21] : memref<320000x128xf32, #tpu.memory_space<hbm>> -> memref<64x128xf32, #tpu.memory_space<hbm>>
    tpu.enqueue_dma source(%dma_start3A_22 : memref<64x128xf32, #tpu.memory_space<hbm>>) target(%dma_start3A_20 : memref<64x128xf32, #tpu.memory_space<vmem>>) target_semaphore(%arg8 : memref<!tpu.dma_semaphore, #tpu.memory_space<semaphore_mem>>)
    %add3A_23 = arith.constant 0 : i32
    %add3A_24 = arith.addi %mul3A_4, %add3A_23 : i32
    %dma_start3A_25 = arith.constant 1 : i32
    %dma_start3A_26 = arith.constant 0 : i32
    %dma_start3A_27 = arith.constant 0 : i32
    %dma_start3A_28 = tpu.memref_slice %arg6[%dma_start3A_26, %dma_start3A_27] : memref<6x64xi32, #tpu.memory_space<vmem>> -> memref<1x64xi32, #tpu.memory_space<vmem>>
    %dma_start3A_29 = tpu.memref_squeeze %dma_start3A_28 : memref<1x64xi32, #tpu.memory_space<vmem>> -> memref<64xi32, #tpu.memory_space<vmem>>
    %dma_start3A_30 = arith.constant 0 : i32
    %dma_start3A_31 = tpu.memref_slice %arg3[%dma_start3A_25, %add3A_24, %dma_start3A_30] : memref<2x5000x64xi32, #tpu.memory_space<hbm>> -> memref<1x1x64xi32, #tpu.memory_space<hbm>>
    %dma_start3A_32 = tpu.memref_squeeze %dma_start3A_31 : memref<1x1x64xi32, #tpu.memory_space<hbm>> -> memref<64xi32, #tpu.memory_space<hbm>>
    %dma_start3A_33 = arith.constant 0 : i32
    %dma_start3A_34 = tpu.memref_slice %arg6[%dma_start3A_26, %dma_start3A_33] : memref<6x64xi32, #tpu.memory_space<vmem>> -> memref<1x64xi32, #tpu.memory_space<vmem>>
    %dma_start3A_35 = tpu.memref_squeeze %dma_start3A_34 : memref<1x64xi32, #tpu.memory_space<vmem>> -> memref<64xi32, #tpu.memory_space<vmem>>
    %dma_start3A_36 = arith.constant 0 : i32
    %dma_start3A_37 = tpu.memref_slice %arg3[%dma_start3A_25, %add3A_24, %dma_start3A_36] : memref<2x5000x64xi32, #tpu.memory_space<hbm>> -> memref<1x1x64xi32, #tpu.memory_space<hbm>>
    %dma_start3A_38 = tpu.memref_squeeze %dma_start3A_37 : memref<1x1x64xi32, #tpu.memory_space<hbm>> -> memref<64xi32, #tpu.memory_space<hbm>>
    tpu.enqueue_dma source(%dma_start3A_38 : memref<64xi32, #tpu.memory_space<hbm>>) target(%dma_start3A_35 : memref<64xi32, #tpu.memory_space<vmem>>) target_semaphore(%arg8 : memref<!tpu.dma_semaphore, #tpu.memory_space<semaphore_mem>>)
    %add3A_39 = arith.constant 1 : i32
    %add3A_40 = arith.addi %mul3A_4, %add3A_39 : i32
    %mul3A_41 = arith.constant 64 : i32
    %mul3A_42 = arith.muli %add3A_40, %mul3A_41 : i32
    %multiple_of3A_43 = tpu.assume_multiple %mul3A_42, 8 : i32
    %dma_start3A_44 = arith.constant 1 : i32
    %dma_start3A_45 = arith.constant 0 : i32
    %dma_start3A_46 = arith.constant 0 : i32
    %dma_start3A_47 = tpu.memref_slice %arg5[%dma_start3A_44, %dma_start3A_45, %dma_start3A_46] : memref<6x64x128xf32, #tpu.memory_space<vmem>> -> memref<1x64x128xf32, #tpu.memory_space<vmem>>
    %dma_start3A_48 = tpu.memref_squeeze %dma_start3A_47 : memref<1x64x128xf32, #tpu.memory_space<vmem>> -> memref<64x128xf32, #tpu.memory_space<vmem>>
    %dma_start3A_49 = arith.constant 0 : i32
    %dma_start3A_50 = tpu.memref_slice %arg2[%multiple_of3A_43, %dma_start3A_49] : memref<320000x128xf32, #tpu.memory_space<hbm>> -> memref<64x128xf32, #tpu.memory_space<hbm>>
    %dma_start3A_51 = arith.constant 0 : i32
    %dma_start3A_52 = arith.constant 0 : i32
    %dma_start3A_53 = tpu.memref_slice %arg5[%dma_start3A_44, %dma_start3A_51, %dma_start3A_52] : memref<6x64x128xf32, #tpu.memory_space<vmem>> -> memref<1x64x128xf32, #tpu.memory_space<vmem>>
    %dma_start3A_54 = tpu.memref_squeeze %dma_start3A_53 : memref<1x64x128xf32, #tpu.memory_space<vmem>> -> memref<64x128xf32, #tpu.memory_space<vmem>>
    %dma_start3A_55 = arith.constant 0 : i32
    %dma_start3A_56 = tpu.memref_slice %arg2[%multiple_of3A_43, %dma_start3A_55] : memref<320000x128xf32, #tpu.memory_space<hbm>> -> memref<64x128xf32, #tpu.memory_space<hbm>>
    tpu.enqueue_dma source(%dma_start3A_56 : memref<64x128xf32, #tpu.memory_space<hbm>>) target(%dma_start3A_54 : memref<64x128xf32, #tpu.memory_space<vmem>>) target_semaphore(%arg9 : memref<!tpu.dma_semaphore, #tpu.memory_space<semaphore_mem>>)
    %add3A_57 = arith.constant 1 : i32
    %add3A_58 = arith.addi %mul3A_4, %add3A_57 : i32
    %dma_start3A_59 = arith.constant 1 : i32
    %dma_start3A_60 = arith.constant 1 : i32
    %dma_start3A_61 = arith.constant 0 : i32
    %dma_start3A_62 = tpu.memref_slice %arg6[%dma_start3A_60, %dma_start3A_61] : memref<6x64xi32, #tpu.memory_space<vmem>> -> memref<1x64xi32, #tpu.memory_space<vmem>>
    %dma_start3A_63 = tpu.memref_squeeze %dma_start3A_62 : memref<1x64xi32, #tpu.memory_space<vmem>> -> memref<64xi32, #tpu.memory_space<vmem>>
    %dma_start3A_64 = arith.constant 0 : i32
    %dma_start3A_65 = tpu.memref_slice %arg3[%dma_start3A_59, %add3A_58, %dma_start3A_64] : memref<2x5000x64xi32, #tpu.memory_space<hbm>> -> memref<1x1x64xi32, #tpu.memory_space<hbm>>
    %dma_start3A_66 = tpu.memref_squeeze %dma_start3A_65 : memref<1x1x64xi32, #tpu.memory_space<hbm>> -> memref<64xi32, #tpu.memory_space<hbm>>
    %dma_start3A_67 = arith.constant 0 : i32
    %dma_start3A_68 = tpu.memref_slice %arg6[%dma_start3A_60, %dma_start3A_67] : memref<6x64xi32, #tpu.memory_space<vmem>> -> memref<1x64xi32, #tpu.memory_space<vmem>>
    %dma_start3A_69 = tpu.memref_squeeze %dma_start3A_68 : memref<1x64xi32, #tpu.memory_space<vmem>> -> memref<64xi32, #tpu.memory_space<vmem>>
    %dma_start3A_70 = arith.constant 0 : i32
    %dma_start3A_71 = tpu.memref_slice %arg3[%dma_start3A_59, %add3A_58, %dma_start3A_70] : memref<2x5000x64xi32, #tpu.memory_space<hbm>> -> memref<1x1x64xi32, #tpu.memory_space<hbm>>
    %dma_start3A_72 = tpu.memref_squeeze %dma_start3A_71 : memref<1x1x64xi32, #tpu.memory_space<hbm>> -> memref<64xi32, #tpu.memory_space<hbm>>
    tpu.enqueue_dma source(%dma_start3A_72 : memref<64xi32, #tpu.memory_space<hbm>>) target(%dma_start3A_69 : memref<64xi32, #tpu.memory_space<vmem>>) target_semaphore(%arg9 : memref<!tpu.dma_semaphore, #tpu.memory_space<semaphore_mem>>)
    %add3A_73 = arith.constant 2 : i32
    %add3A_74 = arith.addi %mul3A_4, %add3A_73 : i32
    %mul3A_75 = arith.constant 64 : i32
    %mul3A_76 = arith.muli %add3A_74, %mul3A_75 : i32
    %multiple_of3A_77 = tpu.assume_multiple %mul3A_76, 8 : i32
    %dma_start3A_78 = arith.constant 2 : i32
    %dma_start3A_79 = arith.constant 0 : i32
    %dma_start3A_80 = arith.constant 0 : i32
    %dma_start3A_81 = tpu.memref_slice %arg5[%dma_start3A_78, %dma_start3A_79, %dma_start3A_80] : memref<6x64x128xf32, #tpu.memory_space<vmem>> -> memref<1x64x128xf32, #tpu.memory_space<vmem>>
    %dma_start3A_82 = tpu.memref_squeeze %dma_start3A_81 : memref<1x64x128xf32, #tpu.memory_space<vmem>> -> memref<64x128xf32, #tpu.memory_space<vmem>>
    %dma_start3A_83 = arith.constant 0 : i32
    %dma_start3A_84 = tpu.memref_slice %arg2[%multiple_of3A_77, %dma_start3A_83] : memref<320000x128xf32, #tpu.memory_space<hbm>> -> memref<64x128xf32, #tpu.memory_space<hbm>>
    %dma_start3A_85 = arith.constant 0 : i32
    %dma_start3A_86 = arith.constant 0 : i32
    %dma_start3A_87 = tpu.memref_slice %arg5[%dma_start3A_78, %dma_start3A_85, %dma_start3A_86] : memref<6x64x128xf32, #tpu.memory_space<vmem>> -> memref<1x64x128xf32, #tpu.memory_space<vmem>>
    %dma_start3A_88 = tpu.memref_squeeze %dma_start3A_87 : memref<1x64x128xf32, #tpu.memory_space<vmem>> -> memref<64x128xf32, #tpu.memory_space<vmem>>
    %dma_start3A_89 = arith.constant 0 : i32
    %dma_start3A_90 = tpu.memref_slice %arg2[%multiple_of3A_77, %dma_start3A_89] : memref<320000x128xf32, #tpu.memory_space<hbm>> -> memref<64x128xf32, #tpu.memory_space<hbm>>
    tpu.enqueue_dma source(%dma_start3A_90 : memref<64x128xf32, #tpu.memory_space<hbm>>) target(%dma_start3A_88 : memref<64x128xf32, #tpu.memory_space<vmem>>) target_semaphore(%arg10 : memref<!tpu.dma_semaphore, #tpu.memory_space<semaphore_mem>>)
    %add3A_91 = arith.constant 2 : i32
    %add3A_92 = arith.addi %mul3A_4, %add3A_91 : i32
    %dma_start3A_93 = arith.constant 1 : i32
    %dma_start3A_94 = arith.constant 2 : i32
    %dma_start3A_95 = arith.constant 0 : i32
    %dma_start3A_96 = tpu.memref_slice %arg6[%dma_start3A_94, %dma_start3A_95] : memref<6x64xi32, #tpu.memory_space<vmem>> -> memref<1x64xi32, #tpu.memory_space<vmem>>
    %dma_start3A_97 = tpu.memref_squeeze %dma_start3A_96 : memref<1x64xi32, #tpu.memory_space<vmem>> -> memref<64xi32, #tpu.memory_space<vmem>>
    %dma_start3A_98 = arith.constant 0 : i32
    %dma_start3A_99 = tpu.memref_slice %arg3[%dma_start3A_93, %add3A_92, %dma_start3A_98] : memref<2x5000x64xi32, #tpu.memory_space<hbm>> -> memref<1x1x64xi32, #tpu.memory_space<hbm>>
    %dma_start3A_100 = tpu.memref_squeeze %dma_start3A_99 : memref<1x1x64xi32, #tpu.memory_space<hbm>> -> memref<64xi32, #tpu.memory_space<hbm>>
    %dma_start3A_101 = arith.constant 0 : i32
    %dma_start3A_102 = tpu.memref_slice %arg6[%dma_start3A_94, %dma_start3A_101] : memref<6x64xi32, #tpu.memory_space<vmem>> -> memref<1x64xi32, #tpu.memory_space<vmem>>
    %dma_start3A_103 = tpu.memref_squeeze %dma_start3A_102 : memref<1x64xi32, #tpu.memory_space<vmem>> -> memref<64xi32, #tpu.memory_space<vmem>>
    %dma_start3A_104 = arith.constant 0 : i32
    %dma_start3A_105 = tpu.memref_slice %arg3[%dma_start3A_93, %add3A_92, %dma_start3A_104] : memref<2x5000x64xi32, #tpu.memory_space<hbm>> -> memref<1x1x64xi32, #tpu.memory_space<hbm>>
    %dma_start3A_106 = tpu.memref_squeeze %dma_start3A_105 : memref<1x1x64xi32, #tpu.memory_space<hbm>> -> memref<64xi32, #tpu.memory_space<hbm>>
    tpu.enqueue_dma source(%dma_start3A_106 : memref<64xi32, #tpu.memory_space<hbm>>) target(%dma_start3A_103 : memref<64xi32, #tpu.memory_space<vmem>>) target_semaphore(%arg10 : memref<!tpu.dma_semaphore, #tpu.memory_space<semaphore_mem>>)
    %add3A_107 = arith.constant 3 : i32
    %add3A_108 = arith.addi %mul3A_4, %add3A_107 : i32
    %mul3A_109 = arith.constant 64 : i32
    %mul3A_110 = arith.muli %add3A_108, %mul3A_109 : i32
    %multiple_of3A_111 = tpu.assume_multiple %mul3A_110, 8 : i32
    %dma_start3A_112 = arith.constant 3 : i32
    %dma_start3A_113 = arith.constant 0 : i32
    %dma_start3A_114 = arith.constant 0 : i32
    %dma_start3A_115 = tpu.memref_slice %arg5[%dma_start3A_112, %dma_start3A_113, %dma_start3A_114] : memref<6x64x128xf32, #tpu.memory_space<vmem>> -> memref<1x64x128xf32, #tpu.memory_space<vmem>>
    %dma_start3A_116 = tpu.memref_squeeze %dma_start3A_115 : memref<1x64x128xf32, #tpu.memory_space<vmem>> -> memref<64x128xf32, #tpu.memory_space<vmem>>
    %dma_start3A_117 = arith.constant 0 : i32
    %dma_start3A_118 = tpu.memref_slice %arg2[%multiple_of3A_111, %dma_start3A_117] : memref<320000x128xf32, #tpu.memory_space<hbm>> -> memref<64x128xf32, #tpu.memory_space<hbm>>
    %dma_start3A_119 = arith.constant 0 : i32
    %dma_start3A_120 = arith.constant 0 : i32
    %dma_start3A_121 = tpu.memref_slice %arg5[%dma_start3A_112, %dma_start3A_119, %dma_start3A_120] : memref<6x64x128xf32, #tpu.memory_space<vmem>> -> memref<1x64x128xf32, #tpu.memory_space<vmem>>
    %dma_start3A_122 = tpu.memref_squeeze %dma_start3A_121 : memref<1x64x128xf32, #tpu.memory_space<vmem>> -> memref<64x128xf32, #tpu.memory_space<vmem>>
    %dma_start3A_123 = arith.constant 0 : i32
    %dma_start3A_124 = tpu.memref_slice %arg2[%multiple_of3A_111, %dma_start3A_123] : memref<320000x128xf32, #tpu.memory_space<hbm>> -> memref<64x128xf32, #tpu.memory_space<hbm>>
    tpu.enqueue_dma source(%dma_start3A_124 : memref<64x128xf32, #tpu.memory_space<hbm>>) target(%dma_start3A_122 : memref<64x128xf32, #tpu.memory_space<vmem>>) target_semaphore(%arg11 : memref<!tpu.dma_semaphore, #tpu.memory_space<semaphore_mem>>)
    %add3A_125 = arith.constant 3 : i32
    %add3A_126 = arith.addi %mul3A_4, %add3A_125 : i32
    %dma_start3A_127 = arith.constant 1 : i32
    %dma_start3A_128 = arith.constant 3 : i32
    %dma_start3A_129 = arith.constant 0 : i32
    %dma_start3A_130 = tpu.memref_slice %arg6[%dma_start3A_128, %dma_start3A_129] : memref<6x64xi32, #tpu.memory_space<vmem>> -> memref<1x64xi32, #tpu.memory_space<vmem>>
    %dma_start3A_131 = tpu.memref_squeeze %dma_start3A_130 : memref<1x64xi32, #tpu.memory_space<vmem>> -> memref<64xi32, #tpu.memory_space<vmem>>
    %dma_start3A_132 = arith.constant 0 : i32
    %dma_start3A_133 = tpu.memref_slice %arg3[%dma_start3A_127, %add3A_126, %dma_start3A_132] : memref<2x5000x64xi32, #tpu.memory_space<hbm>> -> memref<1x1x64xi32, #tpu.memory_space<hbm>>
    %dma_start3A_134 = tpu.memref_squeeze %dma_start3A_133 : memref<1x1x64xi32, #tpu.memory_space<hbm>> -> memref<64xi32, #tpu.memory_space<hbm>>
    %dma_start3A_135 = arith.constant 0 : i32
    %dma_start3A_136 = tpu.memref_slice %arg6[%dma_start3A_128, %dma_start3A_135] : memref<6x64xi32, #tpu.memory_space<vmem>> -> memref<1x64xi32, #tpu.memory_space<vmem>>
    %dma_start3A_137 = tpu.memref_squeeze %dma_start3A_136 : memref<1x64xi32, #tpu.memory_space<vmem>> -> memref<64xi32, #tpu.memory_space<vmem>>
    %dma_start3A_138 = arith.constant 0 : i32
    %dma_start3A_139 = tpu.memref_slice %arg3[%dma_start3A_127, %add3A_126, %dma_start3A_138] : memref<2x5000x64xi32, #tpu.memory_space<hbm>> -> memref<1x1x64xi32, #tpu.memory_space<hbm>>
    %dma_start3A_140 = tpu.memref_squeeze %dma_start3A_139 : memref<1x1x64xi32, #tpu.memory_space<hbm>> -> memref<64xi32, #tpu.memory_space<hbm>>
    tpu.enqueue_dma source(%dma_start3A_140 : memref<64xi32, #tpu.memory_space<hbm>>) target(%dma_start3A_137 : memref<64xi32, #tpu.memory_space<vmem>>) target_semaphore(%arg11 : memref<!tpu.dma_semaphore, #tpu.memory_space<semaphore_mem>>)
    %add3A_141 = arith.constant 4 : i32
    %add3A_142 = arith.addi %mul3A_4, %add3A_141 : i32
    %mul3A_143 = arith.constant 64 : i32
    %mul3A_144 = arith.muli %add3A_142, %mul3A_143 : i32
    %multiple_of3A_145 = tpu.assume_multiple %mul3A_144, 8 : i32
    %dma_start3A_146 = arith.constant 4 : i32
    %dma_start3A_147 = arith.constant 0 : i32
    %dma_start3A_148 = arith.constant 0 : i32
    %dma_start3A_149 = tpu.memref_slice %arg5[%dma_start3A_146, %dma_start3A_147, %dma_start3A_148] : memref<6x64x128xf32, #tpu.memory_space<vmem>> -> memref<1x64x128xf32, #tpu.memory_space<vmem>>
    %dma_start3A_150 = tpu.memref_squeeze %dma_start3A_149 : memref<1x64x128xf32, #tpu.memory_space<vmem>> -> memref<64x128xf32, #tpu.memory_space<vmem>>
    %dma_start3A_151 = arith.constant 0 : i32
    %dma_start3A_152 = tpu.memref_slice %arg2[%multiple_of3A_145, %dma_start3A_151] : memref<320000x128xf32, #tpu.memory_space<hbm>> -> memref<64x128xf32, #tpu.memory_space<hbm>>
    %dma_start3A_153 = arith.constant 0 : i32
    %dma_start3A_154 = arith.constant 0 : i32
    %dma_start3A_155 = tpu.memref_slice %arg5[%dma_start3A_146, %dma_start3A_153, %dma_start3A_154] : memref<6x64x128xf32, #tpu.memory_space<vmem>> -> memref<1x64x128xf32, #tpu.memory_space<vmem>>
    %dma_start3A_156 = tpu.memref_squeeze %dma_start3A_155 : memref<1x64x128xf32, #tpu.memory_space<vmem>> -> memref<64x128xf32, #tpu.memory_space<vmem>>
    %dma_start3A_157 = arith.constant 0 : i32
    %dma_start3A_158 = tpu.memref_slice %arg2[%multiple_of3A_145, %dma_start3A_157] : memref<320000x128xf32, #tpu.memory_space<hbm>> -> memref<64x128xf32, #tpu.memory_space<hbm>>
    tpu.enqueue_dma source(%dma_start3A_158 : memref<64x128xf32, #tpu.memory_space<hbm>>) target(%dma_start3A_156 : memref<64x128xf32, #tpu.memory_space<vmem>>) target_semaphore(%arg12 : memref<!tpu.dma_semaphore, #tpu.memory_space<semaphore_mem>>)
    %add3A_159 = arith.constant 4 : i32
    %add3A_160 = arith.addi %mul3A_4, %add3A_159 : i32
    %dma_start3A_161 = arith.constant 1 : i32
    %dma_start3A_162 = arith.constant 4 : i32
    %dma_start3A_163 = arith.constant 0 : i32
    %dma_start3A_164 = tpu.memref_slice %arg6[%dma_start3A_162, %dma_start3A_163] : memref<6x64xi32, #tpu.memory_space<vmem>> -> memref<1x64xi32, #tpu.memory_space<vmem>>
    %dma_start3A_165 = tpu.memref_squeeze %dma_start3A_164 : memref<1x64xi32, #tpu.memory_space<vmem>> -> memref<64xi32, #tpu.memory_space<vmem>>
    %dma_start3A_166 = arith.constant 0 : i32
    %dma_start3A_167 = tpu.memref_slice %arg3[%dma_start3A_161, %add3A_160, %dma_start3A_166] : memref<2x5000x64xi32, #tpu.memory_space<hbm>> -> memref<1x1x64xi32, #tpu.memory_space<hbm>>
    %dma_start3A_168 = tpu.memref_squeeze %dma_start3A_167 : memref<1x1x64xi32, #tpu.memory_space<hbm>> -> memref<64xi32, #tpu.memory_space<hbm>>
    %dma_start3A_169 = arith.constant 0 : i32
    %dma_start3A_170 = tpu.memref_slice %arg6[%dma_start3A_162, %dma_start3A_169] : memref<6x64xi32, #tpu.memory_space<vmem>> -> memref<1x64xi32, #tpu.memory_space<vmem>>
    %dma_start3A_171 = tpu.memref_squeeze %dma_start3A_170 : memref<1x64xi32, #tpu.memory_space<vmem>> -> memref<64xi32, #tpu.memory_space<vmem>>
    %dma_start3A_172 = arith.constant 0 : i32
    %dma_start3A_173 = tpu.memref_slice %arg3[%dma_start3A_161, %add3A_160, %dma_start3A_172] : memref<2x5000x64xi32, #tpu.memory_space<hbm>> -> memref<1x1x64xi32, #tpu.memory_space<hbm>>
    %dma_start3A_174 = tpu.memref_squeeze %dma_start3A_173 : memref<1x1x64xi32, #tpu.memory_space<hbm>> -> memref<64xi32, #tpu.memory_space<hbm>>
    tpu.enqueue_dma source(%dma_start3A_174 : memref<64xi32, #tpu.memory_space<hbm>>) target(%dma_start3A_171 : memref<64xi32, #tpu.memory_space<vmem>>) target_semaphore(%arg12 : memref<!tpu.dma_semaphore, #tpu.memory_space<semaphore_mem>>)
    %scan3A = arith.constant 0 : i32
    %scan3A_175 = arith.constant 0 : i32
    %scan3A_176 = arith.constant 64 : i32
    %scan3A_177 = arith.addi %scan3A_175, %scan3A_176 : i32
    %scan3A_178 = arith.constant 1 : i32
    scf.for %scan3A_550 = %scan3A_175 to %scan3A_177 step %scan3A_178  : i32 {
      %broadcast_in_dim3A = arith.constant 0.000000e+00 : f32
      %broadcast_in_dim3A_551 = vector.broadcast %broadcast_in_dim3A : f32 to vector<16xf32>
      %swap3A = arith.constant 5 : i32
      %swap3A_552 = arith.index_cast %swap3A : i32 to index
      %swap3A_553 = arith.index_cast %scan3A_550 : i32 to index
      %swap3A_554 = arith.constant 0 : index
      %swap3A_555 = tpu.vector_load %arg5[%swap3A_552, %swap3A_553, %swap3A_554] {strides = array<i32>} : memref<6x64x128xf32, #tpu.memory_space<vmem>>, vector<1x1x16xf32>,
      %swap3A_556 = vector.shape_cast %swap3A_555 : vector<1x1x16xf32> to vector<16xf32>
      %swap3A_557 = vector.shape_cast %broadcast_in_dim3A_551 : vector<16xf32> to vector<1x1x16xf32>
      tpu.vector_store %arg5[%swap3A_552, %swap3A_553, %swap3A_554], %swap3A_557 {strides = array<i32>} : memref<6x64x128xf32, #tpu.memory_space<vmem>>, vector<1x1x16xf32>,
      %broadcast_in_dim3A_558 = arith.constant 0.000000e+00 : f32
      %broadcast_in_dim3A_559 = vector.broadcast %broadcast_in_dim3A_558 : f32 to vector<16xf32>
      %swap3A_560 = arith.constant 5 : i32
      %swap3A_561 = arith.index_cast %swap3A_560 : i32 to index
      %swap3A_562 = arith.index_cast %scan3A_550 : i32 to index
      %swap3A_563 = arith.constant 16 : index
      %swap3A_564 = tpu.vector_load %arg5[%swap3A_561, %swap3A_562, %swap3A_563] {strides = array<i32>} : memref<6x64x128xf32, #tpu.memory_space<vmem>>, vector<1x1x16xf32>,
      %swap3A_565 = vector.shape_cast %swap3A_564 : vector<1x1x16xf32> to vector<16xf32>
      %swap3A_566 = vector.shape_cast %broadcast_in_dim3A_559 : vector<16xf32> to vector<1x1x16xf32>
      tpu.vector_store %arg5[%swap3A_561, %swap3A_562, %swap3A_563], %swap3A_566 {strides = array<i32>} : memref<6x64x128xf32, #tpu.memory_space<vmem>>, vector<1x1x16xf32>,
      %broadcast_in_dim3A_567 = arith.constant 0.000000e+00 : f32
      %broadcast_in_dim3A_568 = vector.broadcast %broadcast_in_dim3A_567 : f32 to vector<16xf32>
      %swap3A_569 = arith.constant 5 : i32
      %swap3A_570 = arith.index_cast %swap3A_569 : i32 to index
      %swap3A_571 = arith.index_cast %scan3A_550 : i32 to index
      %swap3A_572 = arith.constant 32 : index
      %swap3A_573 = tpu.vector_load %arg5[%swap3A_570, %swap3A_571, %swap3A_572] {strides = array<i32>} : memref<6x64x128xf32, #tpu.memory_space<vmem>>, vector<1x1x16xf32>,
      %swap3A_574 = vector.shape_cast %swap3A_573 : vector<1x1x16xf32> to vector<16xf32>
      %swap3A_575 = vector.shape_cast %broadcast_in_dim3A_568 : vector<16xf32> to vector<1x1x16xf32>
      tpu.vector_store %arg5[%swap3A_570, %swap3A_571, %swap3A_572], %swap3A_575 {strides = array<i32>} : memref<6x64x128xf32, #tpu.memory_space<vmem>>, vector<1x1x16xf32>,
      %broadcast_in_dim3A_576 = arith.constant 0.000000e+00 : f32
      %broadcast_in_dim3A_577 = vector.broadcast %broadcast_in_dim3A_576 : f32 to vector<16xf32>
      %swap3A_578 = arith.constant 5 : i32
      %swap3A_579 = arith.index_cast %swap3A_578 : i32 to index
      %swap3A_580 = arith.index_cast %scan3A_550 : i32 to index
      %swap3A_581 = arith.constant 48 : index
      %swap3A_582 = tpu.vector_load %arg5[%swap3A_579, %swap3A_580, %swap3A_581] {strides = array<i32>} : memref<6x64x128xf32, #tpu.memory_space<vmem>>, vector<1x1x16xf32>,
      %swap3A_583 = vector.shape_cast %swap3A_582 : vector<1x1x16xf32> to vector<16xf32>
      %swap3A_584 = vector.shape_cast %broadcast_in_dim3A_577 : vector<16xf32> to vector<1x1x16xf32>
      tpu.vector_store %arg5[%swap3A_579, %swap3A_580, %swap3A_581], %swap3A_584 {strides = array<i32>} : memref<6x64x128xf32, #tpu.memory_space<vmem>>, vector<1x1x16xf32>,
      %broadcast_in_dim3A_585 = arith.constant 0.000000e+00 : f32
      %broadcast_in_dim3A_586 = vector.broadcast %broadcast_in_dim3A_585 : f32 to vector<16xf32>
      %swap3A_587 = arith.constant 5 : i32
      %swap3A_588 = arith.index_cast %swap3A_587 : i32 to index
      %swap3A_589 = arith.index_cast %scan3A_550 : i32 to index
      %swap3A_590 = arith.constant 64 : index
      %swap3A_591 = tpu.vector_load %arg5[%swap3A_588, %swap3A_589, %swap3A_590] {strides = array<i32>} : memref<6x64x128xf32, #tpu.memory_space<vmem>>, vector<1x1x16xf32>,
      %swap3A_592 = vector.shape_cast %swap3A_591 : vector<1x1x16xf32> to vector<16xf32>
      %swap3A_593 = vector.shape_cast %broadcast_in_dim3A_586 : vector<16xf32> to vector<1x1x16xf32>
      tpu.vector_store %arg5[%swap3A_588, %swap3A_589, %swap3A_590], %swap3A_593 {strides = array<i32>} : memref<6x64x128xf32, #tpu.memory_space<vmem>>, vector<1x1x16xf32>,
      %broadcast_in_dim3A_594 = arith.constant 0.000000e+00 : f32
      %broadcast_in_dim3A_595 = vector.broadcast %broadcast_in_dim3A_594 : f32 to vector<16xf32>
      %swap3A_596 = arith.constant 5 : i32
      %swap3A_597 = arith.index_cast %swap3A_596 : i32 to index
      %swap3A_598 = arith.index_cast %scan3A_550 : i32 to index
      %swap3A_599 = arith.constant 80 : index
      %swap3A_600 = tpu.vector_load %arg5[%swap3A_597, %swap3A_598, %swap3A_599] {strides = array<i32>} : memref<6x64x128xf32, #tpu.memory_space<vmem>>, vector<1x1x16xf32>,
      %swap3A_601 = vector.shape_cast %swap3A_600 : vector<1x1x16xf32> to vector<16xf32>
      %swap3A_602 = vector.shape_cast %broadcast_in_dim3A_595 : vector<16xf32> to vector<1x1x16xf32>
      tpu.vector_store %arg5[%swap3A_597, %swap3A_598, %swap3A_599], %swap3A_602 {strides = array<i32>} : memref<6x64x128xf32, #tpu.memory_space<vmem>>, vector<1x1x16xf32>,
      %broadcast_in_dim3A_603 = arith.constant 0.000000e+00 : f32
      %broadcast_in_dim3A_604 = vector.broadcast %broadcast_in_dim3A_603 : f32 to vector<16xf32>
      %swap3A_605 = arith.constant 5 : i32
      %swap3A_606 = arith.index_cast %swap3A_605 : i32 to index
      %swap3A_607 = arith.index_cast %scan3A_550 : i32 to index
      %swap3A_608 = arith.constant 96 : index
      %swap3A_609 = tpu.vector_load %arg5[%swap3A_606, %swap3A_607, %swap3A_608] {strides = array<i32>} : memref<6x64x128xf32, #tpu.memory_space<vmem>>, vector<1x1x16xf32>,
      %swap3A_610 = vector.shape_cast %swap3A_609 : vector<1x1x16xf32> to vector<16xf32>
      %swap3A_611 = vector.shape_cast %broadcast_in_dim3A_604 : vector<16xf32> to vector<1x1x16xf32>
      tpu.vector_store %arg5[%swap3A_606, %swap3A_607, %swap3A_608], %swap3A_611 {strides = array<i32>} : memref<6x64x128xf32, #tpu.memory_space<vmem>>, vector<1x1x16xf32>,
      %broadcast_in_dim3A_612 = arith.constant 0.000000e+00 : f32
      %broadcast_in_dim3A_613 = vector.broadcast %broadcast_in_dim3A_612 : f32 to vector<16xf32>
      %swap3A_614 = arith.constant 5 : i32
      %swap3A_615 = arith.index_cast %swap3A_614 : i32 to index
      %swap3A_616 = arith.index_cast %scan3A_550 : i32 to index
      %swap3A_617 = arith.constant 112 : index
      %swap3A_618 = tpu.vector_load %arg5[%swap3A_615, %swap3A_616, %swap3A_617] {strides = array<i32>} : memref<6x64x128xf32, #tpu.memory_space<vmem>>, vector<1x1x16xf32>,
      %swap3A_619 = vector.shape_cast %swap3A_618 : vector<1x1x16xf32> to vector<16xf32>
      %swap3A_620 = vector.shape_cast %broadcast_in_dim3A_613 : vector<16xf32> to vector<1x1x16xf32>
      tpu.vector_store %arg5[%swap3A_615, %swap3A_616, %swap3A_617], %swap3A_620 {strides = array<i32>} : memref<6x64x128xf32, #tpu.memory_space<vmem>>, vector<1x1x16xf32>,
    }
    %scan3A_179 = arith.constant 64 : i32
    %add3A_180 = arith.constant 0 : i32
    %add3A_181 = arith.addi %mul3A_0, %add3A_180 : i32
    %add3A_182 = arith.constant 64 : i32
    %add3A_183 = arith.addi %mul3A_0, %add3A_182 : i32
    %add3A_184 = arith.constant 128 : i32
    %add3A_185 = arith.addi %mul3A_0, %add3A_184 : i32
    %add3A_186 = arith.constant 192 : i32
    %add3A_187 = arith.addi %mul3A_0, %add3A_186 : i32
    %add3A_188 = arith.constant 256 : i32
    %add3A_189 = arith.addi %mul3A_0, %add3A_188 : i32
    %add3A_190 = arith.constant 320 : i32
    %add3A_191 = arith.addi %mul3A_0, %add3A_190 : i32
    %add3A_192 = arith.constant 384 : i32
    %add3A_193 = arith.addi %mul3A_0, %add3A_192 : i32
    %add3A_194 = arith.constant 448 : i32
    %add3A_195 = arith.addi %mul3A_0, %add3A_194 : i32
    %add3A_196 = arith.constant 512 : i32
    %add3A_197 = arith.addi %mul3A_0, %add3A_196 : i32
    %add3A_198 = arith.constant 576 : i32
    %add3A_199 = arith.addi %mul3A_0, %add3A_198 : i32
    %dma_start3A_200 = arith.constant 5 : i32
    %dma_start3A_201 = arith.constant 0 : i32
    %dma_start3A_202 = arith.constant 0 : i32
    %dma_start3A_203 = tpu.memref_slice %arg5[%dma_start3A_200, %dma_start3A_201, %dma_start3A_202] : memref<6x64x128xf32, #tpu.memory_space<vmem>> -> memref<1x64x128xf32, #tpu.memory_space<vmem>>
    %dma_start3A_204 = tpu.memref_squeeze %dma_start3A_203 : memref<1x64x128xf32, #tpu.memory_space<vmem>> -> memref<64x128xf32, #tpu.memory_space<vmem>>
    %dma_start3A_205 = arith.constant 0 : i32
    %dma_start3A_206 = tpu.memref_slice %arg7[%add3A_181, %dma_start3A_205] : memref<10000x128xf32, #tpu.memory_space<vmem_shared>> -> memref<64x128xf32, #tpu.memory_space<vmem_shared>>
    %dma_start3A_207 = arith.constant 0 : i32
    %dma_start3A_208 = tpu.memref_slice %arg7[%add3A_181, %dma_start3A_207] : memref<10000x128xf32, #tpu.memory_space<vmem_shared>> -> memref<64x128xf32, #tpu.memory_space<vmem_shared>>
    %dma_start3A_209 = arith.constant 0 : i32
    %dma_start3A_210 = arith.constant 0 : i32
    %dma_start3A_211 = tpu.memref_slice %arg5[%dma_start3A_200, %dma_start3A_209, %dma_start3A_210] : memref<6x64x128xf32, #tpu.memory_space<vmem>> -> memref<1x64x128xf32, #tpu.memory_space<vmem>>
    %dma_start3A_212 = tpu.memref_squeeze %dma_start3A_211 : memref<1x64x128xf32, #tpu.memory_space<vmem>> -> memref<64x128xf32, #tpu.memory_space<vmem>>
    tpu.enqueue_dma source(%dma_start3A_212 : memref<64x128xf32, #tpu.memory_space<vmem>>) target(%dma_start3A_208 : memref<64x128xf32, #tpu.memory_space<vmem_shared>>) target_semaphore(%arg20 : memref<!tpu.dma_semaphore, #tpu.memory_space<semaphore_mem>>)
    %dma_start3A_213 = arith.constant 5 : i32
    %dma_start3A_214 = arith.constant 0 : i32
    %dma_start3A_215 = arith.constant 0 : i32
    %dma_start3A_216 = tpu.memref_slice %arg5[%dma_start3A_213, %dma_start3A_214, %dma_start3A_215] : memref<6x64x128xf32, #tpu.memory_space<vmem>> -> memref<1x64x128xf32, #tpu.memory_space<vmem>>
    %dma_start3A_217 = tpu.memref_squeeze %dma_start3A_216 : memref<1x64x128xf32, #tpu.memory_space<vmem>> -> memref<64x128xf32, #tpu.memory_space<vmem>>
    %dma_start3A_218 = arith.constant 0 : i32
    %dma_start3A_219 = tpu.memref_slice %arg7[%add3A_183, %dma_start3A_218] : memref<10000x128xf32, #tpu.memory_space<vmem_shared>> -> memref<64x128xf32, #tpu.memory_space<vmem_shared>>
    %dma_start3A_220 = arith.constant 0 : i32
    %dma_start3A_221 = tpu.memref_slice %arg7[%add3A_183, %dma_start3A_220] : memref<10000x128xf32, #tpu.memory_space<vmem_shared>> -> memref<64x128xf32, #tpu.memory_space<vmem_shared>>
    %dma_start3A_222 = arith.constant 0 : i32
    %dma_start3A_223 = arith.constant 0 : i32
    %dma_start3A_224 = tpu.memref_slice %arg5[%dma_start3A_213, %dma_start3A_222, %dma_start3A_223] : memref<6x64x128xf32, #tpu.memory_space<vmem>> -> memref<1x64x128xf32, #tpu.memory_space<vmem>>
    %dma_start3A_225 = tpu.memref_squeeze %dma_start3A_224 : memref<1x64x128xf32, #tpu.memory_space<vmem>> -> memref<64x128xf32, #tpu.memory_space<vmem>>
    tpu.enqueue_dma source(%dma_start3A_225 : memref<64x128xf32, #tpu.memory_space<vmem>>) target(%dma_start3A_221 : memref<64x128xf32, #tpu.memory_space<vmem_shared>>) target_semaphore(%arg20 : memref<!tpu.dma_semaphore, #tpu.memory_space<semaphore_mem>>)
    %dma_start3A_226 = arith.constant 5 : i32
    %dma_start3A_227 = arith.constant 0 : i32
    %dma_start3A_228 = arith.constant 0 : i32
    %dma_start3A_229 = tpu.memref_slice %arg5[%dma_start3A_226, %dma_start3A_227, %dma_start3A_228] : memref<6x64x128xf32, #tpu.memory_space<vmem>> -> memref<1x64x128xf32, #tpu.memory_space<vmem>>
    %dma_start3A_230 = tpu.memref_squeeze %dma_start3A_229 : memref<1x64x128xf32, #tpu.memory_space<vmem>> -> memref<64x128xf32, #tpu.memory_space<vmem>>
    %dma_start3A_231 = arith.constant 0 : i32
    %dma_start3A_232 = tpu.memref_slice %arg7[%add3A_185, %dma_start3A_231] : memref<10000x128xf32, #tpu.memory_space<vmem_shared>> -> memref<64x128xf32, #tpu.memory_space<vmem_shared>>
    %dma_start3A_233 = arith.constant 0 : i32
    %dma_start3A_234 = tpu.memref_slice %arg7[%add3A_185, %dma_start3A_233] : memref<10000x128xf32, #tpu.memory_space<vmem_shared>> -> memref<64x128xf32, #tpu.memory_space<vmem_shared>>
    %dma_start3A_235 = arith.constant 0 : i32
    %dma_start3A_236 = arith.constant 0 : i32
    %dma_start3A_237 = tpu.memref_slice %arg5[%dma_start3A_226, %dma_start3A_235, %dma_start3A_236] : memref<6x64x128xf32, #tpu.memory_space<vmem>> -> memref<1x64x128xf32, #tpu.memory_space<vmem>>
    %dma_start3A_238 = tpu.memref_squeeze %dma_start3A_237 : memref<1x64x128xf32, #tpu.memory_space<vmem>> -> memref<64x128xf32, #tpu.memory_space<vmem>>
    tpu.enqueue_dma source(%dma_start3A_238 : memref<64x128xf32, #tpu.memory_space<vmem>>) target(%dma_start3A_234 : memref<64x128xf32, #tpu.memory_space<vmem_shared>>) target_semaphore(%arg20 : memref<!tpu.dma_semaphore, #tpu.memory_space<semaphore_mem>>)
    %dma_start3A_239 = arith.constant 5 : i32
    %dma_start3A_240 = arith.constant 0 : i32
    %dma_start3A_241 = arith.constant 0 : i32
    %dma_start3A_242 = tpu.memref_slice %arg5[%dma_start3A_239, %dma_start3A_240, %dma_start3A_241] : memref<6x64x128xf32, #tpu.memory_space<vmem>> -> memref<1x64x128xf32, #tpu.memory_space<vmem>>
    %dma_start3A_243 = tpu.memref_squeeze %dma_start3A_242 : memref<1x64x128xf32, #tpu.memory_space<vmem>> -> memref<64x128xf32, #tpu.memory_space<vmem>>
    %dma_start3A_244 = arith.constant 0 : i32
    %dma_start3A_245 = tpu.memref_slice %arg7[%add3A_187, %dma_start3A_244] : memref<10000x128xf32, #tpu.memory_space<vmem_shared>> -> memref<64x128xf32, #tpu.memory_space<vmem_shared>>
    %dma_start3A_246 = arith.constant 0 : i32
    %dma_start3A_247 = tpu.memref_slice %arg7[%add3A_187, %dma_start3A_246] : memref<10000x128xf32, #tpu.memory_space<vmem_shared>> -> memref<64x128xf32, #tpu.memory_space<vmem_shared>>
    %dma_start3A_248 = arith.constant 0 : i32
    %dma_start3A_249 = arith.constant 0 : i32
    %dma_start3A_250 = tpu.memref_slice %arg5[%dma_start3A_239, %dma_start3A_248, %dma_start3A_249] : memref<6x64x128xf32, #tpu.memory_space<vmem>> -> memref<1x64x128xf32, #tpu.memory_space<vmem>>
    %dma_start3A_251 = tpu.memref_squeeze %dma_start3A_250 : memref<1x64x128xf32, #tpu.memory_space<vmem>> -> memref<64x128xf32, #tpu.memory_space<vmem>>
    tpu.enqueue_dma source(%dma_start3A_251 : memref<64x128xf32, #tpu.memory_space<vmem>>) target(%dma_start3A_247 : memref<64x128xf32, #tpu.memory_space<vmem_shared>>) target_semaphore(%arg20 : memref<!tpu.dma_semaphore, #tpu.memory_space<semaphore_mem>>)
    %dma_start3A_252 = arith.constant 5 : i32
    %dma_start3A_253 = arith.constant 0 : i32
    %dma_start3A_254 = arith.constant 0 : i32
    %dma_start3A_255 = tpu.memref_slice %arg5[%dma_start3A_252, %dma_start3A_253, %dma_start3A_254] : memref<6x64x128xf32, #tpu.memory_space<vmem>> -> memref<1x64x128xf32, #tpu.memory_space<vmem>>
    %dma_start3A_256 = tpu.memref_squeeze %dma_start3A_255 : memref<1x64x128xf32, #tpu.memory_space<vmem>> -> memref<64x128xf32, #tpu.memory_space<vmem>>
    %dma_start3A_257 = arith.constant 0 : i32
    %dma_start3A_258 = tpu.memref_slice %arg7[%add3A_189, %dma_start3A_257] : memref<10000x128xf32, #tpu.memory_space<vmem_shared>> -> memref<64x128xf32, #tpu.memory_space<vmem_shared>>
    %dma_start3A_259 = arith.constant 0 : i32
    %dma_start3A_260 = tpu.memref_slice %arg7[%add3A_189, %dma_start3A_259] : memref<10000x128xf32, #tpu.memory_space<vmem_shared>> -> memref<64x128xf32, #tpu.memory_space<vmem_shared>>
    %dma_start3A_261 = arith.constant 0 : i32
    %dma_start3A_262 = arith.constant 0 : i32
    %dma_start3A_263 = tpu.memref_slice %arg5[%dma_start3A_252, %dma_start3A_261, %dma_start3A_262] : memref<6x64x128xf32, #tpu.memory_space<vmem>> -> memref<1x64x128xf32, #tpu.memory_space<vmem>>
    %dma_start3A_264 = tpu.memref_squeeze %dma_start3A_263 : memref<1x64x128xf32, #tpu.memory_space<vmem>> -> memref<64x128xf32, #tpu.memory_space<vmem>>
    tpu.enqueue_dma source(%dma_start3A_264 : memref<64x128xf32, #tpu.memory_space<vmem>>) target(%dma_start3A_260 : memref<64x128xf32, #tpu.memory_space<vmem_shared>>) target_semaphore(%arg20 : memref<!tpu.dma_semaphore, #tpu.memory_space<semaphore_mem>>)
    %dma_start3A_265 = arith.constant 5 : i32
    %dma_start3A_266 = arith.constant 0 : i32
    %dma_start3A_267 = arith.constant 0 : i32
    %dma_start3A_268 = tpu.memref_slice %arg5[%dma_start3A_265, %dma_start3A_266, %dma_start3A_267] : memref<6x64x128xf32, #tpu.memory_space<vmem>> -> memref<1x64x128xf32, #tpu.memory_space<vmem>>
    %dma_start3A_269 = tpu.memref_squeeze %dma_start3A_268 : memref<1x64x128xf32, #tpu.memory_space<vmem>> -> memref<64x128xf32, #tpu.memory_space<vmem>>
    %dma_start3A_270 = arith.constant 0 : i32
    %dma_start3A_271 = tpu.memref_slice %arg7[%add3A_191, %dma_start3A_270] : memref<10000x128xf32, #tpu.memory_space<vmem_shared>> -> memref<64x128xf32, #tpu.memory_space<vmem_shared>>
    %dma_start3A_272 = arith.constant 0 : i32
    %dma_start3A_273 = tpu.memref_slice %arg7[%add3A_191, %dma_start3A_272] : memref<10000x128xf32, #tpu.memory_space<vmem_shared>> -> memref<64x128xf32, #tpu.memory_space<vmem_shared>>
    %dma_start3A_274 = arith.constant 0 : i32
    %dma_start3A_275 = arith.constant 0 : i32
    %dma_start3A_276 = tpu.memref_slice %arg5[%dma_start3A_265, %dma_start3A_274, %dma_start3A_275] : memref<6x64x128xf32, #tpu.memory_space<vmem>> -> memref<1x64x128xf32, #tpu.memory_space<vmem>>
    %dma_start3A_277 = tpu.memref_squeeze %dma_start3A_276 : memref<1x64x128xf32, #tpu.memory_space<vmem>> -> memref<64x128xf32, #tpu.memory_space<vmem>>
    tpu.enqueue_dma source(%dma_start3A_277 : memref<64x128xf32, #tpu.memory_space<vmem>>) target(%dma_start3A_273 : memref<64x128xf32, #tpu.memory_space<vmem_shared>>) target_semaphore(%arg20 : memref<!tpu.dma_semaphore, #tpu.memory_space<semaphore_mem>>)
    %dma_start3A_278 = arith.constant 5 : i32
    %dma_start3A_279 = arith.constant 0 : i32
    %dma_start3A_280 = arith.constant 0 : i32
    %dma_start3A_281 = tpu.memref_slice %arg5[%dma_start3A_278, %dma_start3A_279, %dma_start3A_280] : memref<6x64x128xf32, #tpu.memory_space<vmem>> -> memref<1x64x128xf32, #tpu.memory_space<vmem>>
    %dma_start3A_282 = tpu.memref_squeeze %dma_start3A_281 : memref<1x64x128xf32, #tpu.memory_space<vmem>> -> memref<64x128xf32, #tpu.memory_space<vmem>>
    %dma_start3A_283 = arith.constant 0 : i32
    %dma_start3A_284 = tpu.memref_slice %arg7[%add3A_193, %dma_start3A_283] : memref<10000x128xf32, #tpu.memory_space<vmem_shared>> -> memref<64x128xf32, #tpu.memory_space<vmem_shared>>
    %dma_start3A_285 = arith.constant 0 : i32
    %dma_start3A_286 = tpu.memref_slice %arg7[%add3A_193, %dma_start3A_285] : memref<10000x128xf32, #tpu.memory_space<vmem_shared>> -> memref<64x128xf32, #tpu.memory_space<vmem_shared>>
    %dma_start3A_287 = arith.constant 0 : i32
    %dma_start3A_288 = arith.constant 0 : i32
    %dma_start3A_289 = tpu.memref_slice %arg5[%dma_start3A_278, %dma_start3A_287, %dma_start3A_288] : memref<6x64x128xf32, #tpu.memory_space<vmem>> -> memref<1x64x128xf32, #tpu.memory_space<vmem>>
    %dma_start3A_290 = tpu.memref_squeeze %dma_start3A_289 : memref<1x64x128xf32, #tpu.memory_space<vmem>> -> memref<64x128xf32, #tpu.memory_space<vmem>>
    tpu.enqueue_dma source(%dma_start3A_290 : memref<64x128xf32, #tpu.memory_space<vmem>>) target(%dma_start3A_286 : memref<64x128xf32, #tpu.memory_space<vmem_shared>>) target_semaphore(%arg20 : memref<!tpu.dma_semaphore, #tpu.memory_space<semaphore_mem>>)
    %dma_start3A_291 = arith.constant 5 : i32
    %dma_start3A_292 = arith.constant 0 : i32
    %dma_start3A_293 = arith.constant 0 : i32
    %dma_start3A_294 = tpu.memref_slice %arg5[%dma_start3A_291, %dma_start3A_292, %dma_start3A_293] : memref<6x64x128xf32, #tpu.memory_space<vmem>> -> memref<1x64x128xf32, #tpu.memory_space<vmem>>
    %dma_start3A_295 = tpu.memref_squeeze %dma_start3A_294 : memref<1x64x128xf32, #tpu.memory_space<vmem>> -> memref<64x128xf32, #tpu.memory_space<vmem>>
    %dma_start3A_296 = arith.constant 0 : i32
    %dma_start3A_297 = tpu.memref_slice %arg7[%add3A_195, %dma_start3A_296] : memref<10000x128xf32, #tpu.memory_space<vmem_shared>> -> memref<64x128xf32, #tpu.memory_space<vmem_shared>>
    %dma_start3A_298 = arith.constant 0 : i32
    %dma_start3A_299 = tpu.memref_slice %arg7[%add3A_195, %dma_start3A_298] : memref<10000x128xf32, #tpu.memory_space<vmem_shared>> -> memref<64x128xf32, #tpu.memory_space<vmem_shared>>
    %dma_start3A_300 = arith.constant 0 : i32
    %dma_start3A_301 = arith.constant 0 : i32
    %dma_start3A_302 = tpu.memref_slice %arg5[%dma_start3A_291, %dma_start3A_300, %dma_start3A_301] : memref<6x64x128xf32, #tpu.memory_space<vmem>> -> memref<1x64x128xf32, #tpu.memory_space<vmem>>
    %dma_start3A_303 = tpu.memref_squeeze %dma_start3A_302 : memref<1x64x128xf32, #tpu.memory_space<vmem>> -> memref<64x128xf32, #tpu.memory_space<vmem>>
    tpu.enqueue_dma source(%dma_start3A_303 : memref<64x128xf32, #tpu.memory_space<vmem>>) target(%dma_start3A_299 : memref<64x128xf32, #tpu.memory_space<vmem_shared>>) target_semaphore(%arg20 : memref<!tpu.dma_semaphore, #tpu.memory_space<semaphore_mem>>)
    %dma_start3A_304 = arith.constant 5 : i32
    %dma_start3A_305 = arith.constant 0 : i32
    %dma_start3A_306 = arith.constant 0 : i32
    %dma_start3A_307 = tpu.memref_slice %arg5[%dma_start3A_304, %dma_start3A_305, %dma_start3A_306] : memref<6x64x128xf32, #tpu.memory_space<vmem>> -> memref<1x64x128xf32, #tpu.memory_space<vmem>>
    %dma_start3A_308 = tpu.memref_squeeze %dma_start3A_307 : memref<1x64x128xf32, #tpu.memory_space<vmem>> -> memref<64x128xf32, #tpu.memory_space<vmem>>
    %dma_start3A_309 = arith.constant 0 : i32
    %dma_start3A_310 = tpu.memref_slice %arg7[%add3A_197, %dma_start3A_309] : memref<10000x128xf32, #tpu.memory_space<vmem_shared>> -> memref<64x128xf32, #tpu.memory_space<vmem_shared>>
    %dma_start3A_311 = arith.constant 0 : i32
    %dma_start3A_312 = tpu.memref_slice %arg7[%add3A_197, %dma_start3A_311] : memref<10000x128xf32, #tpu.memory_space<vmem_shared>> -> memref<64x128xf32, #tpu.memory_space<vmem_shared>>
    %dma_start3A_313 = arith.constant 0 : i32
    %dma_start3A_314 = arith.constant 0 : i32
    %dma_start3A_315 = tpu.memref_slice %arg5[%dma_start3A_304, %dma_start3A_313, %dma_start3A_314] : memref<6x64x128xf32, #tpu.memory_space<vmem>> -> memref<1x64x128xf32, #tpu.memory_space<vmem>>
    %dma_start3A_316 = tpu.memref_squeeze %dma_start3A_315 : memref<1x64x128xf32, #tpu.memory_space<vmem>> -> memref<64x128xf32, #tpu.memory_space<vmem>>
    tpu.enqueue_dma source(%dma_start3A_316 : memref<64x128xf32, #tpu.memory_space<vmem>>) target(%dma_start3A_312 : memref<64x128xf32, #tpu.memory_space<vmem_shared>>) target_semaphore(%arg20 : memref<!tpu.dma_semaphore, #tpu.memory_space<semaphore_mem>>)
    %dma_start3A_317 = arith.constant 5 : i32
    %dma_start3A_318 = arith.constant 0 : i32
    %dma_start3A_319 = arith.constant 0 : i32
    %dma_start3A_320 = tpu.memref_slice %arg5[%dma_start3A_317, %dma_start3A_318, %dma_start3A_319] : memref<6x64x128xf32, #tpu.memory_space<vmem>> -> memref<1x48x128xf32, #tpu.memory_space<vmem>>
    %dma_start3A_321 = tpu.memref_squeeze %dma_start3A_320 : memref<1x48x128xf32, #tpu.memory_space<vmem>> -> memref<48x128xf32, #tpu.memory_space<vmem>>
    %dma_start3A_322 = arith.constant 0 : i32
    %dma_start3A_323 = tpu.memref_slice %arg7[%add3A_199, %dma_start3A_322] : memref<10000x128xf32, #tpu.memory_space<vmem_shared>> -> memref<48x128xf32, #tpu.memory_space<vmem_shared>>
    %dma_start3A_324 = arith.constant 0 : i32
    %dma_start3A_325 = tpu.memref_slice %arg7[%add3A_199, %dma_start3A_324] : memref<10000x128xf32, #tpu.memory_space<vmem_shared>> -> memref<48x128xf32, #tpu.memory_space<vmem_shared>>
    %dma_start3A_326 = arith.constant 0 : i32
    %dma_start3A_327 = arith.constant 0 : i32
    %dma_start3A_328 = tpu.memref_slice %arg5[%dma_start3A_317, %dma_start3A_326, %dma_start3A_327] : memref<6x64x128xf32, #tpu.memory_space<vmem>> -> memref<1x48x128xf32, #tpu.memory_space<vmem>>
    %dma_start3A_329 = tpu.memref_squeeze %dma_start3A_328 : memref<1x48x128xf32, #tpu.memory_space<vmem>> -> memref<48x128xf32, #tpu.memory_space<vmem>>
    tpu.enqueue_dma source(%dma_start3A_329 : memref<48x128xf32, #tpu.memory_space<vmem>>) target(%dma_start3A_325 : memref<48x128xf32, #tpu.memory_space<vmem_shared>>) target_semaphore(%arg20 : memref<!tpu.dma_semaphore, #tpu.memory_space<semaphore_mem>>)
    %eq3A = arith.constant 15 : i32
    %eq3A_330 = arith.cmpi eq, %arg1, %eq3A : i32
    %convert_element_type3A = arith.extui %eq3A_330 : i1 to i32
    %cond3A = arith.constant 0 : i32
    %cond3A_331 = arith.cmpi ne, %convert_element_type3A, %cond3A : i32
    scf.if %cond3A_331 {
      %dma_start3A_550 = arith.constant 5 : i32
      %dma_start3A_551 = arith.constant 0 : i32
      %dma_start3A_552 = arith.constant 0 : i32
      %dma_start3A_553 = tpu.memref_slice %arg5[%dma_start3A_550, %dma_start3A_551, %dma_start3A_552] : memref<6x64x128xf32, #tpu.memory_space<vmem>> -> memref<1x16x128xf32, #tpu.memory_space<vmem>>
      %dma_start3A_554 = tpu.memref_squeeze %dma_start3A_553 : memref<1x16x128xf32, #tpu.memory_space<vmem>> -> memref<16x128xf32, #tpu.memory_space<vmem>>
      %dma_start3A_555 = arith.constant 9984 : i32
      %dma_start3A_556 = arith.constant 0 : i32
      %dma_start3A_557 = tpu.memref_slice %arg7[%dma_start3A_555, %dma_start3A_556] : memref<10000x128xf32, #tpu.memory_space<vmem_shared>> -> memref<16x128xf32, #tpu.memory_space<vmem_shared>>
      %dma_start3A_558 = arith.constant 9984 : i32
      %dma_start3A_559 = arith.constant 0 : i32
      %dma_start3A_560 = tpu.memref_slice %arg7[%dma_start3A_558, %dma_start3A_559] : memref<10000x128xf32, #tpu.memory_space<vmem_shared>> -> memref<16x128xf32, #tpu.memory_space<vmem_shared>>
      %dma_start3A_561 = arith.constant 0 : i32
      %dma_start3A_562 = arith.constant 0 : i32
      %dma_start3A_563 = tpu.memref_slice %arg5[%dma_start3A_550, %dma_start3A_561, %dma_start3A_562] : memref<6x64x128xf32, #tpu.memory_space<vmem>> -> memref<1x16x128xf32, #tpu.memory_space<vmem>>
      %dma_start3A_564 = tpu.memref_squeeze %dma_start3A_563 : memref<1x16x128xf32, #tpu.memory_space<vmem>> -> memref<16x128xf32, #tpu.memory_space<vmem>>
      tpu.enqueue_dma source(%dma_start3A_564 : memref<16x128xf32, #tpu.memory_space<vmem>>) target(%dma_start3A_560 : memref<16x128xf32, #tpu.memory_space<vmem_shared>>) target_semaphore(%arg20 : memref<!tpu.dma_semaphore, #tpu.memory_space<semaphore_mem>>)
    } else {
    }
    %dma_wait3A = arith.constant 5 : i32
    %dma_wait3A_332 = arith.constant 0 : i32
    %dma_wait3A_333 = arith.constant 0 : i32
    %dma_wait3A_334 = tpu.memref_slice %arg5[%dma_wait3A, %dma_wait3A_332, %dma_wait3A_333] : memref<6x64x128xf32, #tpu.memory_space<vmem>> -> memref<1x64x128xf32, #tpu.memory_space<vmem>>
    %dma_wait3A_335 = tpu.memref_squeeze %dma_wait3A_334 : memref<1x64x128xf32, #tpu.memory_space<vmem>> -> memref<64x128xf32, #tpu.memory_space<vmem>>
    %dma_wait3A_336 = arith.constant 0 : i32
    %dma_wait3A_337 = tpu.memref_slice %arg7[%add3A_181, %dma_wait3A_336] : memref<10000x128xf32, #tpu.memory_space<vmem_shared>> -> memref<64x128xf32, #tpu.memory_space<vmem_shared>>
    %dma_wait3A_338 = arith.constant 0 : i32
    %dma_wait3A_339 = tpu.memref_slice %arg7[%add3A_181, %dma_wait3A_338] : memref<10000x128xf32, #tpu.memory_space<vmem_shared>> -> memref<64x128xf32, #tpu.memory_space<vmem_shared>>
    %dma_wait3A_340 = arith.constant 0 : i32
    %dma_wait3A_341 = arith.constant 0 : i32
    %dma_wait3A_342 = tpu.memref_slice %arg5[%dma_wait3A, %dma_wait3A_340, %dma_wait3A_341] : memref<6x64x128xf32, #tpu.memory_space<vmem>> -> memref<1x64x128xf32, #tpu.memory_space<vmem>>
    %dma_wait3A_343 = tpu.memref_squeeze %dma_wait3A_342 : memref<1x64x128xf32, #tpu.memory_space<vmem>> -> memref<64x128xf32, #tpu.memory_space<vmem>>
    tpu.wait_dma2 semaphore(%arg20 : memref<!tpu.dma_semaphore, #tpu.memory_space<semaphore_mem>>) src(%dma_wait3A_343 : memref<64x128xf32, #tpu.memory_space<vmem>>) dst(%dma_wait3A_339 : memref<64x128xf32, #tpu.memory_space<vmem_shared>>)
    %dma_wait3A_344 = arith.constant 5 : i32
    %dma_wait3A_345 = arith.constant 0 : i32
    %dma_wait3A_346 = arith.constant 0 : i32
    %dma_wait3A_347 = tpu.memref_slice %arg5[%dma_wait3A_344, %dma_wait3A_345, %dma_wait3A_346] : memref<6x64x128xf32, #tpu.memory_space<vmem>> -> memref<1x64x128xf32, #tpu.memory_space<vmem>>
    %dma_wait3A_348 = tpu.memref_squeeze %dma_wait3A_347 : memref<1x64x128xf32, #tpu.memory_space<vmem>> -> memref<64x128xf32, #tpu.memory_space<vmem>>
    %dma_wait3A_349 = arith.constant 0 : i32
    %dma_wait3A_350 = tpu.memref_slice %arg7[%add3A_183, %dma_wait3A_349] : memref<10000x128xf32, #tpu.memory_space<vmem_shared>> -> memref<64x128xf32, #tpu.memory_space<vmem_shared>>
    %dma_wait3A_351 = arith.constant 0 : i32
    %dma_wait3A_352 = tpu.memref_slice %arg7[%add3A_183, %dma_wait3A_351] : memref<10000x128xf32, #tpu.memory_space<vmem_shared>> -> memref<64x128xf32, #tpu.memory_space<vmem_shared>>
    %dma_wait3A_353 = arith.constant 0 : i32
    %dma_wait3A_354 = arith.constant 0 : i32
    %dma_wait3A_355 = tpu.memref_slice %arg5[%dma_wait3A_344, %dma_wait3A_353, %dma_wait3A_354] : memref<6x64x128xf32, #tpu.memory_space<vmem>> -> memref<1x64x128xf32, #tpu.memory_space<vmem>>
    %dma_wait3A_356 = tpu.memref_squeeze %dma_wait3A_355 : memref<1x64x128xf32, #tpu.memory_space<vmem>> -> memref<64x128xf32, #tpu.memory_space<vmem>>
    tpu.wait_dma2 semaphore(%arg20 : memref<!tpu.dma_semaphore, #tpu.memory_space<semaphore_mem>>) src(%dma_wait3A_356 : memref<64x128xf32, #tpu.memory_space<vmem>>) dst(%dma_wait3A_352 : memref<64x128xf32, #tpu.memory_space<vmem_shared>>)
    %dma_wait3A_357 = arith.constant 5 : i32
    %dma_wait3A_358 = arith.constant 0 : i32
    %dma_wait3A_359 = arith.constant 0 : i32
    %dma_wait3A_360 = tpu.memref_slice %arg5[%dma_wait3A_357, %dma_wait3A_358, %dma_wait3A_359] : memref<6x64x128xf32, #tpu.memory_space<vmem>> -> memref<1x64x128xf32, #tpu.memory_space<vmem>>
    %dma_wait3A_361 = tpu.memref_squeeze %dma_wait3A_360 : memref<1x64x128xf32, #tpu.memory_space<vmem>> -> memref<64x128xf32, #tpu.memory_space<vmem>>
    %dma_wait3A_362 = arith.constant 0 : i32
    %dma_wait3A_363 = tpu.memref_slice %arg7[%add3A_185, %dma_wait3A_362] : memref<10000x128xf32, #tpu.memory_space<vmem_shared>> -> memref<64x128xf32, #tpu.memory_space<vmem_shared>>
    %dma_wait3A_364 = arith.constant 0 : i32
    %dma_wait3A_365 = tpu.memref_slice %arg7[%add3A_185, %dma_wait3A_364] : memref<10000x128xf32, #tpu.memory_space<vmem_shared>> -> memref<64x128xf32, #tpu.memory_space<vmem_shared>>
    %dma_wait3A_366 = arith.constant 0 : i32
    %dma_wait3A_367 = arith.constant 0 : i32
    %dma_wait3A_368 = tpu.memref_slice %arg5[%dma_wait3A_357, %dma_wait3A_366, %dma_wait3A_367] : memref<6x64x128xf32, #tpu.memory_space<vmem>> -> memref<1x64x128xf32, #tpu.memory_space<vmem>>
    %dma_wait3A_369 = tpu.memref_squeeze %dma_wait3A_368 : memref<1x64x128xf32, #tpu.memory_space<vmem>> -> memref<64x128xf32, #tpu.memory_space<vmem>>
    tpu.wait_dma2 semaphore(%arg20 : memref<!tpu.dma_semaphore, #tpu.memory_space<semaphore_mem>>) src(%dma_wait3A_369 : memref<64x128xf32, #tpu.memory_space<vmem>>) dst(%dma_wait3A_365 : memref<64x128xf32, #tpu.memory_space<vmem_shared>>)
    %dma_wait3A_370 = arith.constant 5 : i32
    %dma_wait3A_371 = arith.constant 0 : i32
    %dma_wait3A_372 = arith.constant 0 : i32
    %dma_wait3A_373 = tpu.memref_slice %arg5[%dma_wait3A_370, %dma_wait3A_371, %dma_wait3A_372] : memref<6x64x128xf32, #tpu.memory_space<vmem>> -> memref<1x64x128xf32, #tpu.memory_space<vmem>>
    %dma_wait3A_374 = tpu.memref_squeeze %dma_wait3A_373 : memref<1x64x128xf32, #tpu.memory_space<vmem>> -> memref<64x128xf32, #tpu.memory_space<vmem>>
    %dma_wait3A_375 = arith.constant 0 : i32
    %dma_wait3A_376 = tpu.memref_slice %arg7[%add3A_187, %dma_wait3A_375] : memref<10000x128xf32, #tpu.memory_space<vmem_shared>> -> memref<64x128xf32, #tpu.memory_space<vmem_shared>>
    %dma_wait3A_377 = arith.constant 0 : i32
    %dma_wait3A_378 = tpu.memref_slice %arg7[%add3A_187, %dma_wait3A_377] : memref<10000x128xf32, #tpu.memory_space<vmem_shared>> -> memref<64x128xf32, #tpu.memory_space<vmem_shared>>
    %dma_wait3A_379 = arith.constant 0 : i32
    %dma_wait3A_380 = arith.constant 0 : i32
    %dma_wait3A_381 = tpu.memref_slice %arg5[%dma_wait3A_370, %dma_wait3A_379, %dma_wait3A_380] : memref<6x64x128xf32, #tpu.memory_space<vmem>> -> memref<1x64x128xf32, #tpu.memory_space<vmem>>
    %dma_wait3A_382 = tpu.memref_squeeze %dma_wait3A_381 : memref<1x64x128xf32, #tpu.memory_space<vmem>> -> memref<64x128xf32, #tpu.memory_space<vmem>>
    tpu.wait_dma2 semaphore(%arg20 : memref<!tpu.dma_semaphore, #tpu.memory_space<semaphore_mem>>) src(%dma_wait3A_382 : memref<64x128xf32, #tpu.memory_space<vmem>>) dst(%dma_wait3A_378 : memref<64x128xf32, #tpu.memory_space<vmem_shared>>)
    %dma_wait3A_383 = arith.constant 5 : i32
    %dma_wait3A_384 = arith.constant 0 : i32
    %dma_wait3A_385 = arith.constant 0 : i32
    %dma_wait3A_386 = tpu.memref_slice %arg5[%dma_wait3A_383, %dma_wait3A_384, %dma_wait3A_385] : memref<6x64x128xf32, #tpu.memory_space<vmem>> -> memref<1x64x128xf32, #tpu.memory_space<vmem>>
    %dma_wait3A_387 = tpu.memref_squeeze %dma_wait3A_386 : memref<1x64x128xf32, #tpu.memory_space<vmem>> -> memref<64x128xf32, #tpu.memory_space<vmem>>
    %dma_wait3A_388 = arith.constant 0 : i32
    %dma_wait3A_389 = tpu.memref_slice %arg7[%add3A_189, %dma_wait3A_388] : memref<10000x128xf32, #tpu.memory_space<vmem_shared>> -> memref<64x128xf32, #tpu.memory_space<vmem_shared>>
    %dma_wait3A_390 = arith.constant 0 : i32
    %dma_wait3A_391 = tpu.memref_slice %arg7[%add3A_189, %dma_wait3A_390] : memref<10000x128xf32, #tpu.memory_space<vmem_shared>> -> memref<64x128xf32, #tpu.memory_space<vmem_shared>>
    %dma_wait3A_392 = arith.constant 0 : i32
    %dma_wait3A_393 = arith.constant 0 : i32
    %dma_wait3A_394 = tpu.memref_slice %arg5[%dma_wait3A_383, %dma_wait3A_392, %dma_wait3A_393] : memref<6x64x128xf32, #tpu.memory_space<vmem>> -> memref<1x64x128xf32, #tpu.memory_space<vmem>>
    %dma_wait3A_395 = tpu.memref_squeeze %dma_wait3A_394 : memref<1x64x128xf32, #tpu.memory_space<vmem>> -> memref<64x128xf32, #tpu.memory_space<vmem>>
    tpu.wait_dma2 semaphore(%arg20 : memref<!tpu.dma_semaphore, #tpu.memory_space<semaphore_mem>>) src(%dma_wait3A_395 : memref<64x128xf32, #tpu.memory_space<vmem>>) dst(%dma_wait3A_391 : memref<64x128xf32, #tpu.memory_space<vmem_shared>>)
    %dma_wait3A_396 = arith.constant 5 : i32
    %dma_wait3A_397 = arith.constant 0 : i32
    %dma_wait3A_398 = arith.constant 0 : i32
    %dma_wait3A_399 = tpu.memref_slice %arg5[%dma_wait3A_396, %dma_wait3A_397, %dma_wait3A_398] : memref<6x64x128xf32, #tpu.memory_space<vmem>> -> memref<1x64x128xf32, #tpu.memory_space<vmem>>
    %dma_wait3A_400 = tpu.memref_squeeze %dma_wait3A_399 : memref<1x64x128xf32, #tpu.memory_space<vmem>> -> memref<64x128xf32, #tpu.memory_space<vmem>>
    %dma_wait3A_401 = arith.constant 0 : i32
    %dma_wait3A_402 = tpu.memref_slice %arg7[%add3A_191, %dma_wait3A_401] : memref<10000x128xf32, #tpu.memory_space<vmem_shared>> -> memref<64x128xf32, #tpu.memory_space<vmem_shared>>
    %dma_wait3A_403 = arith.constant 0 : i32
    %dma_wait3A_404 = tpu.memref_slice %arg7[%add3A_191, %dma_wait3A_403] : memref<10000x128xf32, #tpu.memory_space<vmem_shared>> -> memref<64x128xf32, #tpu.memory_space<vmem_shared>>
    %dma_wait3A_405 = arith.constant 0 : i32
    %dma_wait3A_406 = arith.constant 0 : i32
    %dma_wait3A_407 = tpu.memref_slice %arg5[%dma_wait3A_396, %dma_wait3A_405, %dma_wait3A_406] : memref<6x64x128xf32, #tpu.memory_space<vmem>> -> memref<1x64x128xf32, #tpu.memory_space<vmem>>
    %dma_wait3A_408 = tpu.memref_squeeze %dma_wait3A_407 : memref<1x64x128xf32, #tpu.memory_space<vmem>> -> memref<64x128xf32, #tpu.memory_space<vmem>>
    tpu.wait_dma2 semaphore(%arg20 : memref<!tpu.dma_semaphore, #tpu.memory_space<semaphore_mem>>) src(%dma_wait3A_408 : memref<64x128xf32, #tpu.memory_space<vmem>>) dst(%dma_wait3A_404 : memref<64x128xf32, #tpu.memory_space<vmem_shared>>)
    %dma_wait3A_409 = arith.constant 5 : i32
    %dma_wait3A_410 = arith.constant 0 : i32
    %dma_wait3A_411 = arith.constant 0 : i32
    %dma_wait3A_412 = tpu.memref_slice %arg5[%dma_wait3A_409, %dma_wait3A_410, %dma_wait3A_411] : memref<6x64x128xf32, #tpu.memory_space<vmem>> -> memref<1x64x128xf32, #tpu.memory_space<vmem>>
    %dma_wait3A_413 = tpu.memref_squeeze %dma_wait3A_412 : memref<1x64x128xf32, #tpu.memory_space<vmem>> -> memref<64x128xf32, #tpu.memory_space<vmem>>
    %dma_wait3A_414 = arith.constant 0 : i32
    %dma_wait3A_415 = tpu.memref_slice %arg7[%add3A_193, %dma_wait3A_414] : memref<10000x128xf32, #tpu.memory_space<vmem_shared>> -> memref<64x128xf32, #tpu.memory_space<vmem_shared>>
    %dma_wait3A_416 = arith.constant 0 : i32
    %dma_wait3A_417 = tpu.memref_slice %arg7[%add3A_193, %dma_wait3A_416] : memref<10000x128xf32, #tpu.memory_space<vmem_shared>> -> memref<64x128xf32, #tpu.memory_space<vmem_shared>>
    %dma_wait3A_418 = arith.constant 0 : i32
    %dma_wait3A_419 = arith.constant 0 : i32
    %dma_wait3A_420 = tpu.memref_slice %arg5[%dma_wait3A_409, %dma_wait3A_418, %dma_wait3A_419] : memref<6x64x128xf32, #tpu.memory_space<vmem>> -> memref<1x64x128xf32, #tpu.memory_space<vmem>>
    %dma_wait3A_421 = tpu.memref_squeeze %dma_wait3A_420 : memref<1x64x128xf32, #tpu.memory_space<vmem>> -> memref<64x128xf32, #tpu.memory_space<vmem>>
    tpu.wait_dma2 semaphore(%arg20 : memref<!tpu.dma_semaphore, #tpu.memory_space<semaphore_mem>>) src(%dma_wait3A_421 : memref<64x128xf32, #tpu.memory_space<vmem>>) dst(%dma_wait3A_417 : memref<64x128xf32, #tpu.memory_space<vmem_shared>>)
    %dma_wait3A_422 = arith.constant 5 : i32
    %dma_wait3A_423 = arith.constant 0 : i32
    %dma_wait3A_424 = arith.constant 0 : i32
    %dma_wait3A_425 = tpu.memref_slice %arg5[%dma_wait3A_422, %dma_wait3A_423, %dma_wait3A_424] : memref<6x64x128xf32, #tpu.memory_space<vmem>> -> memref<1x64x128xf32, #tpu.memory_space<vmem>>
    %dma_wait3A_426 = tpu.memref_squeeze %dma_wait3A_425 : memref<1x64x128xf32, #tpu.memory_space<vmem>> -> memref<64x128xf32, #tpu.memory_space<vmem>>
    %dma_wait3A_427 = arith.constant 0 : i32
    %dma_wait3A_428 = tpu.memref_slice %arg7[%add3A_195, %dma_wait3A_427] : memref<10000x128xf32, #tpu.memory_space<vmem_shared>> -> memref<64x128xf32, #tpu.memory_space<vmem_shared>>
    %dma_wait3A_429 = arith.constant 0 : i32
    %dma_wait3A_430 = tpu.memref_slice %arg7[%add3A_195, %dma_wait3A_429] : memref<10000x128xf32, #tpu.memory_space<vmem_shared>> -> memref<64x128xf32, #tpu.memory_space<vmem_shared>>
    %dma_wait3A_431 = arith.constant 0 : i32
    %dma_wait3A_432 = arith.constant 0 : i32
    %dma_wait3A_433 = tpu.memref_slice %arg5[%dma_wait3A_422, %dma_wait3A_431, %dma_wait3A_432] : memref<6x64x128xf32, #tpu.memory_space<vmem>> -> memref<1x64x128xf32, #tpu.memory_space<vmem>>
    %dma_wait3A_434 = tpu.memref_squeeze %dma_wait3A_433 : memref<1x64x128xf32, #tpu.memory_space<vmem>> -> memref<64x128xf32, #tpu.memory_space<vmem>>
    tpu.wait_dma2 semaphore(%arg20 : memref<!tpu.dma_semaphore, #tpu.memory_space<semaphore_mem>>) src(%dma_wait3A_434 : memref<64x128xf32, #tpu.memory_space<vmem>>) dst(%dma_wait3A_430 : memref<64x128xf32, #tpu.memory_space<vmem_shared>>)
    %dma_wait3A_435 = arith.constant 5 : i32
    %dma_wait3A_436 = arith.constant 0 : i32
    %dma_wait3A_437 = arith.constant 0 : i32
    %dma_wait3A_438 = tpu.memref_slice %arg5[%dma_wait3A_435, %dma_wait3A_436, %dma_wait3A_437] : memref<6x64x128xf32, #tpu.memory_space<vmem>> -> memref<1x64x128xf32, #tpu.memory_space<vmem>>
    %dma_wait3A_439 = tpu.memref_squeeze %dma_wait3A_438 : memref<1x64x128xf32, #tpu.memory_space<vmem>> -> memref<64x128xf32, #tpu.memory_space<vmem>>
    %dma_wait3A_440 = arith.constant 0 : i32
    %dma_wait3A_441 = tpu.memref_slice %arg7[%add3A_197, %dma_wait3A_440] : memref<10000x128xf32, #tpu.memory_space<vmem_shared>> -> memref<64x128xf32, #tpu.memory_space<vmem_shared>>
    %dma_wait3A_442 = arith.constant 0 : i32
    %dma_wait3A_443 = tpu.memref_slice %arg7[%add3A_197, %dma_wait3A_442] : memref<10000x128xf32, #tpu.memory_space<vmem_shared>> -> memref<64x128xf32, #tpu.memory_space<vmem_shared>>
    %dma_wait3A_444 = arith.constant 0 : i32
    %dma_wait3A_445 = arith.constant 0 : i32
    %dma_wait3A_446 = tpu.memref_slice %arg5[%dma_wait3A_435, %dma_wait3A_444, %dma_wait3A_445] : memref<6x64x128xf32, #tpu.memory_space<vmem>> -> memref<1x64x128xf32, #tpu.memory_space<vmem>>
    %dma_wait3A_447 = tpu.memref_squeeze %dma_wait3A_446 : memref<1x64x128xf32, #tpu.memory_space<vmem>> -> memref<64x128xf32, #tpu.memory_space<vmem>>
    tpu.wait_dma2 semaphore(%arg20 : memref<!tpu.dma_semaphore, #tpu.memory_space<semaphore_mem>>) src(%dma_wait3A_447 : memref<64x128xf32, #tpu.memory_space<vmem>>) dst(%dma_wait3A_443 : memref<64x128xf32, #tpu.memory_space<vmem_shared>>)
    %dma_wait3A_448 = arith.constant 5 : i32
    %dma_wait3A_449 = arith.constant 0 : i32
    %dma_wait3A_450 = arith.constant 0 : i32
    %dma_wait3A_451 = tpu.memref_slice %arg5[%dma_wait3A_448, %dma_wait3A_449, %dma_wait3A_450] : memref<6x64x128xf32, #tpu.memory_space<vmem>> -> memref<1x48x128xf32, #tpu.memory_space<vmem>>
    %dma_wait3A_452 = tpu.memref_squeeze %dma_wait3A_451 : memref<1x48x128xf32, #tpu.memory_space<vmem>> -> memref<48x128xf32, #tpu.memory_space<vmem>>
    %dma_wait3A_453 = arith.constant 0 : i32
    %dma_wait3A_454 = tpu.memref_slice %arg7[%add3A_199, %dma_wait3A_453] : memref<10000x128xf32, #tpu.memory_space<vmem_shared>> -> memref<48x128xf32, #tpu.memory_space<vmem_shared>>
    %dma_wait3A_455 = arith.constant 0 : i32
    %dma_wait3A_456 = tpu.memref_slice %arg7[%add3A_199, %dma_wait3A_455] : memref<10000x128xf32, #tpu.memory_space<vmem_shared>> -> memref<48x128xf32, #tpu.memory_space<vmem_shared>>
    %dma_wait3A_457 = arith.constant 0 : i32
    %dma_wait3A_458 = arith.constant 0 : i32
    %dma_wait3A_459 = tpu.memref_slice %arg5[%dma_wait3A_448, %dma_wait3A_457, %dma_wait3A_458] : memref<6x64x128xf32, #tpu.memory_space<vmem>> -> memref<1x48x128xf32, #tpu.memory_space<vmem>>
    %dma_wait3A_460 = tpu.memref_squeeze %dma_wait3A_459 : memref<1x48x128xf32, #tpu.memory_space<vmem>> -> memref<48x128xf32, #tpu.memory_space<vmem>>
    tpu.wait_dma2 semaphore(%arg20 : memref<!tpu.dma_semaphore, #tpu.memory_space<semaphore_mem>>) src(%dma_wait3A_460 : memref<48x128xf32, #tpu.memory_space<vmem>>) dst(%dma_wait3A_456 : memref<48x128xf32, #tpu.memory_space<vmem_shared>>)
    %eq3A_461 = arith.constant 15 : i32
    %eq3A_462 = arith.cmpi eq, %arg1, %eq3A_461 : i32
    %convert_element_type3A_463 = arith.extui %eq3A_462 : i1 to i32
    %cond3A_464 = arith.constant 0 : i32
    %cond3A_465 = arith.cmpi ne, %convert_element_type3A_463, %cond3A_464 : i32
    scf.if %cond3A_465 {
      %dma_wait3A_550 = arith.constant 5 : i32
      %dma_wait3A_551 = arith.constant 0 : i32
      %dma_wait3A_552 = arith.constant 0 : i32
      %dma_wait3A_553 = tpu.memref_slice %arg5[%dma_wait3A_550, %dma_wait3A_551, %dma_wait3A_552] : memref<6x64x128xf32, #tpu.memory_space<vmem>> -> memref<1x16x128xf32, #tpu.memory_space<vmem>>
      %dma_wait3A_554 = tpu.memref_squeeze %dma_wait3A_553 : memref<1x16x128xf32, #tpu.memory_space<vmem>> -> memref<16x128xf32, #tpu.memory_space<vmem>>
      %dma_wait3A_555 = arith.constant 9984 : i32
      %dma_wait3A_556 = arith.constant 0 : i32
      %dma_wait3A_557 = tpu.memref_slice %arg7[%dma_wait3A_555, %dma_wait3A_556] : memref<10000x128xf32, #tpu.memory_space<vmem_shared>> -> memref<16x128xf32, #tpu.memory_space<vmem_shared>>
      %dma_wait3A_558 = arith.constant 9984 : i32
      %dma_wait3A_559 = arith.constant 0 : i32
      %dma_wait3A_560 = tpu.memref_slice %arg7[%dma_wait3A_558, %dma_wait3A_559] : memref<10000x128xf32, #tpu.memory_space<vmem_shared>> -> memref<16x128xf32, #tpu.memory_space<vmem_shared>>
      %dma_wait3A_561 = arith.constant 0 : i32
      %dma_wait3A_562 = arith.constant 0 : i32
      %dma_wait3A_563 = tpu.memref_slice %arg5[%dma_wait3A_550, %dma_wait3A_561, %dma_wait3A_562] : memref<6x64x128xf32, #tpu.memory_space<vmem>> -> memref<1x16x128xf32, #tpu.memory_space<vmem>>
      %dma_wait3A_564 = tpu.memref_squeeze %dma_wait3A_563 : memref<1x16x128xf32, #tpu.memory_space<vmem>> -> memref<16x128xf32, #tpu.memory_space<vmem>>
      tpu.wait_dma2 semaphore(%arg20 : memref<!tpu.dma_semaphore, #tpu.memory_space<semaphore_mem>>) src(%dma_wait3A_564 : memref<16x128xf32, #tpu.memory_space<vmem>>) dst(%dma_wait3A_560 : memref<16x128xf32, #tpu.memory_space<vmem_shared>>)
    } else {
    }
    %barrier3A = arith.constant 0 : index
    tpu.barrier barrier_id(%barrier3A)
    %scan3A_466 = arith.constant 0 : i32
    %scan3A_467 = arith.constant 0 : i32
    %scan3A_468 = arith.constant 27 : i32
    %scan3A_469 = arith.addi %scan3A_467, %scan3A_468 : i32
    %scan3A_470 = arith.constant 1 : i32
    scf.for %scan3A_550 = %scan3A_467 to %scan3A_469 step %scan3A_470  : i32 {
      %mul3A_551 = arith.constant 6 : i32
      %mul3A_552 = arith.muli %scan3A_550, %mul3A_551 : i32
      %add3A_553 = arith.constant 0 : i32
      %add3A_554 = arith.addi %mul3A_552, %add3A_553 : i32
      %lt3A = arith.cmpi slt, %add3A_554, %min3A_6 : i32
      %convert_element_type3A_555 = arith.extui %lt3A : i1 to i32
      %cond3A_556 = arith.constant 0 : i32
      %cond3A_557 = arith.cmpi ne, %convert_element_type3A_555, %cond3A_556 : i32
      scf.if %cond3A_557 {
        %add3A_598 = arith.addi %mul3A_4, %add3A_554 : i32
        %mul3A_599 = arith.constant 64 : i32
        %mul3A_600 = arith.muli %add3A_598, %mul3A_599 : i32
        %multiple_of3A_601 = tpu.assume_multiple %mul3A_600, 8 : i32
        %dma_wait3A_602 = arith.constant 0 : i32
        %dma_wait3A_603 = arith.constant 0 : i32
        %dma_wait3A_604 = arith.constant 0 : i32
        %dma_wait3A_605 = tpu.memref_slice %arg5[%dma_wait3A_602, %dma_wait3A_603, %dma_wait3A_604] : memref<6x64x128xf32, #tpu.memory_space<vmem>> -> memref<1x64x128xf32, #tpu.memory_space<vmem>>
        %dma_wait3A_606 = tpu.memref_squeeze %dma_wait3A_605 : memref<1x64x128xf32, #tpu.memory_space<vmem>> -> memref<64x128xf32, #tpu.memory_space<vmem>>
        %dma_wait3A_607 = arith.constant 0 : i32
        %dma_wait3A_608 = tpu.memref_slice %arg2[%multiple_of3A_601, %dma_wait3A_607] : memref<320000x128xf32, #tpu.memory_space<hbm>> -> memref<64x128xf32, #tpu.memory_space<hbm>>
        %dma_wait3A_609 = arith.constant 0 : i32
        %dma_wait3A_610 = arith.constant 0 : i32
        %dma_wait3A_611 = tpu.memref_slice %arg5[%dma_wait3A_602, %dma_wait3A_609, %dma_wait3A_610] : memref<6x64x128xf32, #tpu.memory_space<vmem>> -> memref<1x64x128xf32, #tpu.memory_space<vmem>>
        %dma_wait3A_612 = tpu.memref_squeeze %dma_wait3A_611 : memref<1x64x128xf32, #tpu.memory_space<vmem>> -> memref<64x128xf32, #tpu.memory_space<vmem>>
        %dma_wait3A_613 = arith.constant 0 : i32
        %dma_wait3A_614 = tpu.memref_slice %arg2[%multiple_of3A_601, %dma_wait3A_613] : memref<320000x128xf32, #tpu.memory_space<hbm>> -> memref<64x128xf32, #tpu.memory_space<hbm>>
        tpu.wait_dma2 semaphore(%arg8 : memref<!tpu.dma_semaphore, #tpu.memory_space<semaphore_mem>>) src(%dma_wait3A_614 : memref<64x128xf32, #tpu.memory_space<hbm>>) dst(%dma_wait3A_612 : memref<64x128xf32, #tpu.memory_space<vmem>>)
        %add3A_615 = arith.addi %mul3A_4, %add3A_554 : i32
        %dma_wait3A_616 = arith.constant 1 : i32
        %dma_wait3A_617 = arith.constant 0 : i32
        %dma_wait3A_618 = arith.constant 0 : i32
        %dma_wait3A_619 = tpu.memref_slice %arg6[%dma_wait3A_617, %dma_wait3A_618] : memref<6x64xi32, #tpu.memory_space<vmem>> -> memref<1x64xi32, #tpu.memory_space<vmem>>
        %dma_wait3A_620 = tpu.memref_squeeze %dma_wait3A_619 : memref<1x64xi32, #tpu.memory_space<vmem>> -> memref<64xi32, #tpu.memory_space<vmem>>
        %dma_wait3A_621 = arith.constant 0 : i32
        %dma_wait3A_622 = tpu.memref_slice %arg3[%dma_wait3A_616, %add3A_615, %dma_wait3A_621] : memref<2x5000x64xi32, #tpu.memory_space<hbm>> -> memref<1x1x64xi32, #tpu.memory_space<hbm>>
        %dma_wait3A_623 = tpu.memref_squeeze %dma_wait3A_622 : memref<1x1x64xi32, #tpu.memory_space<hbm>> -> memref<64xi32, #tpu.memory_space<hbm>>
        %dma_wait3A_624 = arith.constant 0 : i32
        %dma_wait3A_625 = tpu.memref_slice %arg6[%dma_wait3A_617, %dma_wait3A_624] : memref<6x64xi32, #tpu.memory_space<vmem>> -> memref<1x64xi32, #tpu.memory_space<vmem>>
        %dma_wait3A_626 = tpu.memref_squeeze %dma_wait3A_625 : memref<1x64xi32, #tpu.memory_space<vmem>> -> memref<64xi32, #tpu.memory_space<vmem>>
        %dma_wait3A_627 = arith.constant 0 : i32
        %dma_wait3A_628 = tpu.memref_slice %arg3[%dma_wait3A_616, %add3A_615, %dma_wait3A_627] : memref<2x5000x64xi32, #tpu.memory_space<hbm>> -> memref<1x1x64xi32, #tpu.memory_space<hbm>>
        %dma_wait3A_629 = tpu.memref_squeeze %dma_wait3A_628 : memref<1x1x64xi32, #tpu.memory_space<hbm>> -> memref<64xi32, #tpu.memory_space<hbm>>
        tpu.wait_dma2 semaphore(%arg8 : memref<!tpu.dma_semaphore, #tpu.memory_space<semaphore_mem>>) src(%dma_wait3A_629 : memref<64xi32, #tpu.memory_space<hbm>>) dst(%dma_wait3A_626 : memref<64xi32, #tpu.memory_space<vmem>>)
        %dma_start3A_630 = arith.constant 0 : i32
        %dma_start3A_631 = arith.constant 0 : i32
        %dma_start3A_632 = arith.constant 0 : i32
        %dma_start3A_633 = arith.constant 0 : i32
        %dma_start3A_634 = tpu.memref_slice %arg5[%dma_start3A_630, %dma_start3A_632, %dma_start3A_633] : memref<6x64x128xf32, #tpu.memory_space<vmem>> -> memref<1x64x128xf32, #tpu.memory_space<vmem>>
        %dma_start3A_635 = tpu.memref_squeeze %dma_start3A_634 : memref<1x64x128xf32, #tpu.memory_space<vmem>> -> memref<64x128xf32, #tpu.memory_space<vmem>>
        %dma_start3A_636 = arith.constant 0 : i32
        %dma_start3A_637 = tpu.memref_slice %arg6[%dma_start3A_631, %dma_start3A_636] : memref<6x64xi32, #tpu.memory_space<vmem>> -> memref<1x64xi32, #tpu.memory_space<vmem>>
        %dma_start3A_638 = tpu.memref_squeeze %dma_start3A_637 : memref<1x64xi32, #tpu.memory_space<vmem>> -> memref<64xi32, #tpu.memory_space<vmem>>
        %dma_start3A_639 = arith.constant 0 : i32
        %dma_start3A_640 = arith.constant 0 : i32
        %dma_start3A_641 = tpu.memref_slice %arg7[%dma_start3A_639, %dma_start3A_640] : memref<10000x128xf32, #tpu.memory_space<vmem_shared>> -> memref<10000x128xf32, #tpu.memory_space<vmem_shared>>
        tpu.enqueue_indirect_dma source(%dma_start3A_635 : memref<64x128xf32, #tpu.memory_space<vmem>>) target(%dma_start3A_641 : memref<10000x128xf32, #tpu.memory_space<vmem_shared>>) offsets(%dma_start3A_638 : memref<64xi32, #tpu.memory_space<vmem>>) semaphore(%arg14 : memref<!tpu.dma_semaphore, #tpu.memory_space<semaphore_mem>>) {add = true}
        %add3A_642 = arith.constant 5 : i32
        %add3A_643 = arith.addi %add3A_554, %add3A_642 : i32
        %lt3A_644 = arith.cmpi slt, %add3A_643, %min3A_6 : i32
        %convert_element_type3A_645 = arith.extui %lt3A_644 : i1 to i32
        %cond3A_646 = arith.constant 0 : i32
        %cond3A_647 = arith.cmpi ne, %convert_element_type3A_645, %cond3A_646 : i32
        scf.if %cond3A_647 {
          %ge3A = arith.constant 1 : i32
          %ge3A_648 = arith.cmpi sge, %add3A_554, %ge3A : i32
          %convert_element_type3A_649 = arith.extui %ge3A_648 : i1 to i32
          %cond3A_650 = arith.constant 0 : i32
          %cond3A_651 = arith.cmpi ne, %convert_element_type3A_649, %cond3A_650 : i32
          scf.if %cond3A_651 {
            %dma_wait3A_686 = arith.constant 5 : i32
            %dma_wait3A_687 = arith.constant 5 : i32
            %dma_wait3A_688 = arith.constant 0 : i32
            %dma_wait3A_689 = arith.constant 0 : i32
            %dma_wait3A_690 = tpu.memref_slice %arg5[%dma_wait3A_686, %dma_wait3A_688, %dma_wait3A_689] : memref<6x64x128xf32, #tpu.memory_space<vmem>> -> memref<1x64x128xf32, #tpu.memory_space<vmem>>
            %dma_wait3A_691 = tpu.memref_squeeze %dma_wait3A_690 : memref<1x64x128xf32, #tpu.memory_space<vmem>> -> memref<64x128xf32, #tpu.memory_space<vmem>>
            %dma_wait3A_692 = arith.constant 0 : i32
            %dma_wait3A_693 = tpu.memref_slice %arg6[%dma_wait3A_687, %dma_wait3A_692] : memref<6x64xi32, #tpu.memory_space<vmem>> -> memref<1x64xi32, #tpu.memory_space<vmem>>
            %dma_wait3A_694 = tpu.memref_squeeze %dma_wait3A_693 : memref<1x64xi32, #tpu.memory_space<vmem>> -> memref<64xi32, #tpu.memory_space<vmem>>
            %dma_wait3A_695 = arith.constant 0 : i32
            %dma_wait3A_696 = arith.constant 0 : i32
            %dma_wait3A_697 = tpu.memref_slice %arg7[%dma_wait3A_695, %dma_wait3A_696] : memref<10000x128xf32, #tpu.memory_space<vmem_shared>> -> memref<10000x128xf32, #tpu.memory_space<vmem_shared>>
            tpu.wait_indirect_dma semaphore(%arg19 : memref<!tpu.dma_semaphore, #tpu.memory_space<semaphore_mem>>) src(%dma_wait3A_691 : memref<64x128xf32, #tpu.memory_space<vmem>>) dst(%dma_wait3A_697 : memref<10000x128xf32, #tpu.memory_space<vmem_shared>>)
          } else {
          }
          %add3A_652 = arith.constant 5 : i32
          %add3A_653 = arith.addi %add3A_554, %add3A_652 : i32
          %add3A_654 = arith.addi %mul3A_4, %add3A_653 : i32
          %mul3A_655 = arith.constant 64 : i32
          %mul3A_656 = arith.muli %add3A_654, %mul3A_655 : i32
          %multiple_of3A_657 = tpu.assume_multiple %mul3A_656, 8 : i32
          %dma_start3A_658 = arith.constant 5 : i32
          %dma_start3A_659 = arith.constant 0 : i32
          %dma_start3A_660 = arith.constant 0 : i32
          %dma_start3A_661 = tpu.memref_slice %arg5[%dma_start3A_658, %dma_start3A_659, %dma_start3A_660] : memref<6x64x128xf32, #tpu.memory_space<vmem>> -> memref<1x64x128xf32, #tpu.memory_space<vmem>>
          %dma_start3A_662 = tpu.memref_squeeze %dma_start3A_661 : memref<1x64x128xf32, #tpu.memory_space<vmem>> -> memref<64x128xf32, #tpu.memory_space<vmem>>
          %dma_start3A_663 = arith.constant 0 : i32
          %dma_start3A_664 = tpu.memref_slice %arg2[%multiple_of3A_657, %dma_start3A_663] : memref<320000x128xf32, #tpu.memory_space<hbm>> -> memref<64x128xf32, #tpu.memory_space<hbm>>
          %dma_start3A_665 = arith.constant 0 : i32
          %dma_start3A_666 = arith.constant 0 : i32
          %dma_start3A_667 = tpu.memref_slice %arg5[%dma_start3A_658, %dma_start3A_665, %dma_start3A_666] : memref<6x64x128xf32, #tpu.memory_space<vmem>> -> memref<1x64x128xf32, #tpu.memory_space<vmem>>
          %dma_start3A_668 = tpu.memref_squeeze %dma_start3A_667 : memref<1x64x128xf32, #tpu.memory_space<vmem>> -> memref<64x128xf32, #tpu.memory_space<vmem>>
          %dma_start3A_669 = arith.constant 0 : i32
          %dma_start3A_670 = tpu.memref_slice %arg2[%multiple_of3A_657, %dma_start3A_669] : memref<320000x128xf32, #tpu.memory_space<hbm>> -> memref<64x128xf32, #tpu.memory_space<hbm>>
          tpu.enqueue_dma source(%dma_start3A_670 : memref<64x128xf32, #tpu.memory_space<hbm>>) target(%dma_start3A_668 : memref<64x128xf32, #tpu.memory_space<vmem>>) target_semaphore(%arg13 : memref<!tpu.dma_semaphore, #tpu.memory_space<semaphore_mem>>)
          %add3A_671 = arith.addi %mul3A_4, %add3A_653 : i32
          %dma_start3A_672 = arith.constant 1 : i32
          %dma_start3A_673 = arith.constant 5 : i32
          %dma_start3A_674 = arith.constant 0 : i32
          %dma_start3A_675 = tpu.memref_slice %arg6[%dma_start3A_673, %dma_start3A_674] : memref<6x64xi32, #tpu.memory_space<vmem>> -> memref<1x64xi32, #tpu.memory_space<vmem>>
          %dma_start3A_676 = tpu.memref_squeeze %dma_start3A_675 : memref<1x64xi32, #tpu.memory_space<vmem>> -> memref<64xi32, #tpu.memory_space<vmem>>
          %dma_start3A_677 = arith.constant 0 : i32
          %dma_start3A_678 = tpu.memref_slice %arg3[%dma_start3A_672, %add3A_671, %dma_start3A_677] : memref<2x5000x64xi32, #tpu.memory_space<hbm>> -> memref<1x1x64xi32, #tpu.memory_space<hbm>>
          %dma_start3A_679 = tpu.memref_squeeze %dma_start3A_678 : memref<1x1x64xi32, #tpu.memory_space<hbm>> -> memref<64xi32, #tpu.memory_space<hbm>>
          %dma_start3A_680 = arith.constant 0 : i32
          %dma_start3A_681 = tpu.memref_slice %arg6[%dma_start3A_673, %dma_start3A_680] : memref<6x64xi32, #tpu.memory_space<vmem>> -> memref<1x64xi32, #tpu.memory_space<vmem>>
          %dma_start3A_682 = tpu.memref_squeeze %dma_start3A_681 : memref<1x64xi32, #tpu.memory_space<vmem>> -> memref<64xi32, #tpu.memory_space<vmem>>
          %dma_start3A_683 = arith.constant 0 : i32
          %dma_start3A_684 = tpu.memref_slice %arg3[%dma_start3A_672, %add3A_671, %dma_start3A_683] : memref<2x5000x64xi32, #tpu.memory_space<hbm>> -> memref<1x1x64xi32, #tpu.memory_space<hbm>>
          %dma_start3A_685 = tpu.memref_squeeze %dma_start3A_684 : memref<1x1x64xi32, #tpu.memory_space<hbm>> -> memref<64xi32, #tpu.memory_space<hbm>>
          tpu.enqueue_dma source(%dma_start3A_685 : memref<64xi32, #tpu.memory_space<hbm>>) target(%dma_start3A_682 : memref<64xi32, #tpu.memory_space<vmem>>) target_semaphore(%arg13 : memref<!tpu.dma_semaphore, #tpu.memory_space<semaphore_mem>>)
        } else {
        }
      } else {
      }
      %mul3A_558 = arith.constant 6 : i32
      %mul3A_559 = arith.muli %scan3A_550, %mul3A_558 : i32
      %add3A_560 = arith.constant 1 : i32
      %add3A_561 = arith.addi %mul3A_559, %add3A_560 : i32
      %lt3A_562 = arith.cmpi slt, %add3A_561, %min3A_6 : i32
      %convert_element_type3A_563 = arith.extui %lt3A_562 : i1 to i32
      %cond3A_564 = arith.constant 0 : i32
      %cond3A_565 = arith.cmpi ne, %convert_element_type3A_563, %cond3A_564 : i32
      scf.if %cond3A_565 {
        %add3A_598 = arith.addi %mul3A_4, %add3A_561 : i32
        %mul3A_599 = arith.constant 64 : i32
        %mul3A_600 = arith.muli %add3A_598, %mul3A_599 : i32
        %multiple_of3A_601 = tpu.assume_multiple %mul3A_600, 8 : i32
        %dma_wait3A_602 = arith.constant 1 : i32
        %dma_wait3A_603 = arith.constant 0 : i32
        %dma_wait3A_604 = arith.constant 0 : i32
        %dma_wait3A_605 = tpu.memref_slice %arg5[%dma_wait3A_602, %dma_wait3A_603, %dma_wait3A_604] : memref<6x64x128xf32, #tpu.memory_space<vmem>> -> memref<1x64x128xf32, #tpu.memory_space<vmem>>
        %dma_wait3A_606 = tpu.memref_squeeze %dma_wait3A_605 : memref<1x64x128xf32, #tpu.memory_space<vmem>> -> memref<64x128xf32, #tpu.memory_space<vmem>>
        %dma_wait3A_607 = arith.constant 0 : i32
        %dma_wait3A_608 = tpu.memref_slice %arg2[%multiple_of3A_601, %dma_wait3A_607] : memref<320000x128xf32, #tpu.memory_space<hbm>> -> memref<64x128xf32, #tpu.memory_space<hbm>>
        %dma_wait3A_609 = arith.constant 0 : i32
        %dma_wait3A_610 = arith.constant 0 : i32
        %dma_wait3A_611 = tpu.memref_slice %arg5[%dma_wait3A_602, %dma_wait3A_609, %dma_wait3A_610] : memref<6x64x128xf32, #tpu.memory_space<vmem>> -> memref<1x64x128xf32, #tpu.memory_space<vmem>>
        %dma_wait3A_612 = tpu.memref_squeeze %dma_wait3A_611 : memref<1x64x128xf32, #tpu.memory_space<vmem>> -> memref<64x128xf32, #tpu.memory_space<vmem>>
        %dma_wait3A_613 = arith.constant 0 : i32
        %dma_wait3A_614 = tpu.memref_slice %arg2[%multiple_of3A_601, %dma_wait3A_613] : memref<320000x128xf32, #tpu.memory_space<hbm>> -> memref<64x128xf32, #tpu.memory_space<hbm>>
        tpu.wait_dma2 semaphore(%arg9 : memref<!tpu.dma_semaphore, #tpu.memory_space<semaphore_mem>>) src(%dma_wait3A_614 : memref<64x128xf32, #tpu.memory_space<hbm>>) dst(%dma_wait3A_612 : memref<64x128xf32, #tpu.memory_space<vmem>>)
        %add3A_615 = arith.addi %mul3A_4, %add3A_561 : i32
        %dma_wait3A_616 = arith.constant 1 : i32
        %dma_wait3A_617 = arith.constant 1 : i32
        %dma_wait3A_618 = arith.constant 0 : i32
        %dma_wait3A_619 = tpu.memref_slice %arg6[%dma_wait3A_617, %dma_wait3A_618] : memref<6x64xi32, #tpu.memory_space<vmem>> -> memref<1x64xi32, #tpu.memory_space<vmem>>
        %dma_wait3A_620 = tpu.memref_squeeze %dma_wait3A_619 : memref<1x64xi32, #tpu.memory_space<vmem>> -> memref<64xi32, #tpu.memory_space<vmem>>
        %dma_wait3A_621 = arith.constant 0 : i32
        %dma_wait3A_622 = tpu.memref_slice %arg3[%dma_wait3A_616, %add3A_615, %dma_wait3A_621] : memref<2x5000x64xi32, #tpu.memory_space<hbm>> -> memref<1x1x64xi32, #tpu.memory_space<hbm>>
        %dma_wait3A_623 = tpu.memref_squeeze %dma_wait3A_622 : memref<1x1x64xi32, #tpu.memory_space<hbm>> -> memref<64xi32, #tpu.memory_space<hbm>>
        %dma_wait3A_624 = arith.constant 0 : i32
        %dma_wait3A_625 = tpu.memref_slice %arg6[%dma_wait3A_617, %dma_wait3A_624] : memref<6x64xi32, #tpu.memory_space<vmem>> -> memref<1x64xi32, #tpu.memory_space<vmem>>
        %dma_wait3A_626 = tpu.memref_squeeze %dma_wait3A_625 : memref<1x64xi32, #tpu.memory_space<vmem>> -> memref<64xi32, #tpu.memory_space<vmem>>
        %dma_wait3A_627 = arith.constant 0 : i32
        %dma_wait3A_628 = tpu.memref_slice %arg3[%dma_wait3A_616, %add3A_615, %dma_wait3A_627] : memref<2x5000x64xi32, #tpu.memory_space<hbm>> -> memref<1x1x64xi32, #tpu.memory_space<hbm>>
        %dma_wait3A_629 = tpu.memref_squeeze %dma_wait3A_628 : memref<1x1x64xi32, #tpu.memory_space<hbm>> -> memref<64xi32, #tpu.memory_space<hbm>>
        tpu.wait_dma2 semaphore(%arg9 : memref<!tpu.dma_semaphore, #tpu.memory_space<semaphore_mem>>) src(%dma_wait3A_629 : memref<64xi32, #tpu.memory_space<hbm>>) dst(%dma_wait3A_626 : memref<64xi32, #tpu.memory_space<vmem>>)
        %dma_start3A_630 = arith.constant 1 : i32
        %dma_start3A_631 = arith.constant 1 : i32
        %dma_start3A_632 = arith.constant 0 : i32
        %dma_start3A_633 = arith.constant 0 : i32
        %dma_start3A_634 = tpu.memref_slice %arg5[%dma_start3A_630, %dma_start3A_632, %dma_start3A_633] : memref<6x64x128xf32, #tpu.memory_space<vmem>> -> memref<1x64x128xf32, #tpu.memory_space<vmem>>
        %dma_start3A_635 = tpu.memref_squeeze %dma_start3A_634 : memref<1x64x128xf32, #tpu.memory_space<vmem>> -> memref<64x128xf32, #tpu.memory_space<vmem>>
        %dma_start3A_636 = arith.constant 0 : i32
        %dma_start3A_637 = tpu.memref_slice %arg6[%dma_start3A_631, %dma_start3A_636] : memref<6x64xi32, #tpu.memory_space<vmem>> -> memref<1x64xi32, #tpu.memory_space<vmem>>
        %dma_start3A_638 = tpu.memref_squeeze %dma_start3A_637 : memref<1x64xi32, #tpu.memory_space<vmem>> -> memref<64xi32, #tpu.memory_space<vmem>>
        %dma_start3A_639 = arith.constant 0 : i32
        %dma_start3A_640 = arith.constant 0 : i32
        %dma_start3A_641 = tpu.memref_slice %arg7[%dma_start3A_639, %dma_start3A_640] : memref<10000x128xf32, #tpu.memory_space<vmem_shared>> -> memref<10000x128xf32, #tpu.memory_space<vmem_shared>>
        tpu.enqueue_indirect_dma source(%dma_start3A_635 : memref<64x128xf32, #tpu.memory_space<vmem>>) target(%dma_start3A_641 : memref<10000x128xf32, #tpu.memory_space<vmem_shared>>) offsets(%dma_start3A_638 : memref<64xi32, #tpu.memory_space<vmem>>) semaphore(%arg15 : memref<!tpu.dma_semaphore, #tpu.memory_space<semaphore_mem>>) {add = true}
        %add3A_642 = arith.constant 5 : i32
        %add3A_643 = arith.addi %add3A_561, %add3A_642 : i32
        %lt3A_644 = arith.cmpi slt, %add3A_643, %min3A_6 : i32
        %convert_element_type3A_645 = arith.extui %lt3A_644 : i1 to i32
        %cond3A_646 = arith.constant 0 : i32
        %cond3A_647 = arith.cmpi ne, %convert_element_type3A_645, %cond3A_646 : i32
        scf.if %cond3A_647 {
          %ge3A = arith.constant 1 : i32
          %ge3A_648 = arith.cmpi sge, %add3A_561, %ge3A : i32
          %convert_element_type3A_649 = arith.extui %ge3A_648 : i1 to i32
          %cond3A_650 = arith.constant 0 : i32
          %cond3A_651 = arith.cmpi ne, %convert_element_type3A_649, %cond3A_650 : i32
          scf.if %cond3A_651 {
            %dma_wait3A_686 = arith.constant 0 : i32
            %dma_wait3A_687 = arith.constant 0 : i32
            %dma_wait3A_688 = arith.constant 0 : i32
            %dma_wait3A_689 = arith.constant 0 : i32
            %dma_wait3A_690 = tpu.memref_slice %arg5[%dma_wait3A_686, %dma_wait3A_688, %dma_wait3A_689] : memref<6x64x128xf32, #tpu.memory_space<vmem>> -> memref<1x64x128xf32, #tpu.memory_space<vmem>>
            %dma_wait3A_691 = tpu.memref_squeeze %dma_wait3A_690 : memref<1x64x128xf32, #tpu.memory_space<vmem>> -> memref<64x128xf32, #tpu.memory_space<vmem>>
            %dma_wait3A_692 = arith.constant 0 : i32
            %dma_wait3A_693 = tpu.memref_slice %arg6[%dma_wait3A_687, %dma_wait3A_692] : memref<6x64xi32, #tpu.memory_space<vmem>> -> memref<1x64xi32, #tpu.memory_space<vmem>>
            %dma_wait3A_694 = tpu.memref_squeeze %dma_wait3A_693 : memref<1x64xi32, #tpu.memory_space<vmem>> -> memref<64xi32, #tpu.memory_space<vmem>>
            %dma_wait3A_695 = arith.constant 0 : i32
            %dma_wait3A_696 = arith.constant 0 : i32
            %dma_wait3A_697 = tpu.memref_slice %arg7[%dma_wait3A_695, %dma_wait3A_696] : memref<10000x128xf32, #tpu.memory_space<vmem_shared>> -> memref<10000x128xf32, #tpu.memory_space<vmem_shared>>
            tpu.wait_indirect_dma semaphore(%arg14 : memref<!tpu.dma_semaphore, #tpu.memory_space<semaphore_mem>>) src(%dma_wait3A_691 : memref<64x128xf32, #tpu.memory_space<vmem>>) dst(%dma_wait3A_697 : memref<10000x128xf32, #tpu.memory_space<vmem_shared>>)
          } else {
          }
          %add3A_652 = arith.constant 5 : i32
          %add3A_653 = arith.addi %add3A_561, %add3A_652 : i32
          %add3A_654 = arith.addi %mul3A_4, %add3A_653 : i32
          %mul3A_655 = arith.constant 64 : i32
          %mul3A_656 = arith.muli %add3A_654, %mul3A_655 : i32
          %multiple_of3A_657 = tpu.assume_multiple %mul3A_656, 8 : i32
          %dma_start3A_658 = arith.constant 0 : i32
          %dma_start3A_659 = arith.constant 0 : i32
          %dma_start3A_660 = arith.constant 0 : i32
          %dma_start3A_661 = tpu.memref_slice %arg5[%dma_start3A_658, %dma_start3A_659, %dma_start3A_660] : memref<6x64x128xf32, #tpu.memory_space<vmem>> -> memref<1x64x128xf32, #tpu.memory_space<vmem>>
          %dma_start3A_662 = tpu.memref_squeeze %dma_start3A_661 : memref<1x64x128xf32, #tpu.memory_space<vmem>> -> memref<64x128xf32, #tpu.memory_space<vmem>>
          %dma_start3A_663 = arith.constant 0 : i32
          %dma_start3A_664 = tpu.memref_slice %arg2[%multiple_of3A_657, %dma_start3A_663] : memref<320000x128xf32, #tpu.memory_space<hbm>> -> memref<64x128xf32, #tpu.memory_space<hbm>>
          %dma_start3A_665 = arith.constant 0 : i32
          %dma_start3A_666 = arith.constant 0 : i32
          %dma_start3A_667 = tpu.memref_slice %arg5[%dma_start3A_658, %dma_start3A_665, %dma_start3A_666] : memref<6x64x128xf32, #tpu.memory_space<vmem>> -> memref<1x64x128xf32, #tpu.memory_space<vmem>>
          %dma_start3A_668 = tpu.memref_squeeze %dma_start3A_667 : memref<1x64x128xf32, #tpu.memory_space<vmem>> -> memref<64x128xf32, #tpu.memory_space<vmem>>
          %dma_start3A_669 = arith.constant 0 : i32
          %dma_start3A_670 = tpu.memref_slice %arg2[%multiple_of3A_657, %dma_start3A_669] : memref<320000x128xf32, #tpu.memory_space<hbm>> -> memref<64x128xf32, #tpu.memory_space<hbm>>
          tpu.enqueue_dma source(%dma_start3A_670 : memref<64x128xf32, #tpu.memory_space<hbm>>) target(%dma_start3A_668 : memref<64x128xf32, #tpu.memory_space<vmem>>) target_semaphore(%arg8 : memref<!tpu.dma_semaphore, #tpu.memory_space<semaphore_mem>>)
          %add3A_671 = arith.addi %mul3A_4, %add3A_653 : i32
          %dma_start3A_672 = arith.constant 1 : i32
          %dma_start3A_673 = arith.constant 0 : i32
          %dma_start3A_674 = arith.constant 0 : i32
          %dma_start3A_675 = tpu.memref_slice %arg6[%dma_start3A_673, %dma_start3A_674] : memref<6x64xi32, #tpu.memory_space<vmem>> -> memref<1x64xi32, #tpu.memory_space<vmem>>
          %dma_start3A_676 = tpu.memref_squeeze %dma_start3A_675 : memref<1x64xi32, #tpu.memory_space<vmem>> -> memref<64xi32, #tpu.memory_space<vmem>>
          %dma_start3A_677 = arith.constant 0 : i32
          %dma_start3A_678 = tpu.memref_slice %arg3[%dma_start3A_672, %add3A_671, %dma_start3A_677] : memref<2x5000x64xi32, #tpu.memory_space<hbm>> -> memref<1x1x64xi32, #tpu.memory_space<hbm>>
          %dma_start3A_679 = tpu.memref_squeeze %dma_start3A_678 : memref<1x1x64xi32, #tpu.memory_space<hbm>> -> memref<64xi32, #tpu.memory_space<hbm>>
          %dma_start3A_680 = arith.constant 0 : i32
          %dma_start3A_681 = tpu.memref_slice %arg6[%dma_start3A_673, %dma_start3A_680] : memref<6x64xi32, #tpu.memory_space<vmem>> -> memref<1x64xi32, #tpu.memory_space<vmem>>
          %dma_start3A_682 = tpu.memref_squeeze %dma_start3A_681 : memref<1x64xi32, #tpu.memory_space<vmem>> -> memref<64xi32, #tpu.memory_space<vmem>>
          %dma_start3A_683 = arith.constant 0 : i32
          %dma_start3A_684 = tpu.memref_slice %arg3[%dma_start3A_672, %add3A_671, %dma_start3A_683] : memref<2x5000x64xi32, #tpu.memory_space<hbm>> -> memref<1x1x64xi32, #tpu.memory_space<hbm>>
          %dma_start3A_685 = tpu.memref_squeeze %dma_start3A_684 : memref<1x1x64xi32, #tpu.memory_space<hbm>> -> memref<64xi32, #tpu.memory_space<hbm>>
          tpu.enqueue_dma source(%dma_start3A_685 : memref<64xi32, #tpu.memory_space<hbm>>) target(%dma_start3A_682 : memref<64xi32, #tpu.memory_space<vmem>>) target_semaphore(%arg8 : memref<!tpu.dma_semaphore, #tpu.memory_space<semaphore_mem>>)
        } else {
        }
      } else {
      }
      %mul3A_566 = arith.constant 6 : i32
      %mul3A_567 = arith.muli %scan3A_550, %mul3A_566 : i32
      %add3A_568 = arith.constant 2 : i32
      %add3A_569 = arith.addi %mul3A_567, %add3A_568 : i32
      %lt3A_570 = arith.cmpi slt, %add3A_569, %min3A_6 : i32
      %convert_element_type3A_571 = arith.extui %lt3A_570 : i1 to i32
      %cond3A_572 = arith.constant 0 : i32
      %cond3A_573 = arith.cmpi ne, %convert_element_type3A_571, %cond3A_572 : i32
      scf.if %cond3A_573 {
        %add3A_598 = arith.addi %mul3A_4, %add3A_569 : i32
        %mul3A_599 = arith.constant 64 : i32
        %mul3A_600 = arith.muli %add3A_598, %mul3A_599 : i32
        %multiple_of3A_601 = tpu.assume_multiple %mul3A_600, 8 : i32
        %dma_wait3A_602 = arith.constant 2 : i32
        %dma_wait3A_603 = arith.constant 0 : i32
        %dma_wait3A_604 = arith.constant 0 : i32
        %dma_wait3A_605 = tpu.memref_slice %arg5[%dma_wait3A_602, %dma_wait3A_603, %dma_wait3A_604] : memref<6x64x128xf32, #tpu.memory_space<vmem>> -> memref<1x64x128xf32, #tpu.memory_space<vmem>>
        %dma_wait3A_606 = tpu.memref_squeeze %dma_wait3A_605 : memref<1x64x128xf32, #tpu.memory_space<vmem>> -> memref<64x128xf32, #tpu.memory_space<vmem>>
        %dma_wait3A_607 = arith.constant 0 : i32
        %dma_wait3A_608 = tpu.memref_slice %arg2[%multiple_of3A_601, %dma_wait3A_607] : memref<320000x128xf32, #tpu.memory_space<hbm>> -> memref<64x128xf32, #tpu.memory_space<hbm>>
        %dma_wait3A_609 = arith.constant 0 : i32
        %dma_wait3A_610 = arith.constant 0 : i32
        %dma_wait3A_611 = tpu.memref_slice %arg5[%dma_wait3A_602, %dma_wait3A_609, %dma_wait3A_610] : memref<6x64x128xf32, #tpu.memory_space<vmem>> -> memref<1x64x128xf32, #tpu.memory_space<vmem>>
        %dma_wait3A_612 = tpu.memref_squeeze %dma_wait3A_611 : memref<1x64x128xf32, #tpu.memory_space<vmem>> -> memref<64x128xf32, #tpu.memory_space<vmem>>
        %dma_wait3A_613 = arith.constant 0 : i32
        %dma_wait3A_614 = tpu.memref_slice %arg2[%multiple_of3A_601, %dma_wait3A_613] : memref<320000x128xf32, #tpu.memory_space<hbm>> -> memref<64x128xf32, #tpu.memory_space<hbm>>
        tpu.wait_dma2 semaphore(%arg10 : memref<!tpu.dma_semaphore, #tpu.memory_space<semaphore_mem>>) src(%dma_wait3A_614 : memref<64x128xf32, #tpu.memory_space<hbm>>) dst(%dma_wait3A_612 : memref<64x128xf32, #tpu.memory_space<vmem>>)
        %add3A_615 = arith.addi %mul3A_4, %add3A_569 : i32
        %dma_wait3A_616 = arith.constant 1 : i32
        %dma_wait3A_617 = arith.constant 2 : i32
        %dma_wait3A_618 = arith.constant 0 : i32
        %dma_wait3A_619 = tpu.memref_slice %arg6[%dma_wait3A_617, %dma_wait3A_618] : memref<6x64xi32, #tpu.memory_space<vmem>> -> memref<1x64xi32, #tpu.memory_space<vmem>>
        %dma_wait3A_620 = tpu.memref_squeeze %dma_wait3A_619 : memref<1x64xi32, #tpu.memory_space<vmem>> -> memref<64xi32, #tpu.memory_space<vmem>>
        %dma_wait3A_621 = arith.constant 0 : i32
        %dma_wait3A_622 = tpu.memref_slice %arg3[%dma_wait3A_616, %add3A_615, %dma_wait3A_621] : memref<2x5000x64xi32, #tpu.memory_space<hbm>> -> memref<1x1x64xi32, #tpu.memory_space<hbm>>
        %dma_wait3A_623 = tpu.memref_squeeze %dma_wait3A_622 : memref<1x1x64xi32, #tpu.memory_space<hbm>> -> memref<64xi32, #tpu.memory_space<hbm>>
        %dma_wait3A_624 = arith.constant 0 : i32
        %dma_wait3A_625 = tpu.memref_slice %arg6[%dma_wait3A_617, %dma_wait3A_624] : memref<6x64xi32, #tpu.memory_space<vmem>> -> memref<1x64xi32, #tpu.memory_space<vmem>>
        %dma_wait3A_626 = tpu.memref_squeeze %dma_wait3A_625 : memref<1x64xi32, #tpu.memory_space<vmem>> -> memref<64xi32, #tpu.memory_space<vmem>>
        %dma_wait3A_627 = arith.constant 0 : i32
        %dma_wait3A_628 = tpu.memref_slice %arg3[%dma_wait3A_616, %add3A_615, %dma_wait3A_627] : memref<2x5000x64xi32, #tpu.memory_space<hbm>> -> memref<1x1x64xi32, #tpu.memory_space<hbm>>
        %dma_wait3A_629 = tpu.memref_squeeze %dma_wait3A_628 : memref<1x1x64xi32, #tpu.memory_space<hbm>> -> memref<64xi32, #tpu.memory_space<hbm>>
        tpu.wait_dma2 semaphore(%arg10 : memref<!tpu.dma_semaphore, #tpu.memory_space<semaphore_mem>>) src(%dma_wait3A_629 : memref<64xi32, #tpu.memory_space<hbm>>) dst(%dma_wait3A_626 : memref<64xi32, #tpu.memory_space<vmem>>)
        %dma_start3A_630 = arith.constant 2 : i32
        %dma_start3A_631 = arith.constant 2 : i32
        %dma_start3A_632 = arith.constant 0 : i32
        %dma_start3A_633 = arith.constant 0 : i32
        %dma_start3A_634 = tpu.memref_slice %arg5[%dma_start3A_630, %dma_start3A_632, %dma_start3A_633] : memref<6x64x128xf32, #tpu.memory_space<vmem>> -> memref<1x64x128xf32, #tpu.memory_space<vmem>>
        %dma_start3A_635 = tpu.memref_squeeze %dma_start3A_634 : memref<1x64x128xf32, #tpu.memory_space<vmem>> -> memref<64x128xf32, #tpu.memory_space<vmem>>
        %dma_start3A_636 = arith.constant 0 : i32
        %dma_start3A_637 = tpu.memref_slice %arg6[%dma_start3A_631, %dma_start3A_636] : memref<6x64xi32, #tpu.memory_space<vmem>> -> memref<1x64xi32, #tpu.memory_space<vmem>>
        %dma_start3A_638 = tpu.memref_squeeze %dma_start3A_637 : memref<1x64xi32, #tpu.memory_space<vmem>> -> memref<64xi32, #tpu.memory_space<vmem>>
        %dma_start3A_639 = arith.constant 0 : i32
        %dma_start3A_640 = arith.constant 0 : i32
        %dma_start3A_641 = tpu.memref_slice %arg7[%dma_start3A_639, %dma_start3A_640] : memref<10000x128xf32, #tpu.memory_space<vmem_shared>> -> memref<10000x128xf32, #tpu.memory_space<vmem_shared>>
        tpu.enqueue_indirect_dma source(%dma_start3A_635 : memref<64x128xf32, #tpu.memory_space<vmem>>) target(%dma_start3A_641 : memref<10000x128xf32, #tpu.memory_space<vmem_shared>>) offsets(%dma_start3A_638 : memref<64xi32, #tpu.memory_space<vmem>>) semaphore(%arg16 : memref<!tpu.dma_semaphore, #tpu.memory_space<semaphore_mem>>) {add = true}
        %add3A_642 = arith.constant 5 : i32
        %add3A_643 = arith.addi %add3A_569, %add3A_642 : i32
        %lt3A_644 = arith.cmpi slt, %add3A_643, %min3A_6 : i32
        %convert_element_type3A_645 = arith.extui %lt3A_644 : i1 to i32
        %cond3A_646 = arith.constant 0 : i32
        %cond3A_647 = arith.cmpi ne, %convert_element_type3A_645, %cond3A_646 : i32
        scf.if %cond3A_647 {
          %ge3A = arith.constant 1 : i32
          %ge3A_648 = arith.cmpi sge, %add3A_569, %ge3A : i32
          %convert_element_type3A_649 = arith.extui %ge3A_648 : i1 to i32
          %cond3A_650 = arith.constant 0 : i32
          %cond3A_651 = arith.cmpi ne, %convert_element_type3A_649, %cond3A_650 : i32
          scf.if %cond3A_651 {
            %dma_wait3A_686 = arith.constant 1 : i32
            %dma_wait3A_687 = arith.constant 1 : i32
            %dma_wait3A_688 = arith.constant 0 : i32
            %dma_wait3A_689 = arith.constant 0 : i32
            %dma_wait3A_690 = tpu.memref_slice %arg5[%dma_wait3A_686, %dma_wait3A_688, %dma_wait3A_689] : memref<6x64x128xf32, #tpu.memory_space<vmem>> -> memref<1x64x128xf32, #tpu.memory_space<vmem>>
            %dma_wait3A_691 = tpu.memref_squeeze %dma_wait3A_690 : memref<1x64x128xf32, #tpu.memory_space<vmem>> -> memref<64x128xf32, #tpu.memory_space<vmem>>
            %dma_wait3A_692 = arith.constant 0 : i32
            %dma_wait3A_693 = tpu.memref_slice %arg6[%dma_wait3A_687, %dma_wait3A_692] : memref<6x64xi32, #tpu.memory_space<vmem>> -> memref<1x64xi32, #tpu.memory_space<vmem>>
            %dma_wait3A_694 = tpu.memref_squeeze %dma_wait3A_693 : memref<1x64xi32, #tpu.memory_space<vmem>> -> memref<64xi32, #tpu.memory_space<vmem>>
            %dma_wait3A_695 = arith.constant 0 : i32
            %dma_wait3A_696 = arith.constant 0 : i32
            %dma_wait3A_697 = tpu.memref_slice %arg7[%dma_wait3A_695, %dma_wait3A_696] : memref<10000x128xf32, #tpu.memory_space<vmem_shared>> -> memref<10000x128xf32, #tpu.memory_space<vmem_shared>>
            tpu.wait_indirect_dma semaphore(%arg15 : memref<!tpu.dma_semaphore, #tpu.memory_space<semaphore_mem>>) src(%dma_wait3A_691 : memref<64x128xf32, #tpu.memory_space<vmem>>) dst(%dma_wait3A_697 : memref<10000x128xf32, #tpu.memory_space<vmem_shared>>)
          } else {
          }
          %add3A_652 = arith.constant 5 : i32
          %add3A_653 = arith.addi %add3A_569, %add3A_652 : i32
          %add3A_654 = arith.addi %mul3A_4, %add3A_653 : i32
          %mul3A_655 = arith.constant 64 : i32
          %mul3A_656 = arith.muli %add3A_654, %mul3A_655 : i32
          %multiple_of3A_657 = tpu.assume_multiple %mul3A_656, 8 : i32
          %dma_start3A_658 = arith.constant 1 : i32
          %dma_start3A_659 = arith.constant 0 : i32
          %dma_start3A_660 = arith.constant 0 : i32
          %dma_start3A_661 = tpu.memref_slice %arg5[%dma_start3A_658, %dma_start3A_659, %dma_start3A_660] : memref<6x64x128xf32, #tpu.memory_space<vmem>> -> memref<1x64x128xf32, #tpu.memory_space<vmem>>
          %dma_start3A_662 = tpu.memref_squeeze %dma_start3A_661 : memref<1x64x128xf32, #tpu.memory_space<vmem>> -> memref<64x128xf32, #tpu.memory_space<vmem>>
          %dma_start3A_663 = arith.constant 0 : i32
          %dma_start3A_664 = tpu.memref_slice %arg2[%multiple_of3A_657, %dma_start3A_663] : memref<320000x128xf32, #tpu.memory_space<hbm>> -> memref<64x128xf32, #tpu.memory_space<hbm>>
          %dma_start3A_665 = arith.constant 0 : i32
          %dma_start3A_666 = arith.constant 0 : i32
          %dma_start3A_667 = tpu.memref_slice %arg5[%dma_start3A_658, %dma_start3A_665, %dma_start3A_666] : memref<6x64x128xf32, #tpu.memory_space<vmem>> -> memref<1x64x128xf32, #tpu.memory_space<vmem>>
          %dma_start3A_668 = tpu.memref_squeeze %dma_start3A_667 : memref<1x64x128xf32, #tpu.memory_space<vmem>> -> memref<64x128xf32, #tpu.memory_space<vmem>>
          %dma_start3A_669 = arith.constant 0 : i32
          %dma_start3A_670 = tpu.memref_slice %arg2[%multiple_of3A_657, %dma_start3A_669] : memref<320000x128xf32, #tpu.memory_space<hbm>> -> memref<64x128xf32, #tpu.memory_space<hbm>>
          tpu.enqueue_dma source(%dma_start3A_670 : memref<64x128xf32, #tpu.memory_space<hbm>>) target(%dma_start3A_668 : memref<64x128xf32, #tpu.memory_space<vmem>>) target_semaphore(%arg9 : memref<!tpu.dma_semaphore, #tpu.memory_space<semaphore_mem>>)
          %add3A_671 = arith.addi %mul3A_4, %add3A_653 : i32
          %dma_start3A_672 = arith.constant 1 : i32
          %dma_start3A_673 = arith.constant 1 : i32
          %dma_start3A_674 = arith.constant 0 : i32
          %dma_start3A_675 = tpu.memref_slice %arg6[%dma_start3A_673, %dma_start3A_674] : memref<6x64xi32, #tpu.memory_space<vmem>> -> memref<1x64xi32, #tpu.memory_space<vmem>>
          %dma_start3A_676 = tpu.memref_squeeze %dma_start3A_675 : memref<1x64xi32, #tpu.memory_space<vmem>> -> memref<64xi32, #tpu.memory_space<vmem>>
          %dma_start3A_677 = arith.constant 0 : i32
          %dma_start3A_678 = tpu.memref_slice %arg3[%dma_start3A_672, %add3A_671, %dma_start3A_677] : memref<2x5000x64xi32, #tpu.memory_space<hbm>> -> memref<1x1x64xi32, #tpu.memory_space<hbm>>
          %dma_start3A_679 = tpu.memref_squeeze %dma_start3A_678 : memref<1x1x64xi32, #tpu.memory_space<hbm>> -> memref<64xi32, #tpu.memory_space<hbm>>
          %dma_start3A_680 = arith.constant 0 : i32
          %dma_start3A_681 = tpu.memref_slice %arg6[%dma_start3A_673, %dma_start3A_680] : memref<6x64xi32, #tpu.memory_space<vmem>> -> memref<1x64xi32, #tpu.memory_space<vmem>>
          %dma_start3A_682 = tpu.memref_squeeze %dma_start3A_681 : memref<1x64xi32, #tpu.memory_space<vmem>> -> memref<64xi32, #tpu.memory_space<vmem>>
          %dma_start3A_683 = arith.constant 0 : i32
          %dma_start3A_684 = tpu.memref_slice %arg3[%dma_start3A_672, %add3A_671, %dma_start3A_683] : memref<2x5000x64xi32, #tpu.memory_space<hbm>> -> memref<1x1x64xi32, #tpu.memory_space<hbm>>
          %dma_start3A_685 = tpu.memref_squeeze %dma_start3A_684 : memref<1x1x64xi32, #tpu.memory_space<hbm>> -> memref<64xi32, #tpu.memory_space<hbm>>
          tpu.enqueue_dma source(%dma_start3A_685 : memref<64xi32, #tpu.memory_space<hbm>>) target(%dma_start3A_682 : memref<64xi32, #tpu.memory_space<vmem>>) target_semaphore(%arg9 : memref<!tpu.dma_semaphore, #tpu.memory_space<semaphore_mem>>)
        } else {
        }
      } else {
      }
      %mul3A_574 = arith.constant 6 : i32
      %mul3A_575 = arith.muli %scan3A_550, %mul3A_574 : i32
      %add3A_576 = arith.constant 3 : i32
      %add3A_577 = arith.addi %mul3A_575, %add3A_576 : i32
      %lt3A_578 = arith.cmpi slt, %add3A_577, %min3A_6 : i32
      %convert_element_type3A_579 = arith.extui %lt3A_578 : i1 to i32
      %cond3A_580 = arith.constant 0 : i32
      %cond3A_581 = arith.cmpi ne, %convert_element_type3A_579, %cond3A_580 : i32
      scf.if %cond3A_581 {
        %add3A_598 = arith.addi %mul3A_4, %add3A_577 : i32
        %mul3A_599 = arith.constant 64 : i32
        %mul3A_600 = arith.muli %add3A_598, %mul3A_599 : i32
        %multiple_of3A_601 = tpu.assume_multiple %mul3A_600, 8 : i32
        %dma_wait3A_602 = arith.constant 3 : i32
        %dma_wait3A_603 = arith.constant 0 : i32
        %dma_wait3A_604 = arith.constant 0 : i32
        %dma_wait3A_605 = tpu.memref_slice %arg5[%dma_wait3A_602, %dma_wait3A_603, %dma_wait3A_604] : memref<6x64x128xf32, #tpu.memory_space<vmem>> -> memref<1x64x128xf32, #tpu.memory_space<vmem>>
        %dma_wait3A_606 = tpu.memref_squeeze %dma_wait3A_605 : memref<1x64x128xf32, #tpu.memory_space<vmem>> -> memref<64x128xf32, #tpu.memory_space<vmem>>
        %dma_wait3A_607 = arith.constant 0 : i32
        %dma_wait3A_608 = tpu.memref_slice %arg2[%multiple_of3A_601, %dma_wait3A_607] : memref<320000x128xf32, #tpu.memory_space<hbm>> -> memref<64x128xf32, #tpu.memory_space<hbm>>
        %dma_wait3A_609 = arith.constant 0 : i32
        %dma_wait3A_610 = arith.constant 0 : i32
        %dma_wait3A_611 = tpu.memref_slice %arg5[%dma_wait3A_602, %dma_wait3A_609, %dma_wait3A_610] : memref<6x64x128xf32, #tpu.memory_space<vmem>> -> memref<1x64x128xf32, #tpu.memory_space<vmem>>
        %dma_wait3A_612 = tpu.memref_squeeze %dma_wait3A_611 : memref<1x64x128xf32, #tpu.memory_space<vmem>> -> memref<64x128xf32, #tpu.memory_space<vmem>>
        %dma_wait3A_613 = arith.constant 0 : i32
        %dma_wait3A_614 = tpu.memref_slice %arg2[%multiple_of3A_601, %dma_wait3A_613] : memref<320000x128xf32, #tpu.memory_space<hbm>> -> memref<64x128xf32, #tpu.memory_space<hbm>>
        tpu.wait_dma2 semaphore(%arg11 : memref<!tpu.dma_semaphore, #tpu.memory_space<semaphore_mem>>) src(%dma_wait3A_614 : memref<64x128xf32, #tpu.memory_space<hbm>>) dst(%dma_wait3A_612 : memref<64x128xf32, #tpu.memory_space<vmem>>)
        %add3A_615 = arith.addi %mul3A_4, %add3A_577 : i32
        %dma_wait3A_616 = arith.constant 1 : i32
        %dma_wait3A_617 = arith.constant 3 : i32
        %dma_wait3A_618 = arith.constant 0 : i32
        %dma_wait3A_619 = tpu.memref_slice %arg6[%dma_wait3A_617, %dma_wait3A_618] : memref<6x64xi32, #tpu.memory_space<vmem>> -> memref<1x64xi32, #tpu.memory_space<vmem>>
        %dma_wait3A_620 = tpu.memref_squeeze %dma_wait3A_619 : memref<1x64xi32, #tpu.memory_space<vmem>> -> memref<64xi32, #tpu.memory_space<vmem>>
        %dma_wait3A_621 = arith.constant 0 : i32
        %dma_wait3A_622 = tpu.memref_slice %arg3[%dma_wait3A_616, %add3A_615, %dma_wait3A_621] : memref<2x5000x64xi32, #tpu.memory_space<hbm>> -> memref<1x1x64xi32, #tpu.memory_space<hbm>>
        %dma_wait3A_623 = tpu.memref_squeeze %dma_wait3A_622 : memref<1x1x64xi32, #tpu.memory_space<hbm>> -> memref<64xi32, #tpu.memory_space<hbm>>
        %dma_wait3A_624 = arith.constant 0 : i32
        %dma_wait3A_625 = tpu.memref_slice %arg6[%dma_wait3A_617, %dma_wait3A_624] : memref<6x64xi32, #tpu.memory_space<vmem>> -> memref<1x64xi32, #tpu.memory_space<vmem>>
        %dma_wait3A_626 = tpu.memref_squeeze %dma_wait3A_625 : memref<1x64xi32, #tpu.memory_space<vmem>> -> memref<64xi32, #tpu.memory_space<vmem>>
        %dma_wait3A_627 = arith.constant 0 : i32
        %dma_wait3A_628 = tpu.memref_slice %arg3[%dma_wait3A_616, %add3A_615, %dma_wait3A_627] : memref<2x5000x64xi32, #tpu.memory_space<hbm>> -> memref<1x1x64xi32, #tpu.memory_space<hbm>>
        %dma_wait3A_629 = tpu.memref_squeeze %dma_wait3A_628 : memref<1x1x64xi32, #tpu.memory_space<hbm>> -> memref<64xi32, #tpu.memory_space<hbm>>
        tpu.wait_dma2 semaphore(%arg11 : memref<!tpu.dma_semaphore, #tpu.memory_space<semaphore_mem>>) src(%dma_wait3A_629 : memref<64xi32, #tpu.memory_space<hbm>>) dst(%dma_wait3A_626 : memref<64xi32, #tpu.memory_space<vmem>>)
        %dma_start3A_630 = arith.constant 3 : i32
        %dma_start3A_631 = arith.constant 3 : i32
        %dma_start3A_632 = arith.constant 0 : i32
        %dma_start3A_633 = arith.constant 0 : i32
        %dma_start3A_634 = tpu.memref_slice %arg5[%dma_start3A_630, %dma_start3A_632, %dma_start3A_633] : memref<6x64x128xf32, #tpu.memory_space<vmem>> -> memref<1x64x128xf32, #tpu.memory_space<vmem>>
        %dma_start3A_635 = tpu.memref_squeeze %dma_start3A_634 : memref<1x64x128xf32, #tpu.memory_space<vmem>> -> memref<64x128xf32, #tpu.memory_space<vmem>>
        %dma_start3A_636 = arith.constant 0 : i32
        %dma_start3A_637 = tpu.memref_slice %arg6[%dma_start3A_631, %dma_start3A_636] : memref<6x64xi32, #tpu.memory_space<vmem>> -> memref<1x64xi32, #tpu.memory_space<vmem>>
        %dma_start3A_638 = tpu.memref_squeeze %dma_start3A_637 : memref<1x64xi32, #tpu.memory_space<vmem>> -> memref<64xi32, #tpu.memory_space<vmem>>
        %dma_start3A_639 = arith.constant 0 : i32
        %dma_start3A_640 = arith.constant 0 : i32
        %dma_start3A_641 = tpu.memref_slice %arg7[%dma_start3A_639, %dma_start3A_640] : memref<10000x128xf32, #tpu.memory_space<vmem_shared>> -> memref<10000x128xf32, #tpu.memory_space<vmem_shared>>
        tpu.enqueue_indirect_dma source(%dma_start3A_635 : memref<64x128xf32, #tpu.memory_space<vmem>>) target(%dma_start3A_641 : memref<10000x128xf32, #tpu.memory_space<vmem_shared>>) offsets(%dma_start3A_638 : memref<64xi32, #tpu.memory_space<vmem>>) semaphore(%arg17 : memref<!tpu.dma_semaphore, #tpu.memory_space<semaphore_mem>>) {add = true}
        %add3A_642 = arith.constant 5 : i32
        %add3A_643 = arith.addi %add3A_577, %add3A_642 : i32
        %lt3A_644 = arith.cmpi slt, %add3A_643, %min3A_6 : i32
        %convert_element_type3A_645 = arith.extui %lt3A_644 : i1 to i32
        %cond3A_646 = arith.constant 0 : i32
        %cond3A_647 = arith.cmpi ne, %convert_element_type3A_645, %cond3A_646 : i32
        scf.if %cond3A_647 {
          %ge3A = arith.constant 1 : i32
          %ge3A_648 = arith.cmpi sge, %add3A_577, %ge3A : i32
          %convert_element_type3A_649 = arith.extui %ge3A_648 : i1 to i32
          %cond3A_650 = arith.constant 0 : i32
          %cond3A_651 = arith.cmpi ne, %convert_element_type3A_649, %cond3A_650 : i32
          scf.if %cond3A_651 {
            %dma_wait3A_686 = arith.constant 2 : i32
            %dma_wait3A_687 = arith.constant 2 : i32
            %dma_wait3A_688 = arith.constant 0 : i32
            %dma_wait3A_689 = arith.constant 0 : i32
            %dma_wait3A_690 = tpu.memref_slice %arg5[%dma_wait3A_686, %dma_wait3A_688, %dma_wait3A_689] : memref<6x64x128xf32, #tpu.memory_space<vmem>> -> memref<1x64x128xf32, #tpu.memory_space<vmem>>
            %dma_wait3A_691 = tpu.memref_squeeze %dma_wait3A_690 : memref<1x64x128xf32, #tpu.memory_space<vmem>> -> memref<64x128xf32, #tpu.memory_space<vmem>>
            %dma_wait3A_692 = arith.constant 0 : i32
            %dma_wait3A_693 = tpu.memref_slice %arg6[%dma_wait3A_687, %dma_wait3A_692] : memref<6x64xi32, #tpu.memory_space<vmem>> -> memref<1x64xi32, #tpu.memory_space<vmem>>
            %dma_wait3A_694 = tpu.memref_squeeze %dma_wait3A_693 : memref<1x64xi32, #tpu.memory_space<vmem>> -> memref<64xi32, #tpu.memory_space<vmem>>
            %dma_wait3A_695 = arith.constant 0 : i32
            %dma_wait3A_696 = arith.constant 0 : i32
            %dma_wait3A_697 = tpu.memref_slice %arg7[%dma_wait3A_695, %dma_wait3A_696] : memref<10000x128xf32, #tpu.memory_space<vmem_shared>> -> memref<10000x128xf32, #tpu.memory_space<vmem_shared>>
            tpu.wait_indirect_dma semaphore(%arg16 : memref<!tpu.dma_semaphore, #tpu.memory_space<semaphore_mem>>) src(%dma_wait3A_691 : memref<64x128xf32, #tpu.memory_space<vmem>>) dst(%dma_wait3A_697 : memref<10000x128xf32, #tpu.memory_space<vmem_shared>>)
          } else {
          }
          %add3A_652 = arith.constant 5 : i32
          %add3A_653 = arith.addi %add3A_577, %add3A_652 : i32
          %add3A_654 = arith.addi %mul3A_4, %add3A_653 : i32
          %mul3A_655 = arith.constant 64 : i32
          %mul3A_656 = arith.muli %add3A_654, %mul3A_655 : i32
          %multiple_of3A_657 = tpu.assume_multiple %mul3A_656, 8 : i32
          %dma_start3A_658 = arith.constant 2 : i32
          %dma_start3A_659 = arith.constant 0 : i32
          %dma_start3A_660 = arith.constant 0 : i32
          %dma_start3A_661 = tpu.memref_slice %arg5[%dma_start3A_658, %dma_start3A_659, %dma_start3A_660] : memref<6x64x128xf32, #tpu.memory_space<vmem>> -> memref<1x64x128xf32, #tpu.memory_space<vmem>>
          %dma_start3A_662 = tpu.memref_squeeze %dma_start3A_661 : memref<1x64x128xf32, #tpu.memory_space<vmem>> -> memref<64x128xf32, #tpu.memory_space<vmem>>
          %dma_start3A_663 = arith.constant 0 : i32
          %dma_start3A_664 = tpu.memref_slice %arg2[%multiple_of3A_657, %dma_start3A_663] : memref<320000x128xf32, #tpu.memory_space<hbm>> -> memref<64x128xf32, #tpu.memory_space<hbm>>
          %dma_start3A_665 = arith.constant 0 : i32
          %dma_start3A_666 = arith.constant 0 : i32
          %dma_start3A_667 = tpu.memref_slice %arg5[%dma_start3A_658, %dma_start3A_665, %dma_start3A_666] : memref<6x64x128xf32, #tpu.memory_space<vmem>> -> memref<1x64x128xf32, #tpu.memory_space<vmem>>
          %dma_start3A_668 = tpu.memref_squeeze %dma_start3A_667 : memref<1x64x128xf32, #tpu.memory_space<vmem>> -> memref<64x128xf32, #tpu.memory_space<vmem>>
          %dma_start3A_669 = arith.constant 0 : i32
          %dma_start3A_670 = tpu.memref_slice %arg2[%multiple_of3A_657, %dma_start3A_669] : memref<320000x128xf32, #tpu.memory_space<hbm>> -> memref<64x128xf32, #tpu.memory_space<hbm>>
          tpu.enqueue_dma source(%dma_start3A_670 : memref<64x128xf32, #tpu.memory_space<hbm>>) target(%dma_start3A_668 : memref<64x128xf32, #tpu.memory_space<vmem>>) target_semaphore(%arg10 : memref<!tpu.dma_semaphore, #tpu.memory_space<semaphore_mem>>)
          %add3A_671 = arith.addi %mul3A_4, %add3A_653 : i32
          %dma_start3A_672 = arith.constant 1 : i32
          %dma_start3A_673 = arith.constant 2 : i32
          %dma_start3A_674 = arith.constant 0 : i32
          %dma_start3A_675 = tpu.memref_slice %arg6[%dma_start3A_673, %dma_start3A_674] : memref<6x64xi32, #tpu.memory_space<vmem>> -> memref<1x64xi32, #tpu.memory_space<vmem>>
          %dma_start3A_676 = tpu.memref_squeeze %dma_start3A_675 : memref<1x64xi32, #tpu.memory_space<vmem>> -> memref<64xi32, #tpu.memory_space<vmem>>
          %dma_start3A_677 = arith.constant 0 : i32
          %dma_start3A_678 = tpu.memref_slice %arg3[%dma_start3A_672, %add3A_671, %dma_start3A_677] : memref<2x5000x64xi32, #tpu.memory_space<hbm>> -> memref<1x1x64xi32, #tpu.memory_space<hbm>>
          %dma_start3A_679 = tpu.memref_squeeze %dma_start3A_678 : memref<1x1x64xi32, #tpu.memory_space<hbm>> -> memref<64xi32, #tpu.memory_space<hbm>>
          %dma_start3A_680 = arith.constant 0 : i32
          %dma_start3A_681 = tpu.memref_slice %arg6[%dma_start3A_673, %dma_start3A_680] : memref<6x64xi32, #tpu.memory_space<vmem>> -> memref<1x64xi32, #tpu.memory_space<vmem>>
          %dma_start3A_682 = tpu.memref_squeeze %dma_start3A_681 : memref<1x64xi32, #tpu.memory_space<vmem>> -> memref<64xi32, #tpu.memory_space<vmem>>
          %dma_start3A_683 = arith.constant 0 : i32
          %dma_start3A_684 = tpu.memref_slice %arg3[%dma_start3A_672, %add3A_671, %dma_start3A_683] : memref<2x5000x64xi32, #tpu.memory_space<hbm>> -> memref<1x1x64xi32, #tpu.memory_space<hbm>>
          %dma_start3A_685 = tpu.memref_squeeze %dma_start3A_684 : memref<1x1x64xi32, #tpu.memory_space<hbm>> -> memref<64xi32, #tpu.memory_space<hbm>>
          tpu.enqueue_dma source(%dma_start3A_685 : memref<64xi32, #tpu.memory_space<hbm>>) target(%dma_start3A_682 : memref<64xi32, #tpu.memory_space<vmem>>) target_semaphore(%arg10 : memref<!tpu.dma_semaphore, #tpu.memory_space<semaphore_mem>>)
        } else {
        }
      } else {
      }
      %mul3A_582 = arith.constant 6 : i32
      %mul3A_583 = arith.muli %scan3A_550, %mul3A_582 : i32
      %add3A_584 = arith.constant 4 : i32
      %add3A_585 = arith.addi %mul3A_583, %add3A_584 : i32
      %lt3A_586 = arith.cmpi slt, %add3A_585, %min3A_6 : i32
      %convert_element_type3A_587 = arith.extui %lt3A_586 : i1 to i32
      %cond3A_588 = arith.constant 0 : i32
      %cond3A_589 = arith.cmpi ne, %convert_element_type3A_587, %cond3A_588 : i32
      scf.if %cond3A_589 {
        %add3A_598 = arith.addi %mul3A_4, %add3A_585 : i32
        %mul3A_599 = arith.constant 64 : i32
        %mul3A_600 = arith.muli %add3A_598, %mul3A_599 : i32
        %multiple_of3A_601 = tpu.assume_multiple %mul3A_600, 8 : i32
        %dma_wait3A_602 = arith.constant 4 : i32
        %dma_wait3A_603 = arith.constant 0 : i32
        %dma_wait3A_604 = arith.constant 0 : i32
        %dma_wait3A_605 = tpu.memref_slice %arg5[%dma_wait3A_602, %dma_wait3A_603, %dma_wait3A_604] : memref<6x64x128xf32, #tpu.memory_space<vmem>> -> memref<1x64x128xf32, #tpu.memory_space<vmem>>
        %dma_wait3A_606 = tpu.memref_squeeze %dma_wait3A_605 : memref<1x64x128xf32, #tpu.memory_space<vmem>> -> memref<64x128xf32, #tpu.memory_space<vmem>>
        %dma_wait3A_607 = arith.constant 0 : i32
        %dma_wait3A_608 = tpu.memref_slice %arg2[%multiple_of3A_601, %dma_wait3A_607] : memref<320000x128xf32, #tpu.memory_space<hbm>> -> memref<64x128xf32, #tpu.memory_space<hbm>>
        %dma_wait3A_609 = arith.constant 0 : i32
        %dma_wait3A_610 = arith.constant 0 : i32
        %dma_wait3A_611 = tpu.memref_slice %arg5[%dma_wait3A_602, %dma_wait3A_609, %dma_wait3A_610] : memref<6x64x128xf32, #tpu.memory_space<vmem>> -> memref<1x64x128xf32, #tpu.memory_space<vmem>>
        %dma_wait3A_612 = tpu.memref_squeeze %dma_wait3A_611 : memref<1x64x128xf32, #tpu.memory_space<vmem>> -> memref<64x128xf32, #tpu.memory_space<vmem>>
        %dma_wait3A_613 = arith.constant 0 : i32
        %dma_wait3A_614 = tpu.memref_slice %arg2[%multiple_of3A_601, %dma_wait3A_613] : memref<320000x128xf32, #tpu.memory_space<hbm>> -> memref<64x128xf32, #tpu.memory_space<hbm>>
        tpu.wait_dma2 semaphore(%arg12 : memref<!tpu.dma_semaphore, #tpu.memory_space<semaphore_mem>>) src(%dma_wait3A_614 : memref<64x128xf32, #tpu.memory_space<hbm>>) dst(%dma_wait3A_612 : memref<64x128xf32, #tpu.memory_space<vmem>>)
        %add3A_615 = arith.addi %mul3A_4, %add3A_585 : i32
        %dma_wait3A_616 = arith.constant 1 : i32
        %dma_wait3A_617 = arith.constant 4 : i32
        %dma_wait3A_618 = arith.constant 0 : i32
        %dma_wait3A_619 = tpu.memref_slice %arg6[%dma_wait3A_617, %dma_wait3A_618] : memref<6x64xi32, #tpu.memory_space<vmem>> -> memref<1x64xi32, #tpu.memory_space<vmem>>
        %dma_wait3A_620 = tpu.memref_squeeze %dma_wait3A_619 : memref<1x64xi32, #tpu.memory_space<vmem>> -> memref<64xi32, #tpu.memory_space<vmem>>
        %dma_wait3A_621 = arith.constant 0 : i32
        %dma_wait3A_622 = tpu.memref_slice %arg3[%dma_wait3A_616, %add3A_615, %dma_wait3A_621] : memref<2x5000x64xi32, #tpu.memory_space<hbm>> -> memref<1x1x64xi32, #tpu.memory_space<hbm>>
        %dma_wait3A_623 = tpu.memref_squeeze %dma_wait3A_622 : memref<1x1x64xi32, #tpu.memory_space<hbm>> -> memref<64xi32, #tpu.memory_space<hbm>>
        %dma_wait3A_624 = arith.constant 0 : i32
        %dma_wait3A_625 = tpu.memref_slice %arg6[%dma_wait3A_617, %dma_wait3A_624] : memref<6x64xi32, #tpu.memory_space<vmem>> -> memref<1x64xi32, #tpu.memory_space<vmem>>
        %dma_wait3A_626 = tpu.memref_squeeze %dma_wait3A_625 : memref<1x64xi32, #tpu.memory_space<vmem>> -> memref<64xi32, #tpu.memory_space<vmem>>
        %dma_wait3A_627 = arith.constant 0 : i32
        %dma_wait3A_628 = tpu.memref_slice %arg3[%dma_wait3A_616, %add3A_615, %dma_wait3A_627] : memref<2x5000x64xi32, #tpu.memory_space<hbm>> -> memref<1x1x64xi32, #tpu.memory_space<hbm>>
        %dma_wait3A_629 = tpu.memref_squeeze %dma_wait3A_628 : memref<1x1x64xi32, #tpu.memory_space<hbm>> -> memref<64xi32, #tpu.memory_space<hbm>>
        tpu.wait_dma2 semaphore(%arg12 : memref<!tpu.dma_semaphore, #tpu.memory_space<semaphore_mem>>) src(%dma_wait3A_629 : memref<64xi32, #tpu.memory_space<hbm>>) dst(%dma_wait3A_626 : memref<64xi32, #tpu.memory_space<vmem>>)
        %dma_start3A_630 = arith.constant 4 : i32
        %dma_start3A_631 = arith.constant 4 : i32
        %dma_start3A_632 = arith.constant 0 : i32
        %dma_start3A_633 = arith.constant 0 : i32
        %dma_start3A_634 = tpu.memref_slice %arg5[%dma_start3A_630, %dma_start3A_632, %dma_start3A_633] : memref<6x64x128xf32, #tpu.memory_space<vmem>> -> memref<1x64x128xf32, #tpu.memory_space<vmem>>
        %dma_start3A_635 = tpu.memref_squeeze %dma_start3A_634 : memref<1x64x128xf32, #tpu.memory_space<vmem>> -> memref<64x128xf32, #tpu.memory_space<vmem>>
        %dma_start3A_636 = arith.constant 0 : i32
        %dma_start3A_637 = tpu.memref_slice %arg6[%dma_start3A_631, %dma_start3A_636] : memref<6x64xi32, #tpu.memory_space<vmem>> -> memref<1x64xi32, #tpu.memory_space<vmem>>
        %dma_start3A_638 = tpu.memref_squeeze %dma_start3A_637 : memref<1x64xi32, #tpu.memory_space<vmem>> -> memref<64xi32, #tpu.memory_space<vmem>>
        %dma_start3A_639 = arith.constant 0 : i32
        %dma_start3A_640 = arith.constant 0 : i32
        %dma_start3A_641 = tpu.memref_slice %arg7[%dma_start3A_639, %dma_start3A_640] : memref<10000x128xf32, #tpu.memory_space<vmem_shared>> -> memref<10000x128xf32, #tpu.memory_space<vmem_shared>>
        tpu.enqueue_indirect_dma source(%dma_start3A_635 : memref<64x128xf32, #tpu.memory_space<vmem>>) target(%dma_start3A_641 : memref<10000x128xf32, #tpu.memory_space<vmem_shared>>) offsets(%dma_start3A_638 : memref<64xi32, #tpu.memory_space<vmem>>) semaphore(%arg18 : memref<!tpu.dma_semaphore, #tpu.memory_space<semaphore_mem>>) {add = true}
        %add3A_642 = arith.constant 5 : i32
        %add3A_643 = arith.addi %add3A_585, %add3A_642 : i32
        %lt3A_644 = arith.cmpi slt, %add3A_643, %min3A_6 : i32
        %convert_element_type3A_645 = arith.extui %lt3A_644 : i1 to i32
        %cond3A_646 = arith.constant 0 : i32
        %cond3A_647 = arith.cmpi ne, %convert_element_type3A_645, %cond3A_646 : i32
        scf.if %cond3A_647 {
          %ge3A = arith.constant 1 : i32
          %ge3A_648 = arith.cmpi sge, %add3A_585, %ge3A : i32
          %convert_element_type3A_649 = arith.extui %ge3A_648 : i1 to i32
          %cond3A_650 = arith.constant 0 : i32
          %cond3A_651 = arith.cmpi ne, %convert_element_type3A_649, %cond3A_650 : i32
          scf.if %cond3A_651 {
            %dma_wait3A_686 = arith.constant 3 : i32
            %dma_wait3A_687 = arith.constant 3 : i32
            %dma_wait3A_688 = arith.constant 0 : i32
            %dma_wait3A_689 = arith.constant 0 : i32
            %dma_wait3A_690 = tpu.memref_slice %arg5[%dma_wait3A_686, %dma_wait3A_688, %dma_wait3A_689] : memref<6x64x128xf32, #tpu.memory_space<vmem>> -> memref<1x64x128xf32, #tpu.memory_space<vmem>>
            %dma_wait3A_691 = tpu.memref_squeeze %dma_wait3A_690 : memref<1x64x128xf32, #tpu.memory_space<vmem>> -> memref<64x128xf32, #tpu.memory_space<vmem>>
            %dma_wait3A_692 = arith.constant 0 : i32
            %dma_wait3A_693 = tpu.memref_slice %arg6[%dma_wait3A_687, %dma_wait3A_692] : memref<6x64xi32, #tpu.memory_space<vmem>> -> memref<1x64xi32, #tpu.memory_space<vmem>>
            %dma_wait3A_694 = tpu.memref_squeeze %dma_wait3A_693 : memref<1x64xi32, #tpu.memory_space<vmem>> -> memref<64xi32, #tpu.memory_space<vmem>>
            %dma_wait3A_695 = arith.constant 0 : i32
            %dma_wait3A_696 = arith.constant 0 : i32
            %dma_wait3A_697 = tpu.memref_slice %arg7[%dma_wait3A_695, %dma_wait3A_696] : memref<10000x128xf32, #tpu.memory_space<vmem_shared>> -> memref<10000x128xf32, #tpu.memory_space<vmem_shared>>
            tpu.wait_indirect_dma semaphore(%arg17 : memref<!tpu.dma_semaphore, #tpu.memory_space<semaphore_mem>>) src(%dma_wait3A_691 : memref<64x128xf32, #tpu.memory_space<vmem>>) dst(%dma_wait3A_697 : memref<10000x128xf32, #tpu.memory_space<vmem_shared>>)
          } else {
          }
          %add3A_652 = arith.constant 5 : i32
          %add3A_653 = arith.addi %add3A_585, %add3A_652 : i32
          %add3A_654 = arith.addi %mul3A_4, %add3A_653 : i32
          %mul3A_655 = arith.constant 64 : i32
          %mul3A_656 = arith.muli %add3A_654, %mul3A_655 : i32
          %multiple_of3A_657 = tpu.assume_multiple %mul3A_656, 8 : i32
          %dma_start3A_658 = arith.constant 3 : i32
          %dma_start3A_659 = arith.constant 0 : i32
          %dma_start3A_660 = arith.constant 0 : i32
          %dma_start3A_661 = tpu.memref_slice %arg5[%dma_start3A_658, %dma_start3A_659, %dma_start3A_660] : memref<6x64x128xf32, #tpu.memory_space<vmem>> -> memref<1x64x128xf32, #tpu.memory_space<vmem>>
          %dma_start3A_662 = tpu.memref_squeeze %dma_start3A_661 : memref<1x64x128xf32, #tpu.memory_space<vmem>> -> memref<64x128xf32, #tpu.memory_space<vmem>>
          %dma_start3A_663 = arith.constant 0 : i32
          %dma_start3A_664 = tpu.memref_slice %arg2[%multiple_of3A_657, %dma_start3A_663] : memref<320000x128xf32, #tpu.memory_space<hbm>> -> memref<64x128xf32, #tpu.memory_space<hbm>>
          %dma_start3A_665 = arith.constant 0 : i32
          %dma_start3A_666 = arith.constant 0 : i32
          %dma_start3A_667 = tpu.memref_slice %arg5[%dma_start3A_658, %dma_start3A_665, %dma_start3A_666] : memref<6x64x128xf32, #tpu.memory_space<vmem>> -> memref<1x64x128xf32, #tpu.memory_space<vmem>>
          %dma_start3A_668 = tpu.memref_squeeze %dma_start3A_667 : memref<1x64x128xf32, #tpu.memory_space<vmem>> -> memref<64x128xf32, #tpu.memory_space<vmem>>
          %dma_start3A_669 = arith.constant 0 : i32
          %dma_start3A_670 = tpu.memref_slice %arg2[%multiple_of3A_657, %dma_start3A_669] : memref<320000x128xf32, #tpu.memory_space<hbm>> -> memref<64x128xf32, #tpu.memory_space<hbm>>
          tpu.enqueue_dma source(%dma_start3A_670 : memref<64x128xf32, #tpu.memory_space<hbm>>) target(%dma_start3A_668 : memref<64x128xf32, #tpu.memory_space<vmem>>) target_semaphore(%arg11 : memref<!tpu.dma_semaphore, #tpu.memory_space<semaphore_mem>>)
          %add3A_671 = arith.addi %mul3A_4, %add3A_653 : i32
          %dma_start3A_672 = arith.constant 1 : i32
          %dma_start3A_673 = arith.constant 3 : i32
          %dma_start3A_674 = arith.constant 0 : i32
          %dma_start3A_675 = tpu.memref_slice %arg6[%dma_start3A_673, %dma_start3A_674] : memref<6x64xi32, #tpu.memory_space<vmem>> -> memref<1x64xi32, #tpu.memory_space<vmem>>
          %dma_start3A_676 = tpu.memref_squeeze %dma_start3A_675 : memref<1x64xi32, #tpu.memory_space<vmem>> -> memref<64xi32, #tpu.memory_space<vmem>>
          %dma_start3A_677 = arith.constant 0 : i32
          %dma_start3A_678 = tpu.memref_slice %arg3[%dma_start3A_672, %add3A_671, %dma_start3A_677] : memref<2x5000x64xi32, #tpu.memory_space<hbm>> -> memref<1x1x64xi32, #tpu.memory_space<hbm>>
          %dma_start3A_679 = tpu.memref_squeeze %dma_start3A_678 : memref<1x1x64xi32, #tpu.memory_space<hbm>> -> memref<64xi32, #tpu.memory_space<hbm>>
          %dma_start3A_680 = arith.constant 0 : i32
          %dma_start3A_681 = tpu.memref_slice %arg6[%dma_start3A_673, %dma_start3A_680] : memref<6x64xi32, #tpu.memory_space<vmem>> -> memref<1x64xi32, #tpu.memory_space<vmem>>
          %dma_start3A_682 = tpu.memref_squeeze %dma_start3A_681 : memref<1x64xi32, #tpu.memory_space<vmem>> -> memref<64xi32, #tpu.memory_space<vmem>>
          %dma_start3A_683 = arith.constant 0 : i32
          %dma_start3A_684 = tpu.memref_slice %arg3[%dma_start3A_672, %add3A_671, %dma_start3A_683] : memref<2x5000x64xi32, #tpu.memory_space<hbm>> -> memref<1x1x64xi32, #tpu.memory_space<hbm>>
          %dma_start3A_685 = tpu.memref_squeeze %dma_start3A_684 : memref<1x1x64xi32, #tpu.memory_space<hbm>> -> memref<64xi32, #tpu.memory_space<hbm>>
          tpu.enqueue_dma source(%dma_start3A_685 : memref<64xi32, #tpu.memory_space<hbm>>) target(%dma_start3A_682 : memref<64xi32, #tpu.memory_space<vmem>>) target_semaphore(%arg11 : memref<!tpu.dma_semaphore, #tpu.memory_space<semaphore_mem>>)
        } else {
        }
      } else {
      }
      %mul3A_590 = arith.constant 6 : i32
      %mul3A_591 = arith.muli %scan3A_550, %mul3A_590 : i32
      %add3A_592 = arith.constant 5 : i32
      %add3A_593 = arith.addi %mul3A_591, %add3A_592 : i32
      %lt3A_594 = arith.cmpi slt, %add3A_593, %min3A_6 : i32
      %convert_element_type3A_595 = arith.extui %lt3A_594 : i1 to i32
      %cond3A_596 = arith.constant 0 : i32
      %cond3A_597 = arith.cmpi ne, %convert_element_type3A_595, %cond3A_596 : i32
      scf.if %cond3A_597 {
        %add3A_598 = arith.addi %mul3A_4, %add3A_593 : i32
        %mul3A_599 = arith.constant 64 : i32
        %mul3A_600 = arith.muli %add3A_598, %mul3A_599 : i32
        %multiple_of3A_601 = tpu.assume_multiple %mul3A_600, 8 : i32
        %dma_wait3A_602 = arith.constant 5 : i32
        %dma_wait3A_603 = arith.constant 0 : i32
        %dma_wait3A_604 = arith.constant 0 : i32
        %dma_wait3A_605 = tpu.memref_slice %arg5[%dma_wait3A_602, %dma_wait3A_603, %dma_wait3A_604] : memref<6x64x128xf32, #tpu.memory_space<vmem>> -> memref<1x64x128xf32, #tpu.memory_space<vmem>>
        %dma_wait3A_606 = tpu.memref_squeeze %dma_wait3A_605 : memref<1x64x128xf32, #tpu.memory_space<vmem>> -> memref<64x128xf32, #tpu.memory_space<vmem>>
        %dma_wait3A_607 = arith.constant 0 : i32
        %dma_wait3A_608 = tpu.memref_slice %arg2[%multiple_of3A_601, %dma_wait3A_607] : memref<320000x128xf32, #tpu.memory_space<hbm>> -> memref<64x128xf32, #tpu.memory_space<hbm>>
        %dma_wait3A_609 = arith.constant 0 : i32
        %dma_wait3A_610 = arith.constant 0 : i32
        %dma_wait3A_611 = tpu.memref_slice %arg5[%dma_wait3A_602, %dma_wait3A_609, %dma_wait3A_610] : memref<6x64x128xf32, #tpu.memory_space<vmem>> -> memref<1x64x128xf32, #tpu.memory_space<vmem>>
        %dma_wait3A_612 = tpu.memref_squeeze %dma_wait3A_611 : memref<1x64x128xf32, #tpu.memory_space<vmem>> -> memref<64x128xf32, #tpu.memory_space<vmem>>
        %dma_wait3A_613 = arith.constant 0 : i32
        %dma_wait3A_614 = tpu.memref_slice %arg2[%multiple_of3A_601, %dma_wait3A_613] : memref<320000x128xf32, #tpu.memory_space<hbm>> -> memref<64x128xf32, #tpu.memory_space<hbm>>
        tpu.wait_dma2 semaphore(%arg13 : memref<!tpu.dma_semaphore, #tpu.memory_space<semaphore_mem>>) src(%dma_wait3A_614 : memref<64x128xf32, #tpu.memory_space<hbm>>) dst(%dma_wait3A_612 : memref<64x128xf32, #tpu.memory_space<vmem>>)
        %add3A_615 = arith.addi %mul3A_4, %add3A_593 : i32
        %dma_wait3A_616 = arith.constant 1 : i32
        %dma_wait3A_617 = arith.constant 5 : i32
        %dma_wait3A_618 = arith.constant 0 : i32
        %dma_wait3A_619 = tpu.memref_slice %arg6[%dma_wait3A_617, %dma_wait3A_618] : memref<6x64xi32, #tpu.memory_space<vmem>> -> memref<1x64xi32, #tpu.memory_space<vmem>>
        %dma_wait3A_620 = tpu.memref_squeeze %dma_wait3A_619 : memref<1x64xi32, #tpu.memory_space<vmem>> -> memref<64xi32, #tpu.memory_space<vmem>>
        %dma_wait3A_621 = arith.constant 0 : i32
        %dma_wait3A_622 = tpu.memref_slice %arg3[%dma_wait3A_616, %add3A_615, %dma_wait3A_621] : memref<2x5000x64xi32, #tpu.memory_space<hbm>> -> memref<1x1x64xi32, #tpu.memory_space<hbm>>
        %dma_wait3A_623 = tpu.memref_squeeze %dma_wait3A_622 : memref<1x1x64xi32, #tpu.memory_space<hbm>> -> memref<64xi32, #tpu.memory_space<hbm>>
        %dma_wait3A_624 = arith.constant 0 : i32
        %dma_wait3A_625 = tpu.memref_slice %arg6[%dma_wait3A_617, %dma_wait3A_624] : memref<6x64xi32, #tpu.memory_space<vmem>> -> memref<1x64xi32, #tpu.memory_space<vmem>>
        %dma_wait3A_626 = tpu.memref_squeeze %dma_wait3A_625 : memref<1x64xi32, #tpu.memory_space<vmem>> -> memref<64xi32, #tpu.memory_space<vmem>>
        %dma_wait3A_627 = arith.constant 0 : i32
        %dma_wait3A_628 = tpu.memref_slice %arg3[%dma_wait3A_616, %add3A_615, %dma_wait3A_627] : memref<2x5000x64xi32, #tpu.memory_space<hbm>> -> memref<1x1x64xi32, #tpu.memory_space<hbm>>
        %dma_wait3A_629 = tpu.memref_squeeze %dma_wait3A_628 : memref<1x1x64xi32, #tpu.memory_space<hbm>> -> memref<64xi32, #tpu.memory_space<hbm>>
        tpu.wait_dma2 semaphore(%arg13 : memref<!tpu.dma_semaphore, #tpu.memory_space<semaphore_mem>>) src(%dma_wait3A_629 : memref<64xi32, #tpu.memory_space<hbm>>) dst(%dma_wait3A_626 : memref<64xi32, #tpu.memory_space<vmem>>)
        %dma_start3A_630 = arith.constant 5 : i32
        %dma_start3A_631 = arith.constant 5 : i32
        %dma_start3A_632 = arith.constant 0 : i32
        %dma_start3A_633 = arith.constant 0 : i32
        %dma_start3A_634 = tpu.memref_slice %arg5[%dma_start3A_630, %dma_start3A_632, %dma_start3A_633] : memref<6x64x128xf32, #tpu.memory_space<vmem>> -> memref<1x64x128xf32, #tpu.memory_space<vmem>>
        %dma_start3A_635 = tpu.memref_squeeze %dma_start3A_634 : memref<1x64x128xf32, #tpu.memory_space<vmem>> -> memref<64x128xf32, #tpu.memory_space<vmem>>
        %dma_start3A_636 = arith.constant 0 : i32
        %dma_start3A_637 = tpu.memref_slice %arg6[%dma_start3A_631, %dma_start3A_636] : memref<6x64xi32, #tpu.memory_space<vmem>> -> memref<1x64xi32, #tpu.memory_space<vmem>>
        %dma_start3A_638 = tpu.memref_squeeze %dma_start3A_637 : memref<1x64xi32, #tpu.memory_space<vmem>> -> memref<64xi32, #tpu.memory_space<vmem>>
        %dma_start3A_639 = arith.constant 0 : i32
        %dma_start3A_640 = arith.constant 0 : i32
        %dma_start3A_641 = tpu.memref_slice %arg7[%dma_start3A_639, %dma_start3A_640] : memref<10000x128xf32, #tpu.memory_space<vmem_shared>> -> memref<10000x128xf32, #tpu.memory_space<vmem_shared>>
        tpu.enqueue_indirect_dma source(%dma_start3A_635 : memref<64x128xf32, #tpu.memory_space<vmem>>) target(%dma_start3A_641 : memref<10000x128xf32, #tpu.memory_space<vmem_shared>>) offsets(%dma_start3A_638 : memref<64xi32, #tpu.memory_space<vmem>>) semaphore(%arg19 : memref<!tpu.dma_semaphore, #tpu.memory_space<semaphore_mem>>) {add = true}
        %add3A_642 = arith.constant 5 : i32
        %add3A_643 = arith.addi %add3A_593, %add3A_642 : i32
        %lt3A_644 = arith.cmpi slt, %add3A_643, %min3A_6 : i32
        %convert_element_type3A_645 = arith.extui %lt3A_644 : i1 to i32
        %cond3A_646 = arith.constant 0 : i32
        %cond3A_647 = arith.cmpi ne, %convert_element_type3A_645, %cond3A_646 : i32
        scf.if %cond3A_647 {
          %ge3A = arith.constant 1 : i32
          %ge3A_648 = arith.cmpi sge, %add3A_593, %ge3A : i32
          %convert_element_type3A_649 = arith.extui %ge3A_648 : i1 to i32
          %cond3A_650 = arith.constant 0 : i32
          %cond3A_651 = arith.cmpi ne, %convert_element_type3A_649, %cond3A_650 : i32
          scf.if %cond3A_651 {
            %dma_wait3A_686 = arith.constant 4 : i32
            %dma_wait3A_687 = arith.constant 4 : i32
            %dma_wait3A_688 = arith.constant 0 : i32
            %dma_wait3A_689 = arith.constant 0 : i32
            %dma_wait3A_690 = tpu.memref_slice %arg5[%dma_wait3A_686, %dma_wait3A_688, %dma_wait3A_689] : memref<6x64x128xf32, #tpu.memory_space<vmem>> -> memref<1x64x128xf32, #tpu.memory_space<vmem>>
            %dma_wait3A_691 = tpu.memref_squeeze %dma_wait3A_690 : memref<1x64x128xf32, #tpu.memory_space<vmem>> -> memref<64x128xf32, #tpu.memory_space<vmem>>
            %dma_wait3A_692 = arith.constant 0 : i32
            %dma_wait3A_693 = tpu.memref_slice %arg6[%dma_wait3A_687, %dma_wait3A_692] : memref<6x64xi32, #tpu.memory_space<vmem>> -> memref<1x64xi32, #tpu.memory_space<vmem>>
            %dma_wait3A_694 = tpu.memref_squeeze %dma_wait3A_693 : memref<1x64xi32, #tpu.memory_space<vmem>> -> memref<64xi32, #tpu.memory_space<vmem>>
            %dma_wait3A_695 = arith.constant 0 : i32
            %dma_wait3A_696 = arith.constant 0 : i32
            %dma_wait3A_697 = tpu.memref_slice %arg7[%dma_wait3A_695, %dma_wait3A_696] : memref<10000x128xf32, #tpu.memory_space<vmem_shared>> -> memref<10000x128xf32, #tpu.memory_space<vmem_shared>>
            tpu.wait_indirect_dma semaphore(%arg18 : memref<!tpu.dma_semaphore, #tpu.memory_space<semaphore_mem>>) src(%dma_wait3A_691 : memref<64x128xf32, #tpu.memory_space<vmem>>) dst(%dma_wait3A_697 : memref<10000x128xf32, #tpu.memory_space<vmem_shared>>)
          } else {
          }
          %add3A_652 = arith.constant 5 : i32
          %add3A_653 = arith.addi %add3A_593, %add3A_652 : i32
          %add3A_654 = arith.addi %mul3A_4, %add3A_653 : i32
          %mul3A_655 = arith.constant 64 : i32
          %mul3A_656 = arith.muli %add3A_654, %mul3A_655 : i32
          %multiple_of3A_657 = tpu.assume_multiple %mul3A_656, 8 : i32
          %dma_start3A_658 = arith.constant 4 : i32
          %dma_start3A_659 = arith.constant 0 : i32
          %dma_start3A_660 = arith.constant 0 : i32
          %dma_start3A_661 = tpu.memref_slice %arg5[%dma_start3A_658, %dma_start3A_659, %dma_start3A_660] : memref<6x64x128xf32, #tpu.memory_space<vmem>> -> memref<1x64x128xf32, #tpu.memory_space<vmem>>
          %dma_start3A_662 = tpu.memref_squeeze %dma_start3A_661 : memref<1x64x128xf32, #tpu.memory_space<vmem>> -> memref<64x128xf32, #tpu.memory_space<vmem>>
          %dma_start3A_663 = arith.constant 0 : i32
          %dma_start3A_664 = tpu.memref_slice %arg2[%multiple_of3A_657, %dma_start3A_663] : memref<320000x128xf32, #tpu.memory_space<hbm>> -> memref<64x128xf32, #tpu.memory_space<hbm>>
          %dma_start3A_665 = arith.constant 0 : i32
          %dma_start3A_666 = arith.constant 0 : i32
          %dma_start3A_667 = tpu.memref_slice %arg5[%dma_start3A_658, %dma_start3A_665, %dma_start3A_666] : memref<6x64x128xf32, #tpu.memory_space<vmem>> -> memref<1x64x128xf32, #tpu.memory_space<vmem>>
          %dma_start3A_668 = tpu.memref_squeeze %dma_start3A_667 : memref<1x64x128xf32, #tpu.memory_space<vmem>> -> memref<64x128xf32, #tpu.memory_space<vmem>>
          %dma_start3A_669 = arith.constant 0 : i32
          %dma_start3A_670 = tpu.memref_slice %arg2[%multiple_of3A_657, %dma_start3A_669] : memref<320000x128xf32, #tpu.memory_space<hbm>> -> memref<64x128xf32, #tpu.memory_space<hbm>>
          tpu.enqueue_dma source(%dma_start3A_670 : memref<64x128xf32, #tpu.memory_space<hbm>>) target(%dma_start3A_668 : memref<64x128xf32, #tpu.memory_space<vmem>>) target_semaphore(%arg12 : memref<!tpu.dma_semaphore, #tpu.memory_space<semaphore_mem>>)
          %add3A_671 = arith.addi %mul3A_4, %add3A_653 : i32
          %dma_start3A_672 = arith.constant 1 : i32
          %dma_start3A_673 = arith.constant 4 : i32
          %dma_start3A_674 = arith.constant 0 : i32
          %dma_start3A_675 = tpu.memref_slice %arg6[%dma_start3A_673, %dma_start3A_674] : memref<6x64xi32, #tpu.memory_space<vmem>> -> memref<1x64xi32, #tpu.memory_space<vmem>>
          %dma_start3A_676 = tpu.memref_squeeze %dma_start3A_675 : memref<1x64xi32, #tpu.memory_space<vmem>> -> memref<64xi32, #tpu.memory_space<vmem>>
          %dma_start3A_677 = arith.constant 0 : i32
          %dma_start3A_678 = tpu.memref_slice %arg3[%dma_start3A_672, %add3A_671, %dma_start3A_677] : memref<2x5000x64xi32, #tpu.memory_space<hbm>> -> memref<1x1x64xi32, #tpu.memory_space<hbm>>
          %dma_start3A_679 = tpu.memref_squeeze %dma_start3A_678 : memref<1x1x64xi32, #tpu.memory_space<hbm>> -> memref<64xi32, #tpu.memory_space<hbm>>
          %dma_start3A_680 = arith.constant 0 : i32
          %dma_start3A_681 = tpu.memref_slice %arg6[%dma_start3A_673, %dma_start3A_680] : memref<6x64xi32, #tpu.memory_space<vmem>> -> memref<1x64xi32, #tpu.memory_space<vmem>>
          %dma_start3A_682 = tpu.memref_squeeze %dma_start3A_681 : memref<1x64xi32, #tpu.memory_space<vmem>> -> memref<64xi32, #tpu.memory_space<vmem>>
          %dma_start3A_683 = arith.constant 0 : i32
          %dma_start3A_684 = tpu.memref_slice %arg3[%dma_start3A_672, %add3A_671, %dma_start3A_683] : memref<2x5000x64xi32, #tpu.memory_space<hbm>> -> memref<1x1x64xi32, #tpu.memory_space<hbm>>
          %dma_start3A_685 = tpu.memref_squeeze %dma_start3A_684 : memref<1x1x64xi32, #tpu.memory_space<hbm>> -> memref<64xi32, #tpu.memory_space<hbm>>
          tpu.enqueue_dma source(%dma_start3A_685 : memref<64xi32, #tpu.memory_space<hbm>>) target(%dma_start3A_682 : memref<64xi32, #tpu.memory_space<vmem>>) target_semaphore(%arg12 : memref<!tpu.dma_semaphore, #tpu.memory_space<semaphore_mem>>)
        } else {
        }
      } else {
      }
    }
    %scan3A_471 = arith.constant 27 : i32
    %dma_wait3A_472 = arith.constant 0 : i32
    %dma_wait3A_473 = arith.constant 0 : i32
    %dma_wait3A_474 = arith.constant 0 : i32
    %dma_wait3A_475 = arith.constant 0 : i32
    %dma_wait3A_476 = tpu.memref_slice %arg5[%dma_wait3A_472, %dma_wait3A_474, %dma_wait3A_475] : memref<6x64x128xf32, #tpu.memory_space<vmem>> -> memref<1x64x128xf32, #tpu.memory_space<vmem>>
    %dma_wait3A_477 = tpu.memref_squeeze %dma_wait3A_476 : memref<1x64x128xf32, #tpu.memory_space<vmem>> -> memref<64x128xf32, #tpu.memory_space<vmem>>
    %dma_wait3A_478 = arith.constant 0 : i32
    %dma_wait3A_479 = tpu.memref_slice %arg6[%dma_wait3A_473, %dma_wait3A_478] : memref<6x64xi32, #tpu.memory_space<vmem>> -> memref<1x64xi32, #tpu.memory_space<vmem>>
    %dma_wait3A_480 = tpu.memref_squeeze %dma_wait3A_479 : memref<1x64xi32, #tpu.memory_space<vmem>> -> memref<64xi32, #tpu.memory_space<vmem>>
    %dma_wait3A_481 = arith.constant 0 : i32
    %dma_wait3A_482 = arith.constant 0 : i32
    %dma_wait3A_483 = tpu.memref_slice %arg7[%dma_wait3A_481, %dma_wait3A_482] : memref<10000x128xf32, #tpu.memory_space<vmem_shared>> -> memref<10000x128xf32, #tpu.memory_space<vmem_shared>>
    tpu.wait_indirect_dma semaphore(%arg14 : memref<!tpu.dma_semaphore, #tpu.memory_space<semaphore_mem>>) src(%dma_wait3A_477 : memref<64x128xf32, #tpu.memory_space<vmem>>) dst(%dma_wait3A_483 : memref<10000x128xf32, #tpu.memory_space<vmem_shared>>)
    %dma_wait3A_484 = arith.constant 1 : i32
    %dma_wait3A_485 = arith.constant 1 : i32
    %dma_wait3A_486 = arith.constant 0 : i32
    %dma_wait3A_487 = arith.constant 0 : i32
    %dma_wait3A_488 = tpu.memref_slice %arg5[%dma_wait3A_484, %dma_wait3A_486, %dma_wait3A_487] : memref<6x64x128xf32, #tpu.memory_space<vmem>> -> memref<1x64x128xf32, #tpu.memory_space<vmem>>
    %dma_wait3A_489 = tpu.memref_squeeze %dma_wait3A_488 : memref<1x64x128xf32, #tpu.memory_space<vmem>> -> memref<64x128xf32, #tpu.memory_space<vmem>>
    %dma_wait3A_490 = arith.constant 0 : i32
    %dma_wait3A_491 = tpu.memref_slice %arg6[%dma_wait3A_485, %dma_wait3A_490] : memref<6x64xi32, #tpu.memory_space<vmem>> -> memref<1x64xi32, #tpu.memory_space<vmem>>
    %dma_wait3A_492 = tpu.memref_squeeze %dma_wait3A_491 : memref<1x64xi32, #tpu.memory_space<vmem>> -> memref<64xi32, #tpu.memory_space<vmem>>
    %dma_wait3A_493 = arith.constant 0 : i32
    %dma_wait3A_494 = arith.constant 0 : i32
    %dma_wait3A_495 = tpu.memref_slice %arg7[%dma_wait3A_493, %dma_wait3A_494] : memref<10000x128xf32, #tpu.memory_space<vmem_shared>> -> memref<10000x128xf32, #tpu.memory_space<vmem_shared>>
    tpu.wait_indirect_dma semaphore(%arg15 : memref<!tpu.dma_semaphore, #tpu.memory_space<semaphore_mem>>) src(%dma_wait3A_489 : memref<64x128xf32, #tpu.memory_space<vmem>>) dst(%dma_wait3A_495 : memref<10000x128xf32, #tpu.memory_space<vmem_shared>>)
    %dma_wait3A_496 = arith.constant 2 : i32
    %dma_wait3A_497 = arith.constant 2 : i32
    %dma_wait3A_498 = arith.constant 0 : i32
    %dma_wait3A_499 = arith.constant 0 : i32
    %dma_wait3A_500 = tpu.memref_slice %arg5[%dma_wait3A_496, %dma_wait3A_498, %dma_wait3A_499] : memref<6x64x128xf32, #tpu.memory_space<vmem>> -> memref<1x64x128xf32, #tpu.memory_space<vmem>>
    %dma_wait3A_501 = tpu.memref_squeeze %dma_wait3A_500 : memref<1x64x128xf32, #tpu.memory_space<vmem>> -> memref<64x128xf32, #tpu.memory_space<vmem>>
    %dma_wait3A_502 = arith.constant 0 : i32
    %dma_wait3A_503 = tpu.memref_slice %arg6[%dma_wait3A_497, %dma_wait3A_502] : memref<6x64xi32, #tpu.memory_space<vmem>> -> memref<1x64xi32, #tpu.memory_space<vmem>>
    %dma_wait3A_504 = tpu.memref_squeeze %dma_wait3A_503 : memref<1x64xi32, #tpu.memory_space<vmem>> -> memref<64xi32, #tpu.memory_space<vmem>>
    %dma_wait3A_505 = arith.constant 0 : i32
    %dma_wait3A_506 = arith.constant 0 : i32
    %dma_wait3A_507 = tpu.memref_slice %arg7[%dma_wait3A_505, %dma_wait3A_506] : memref<10000x128xf32, #tpu.memory_space<vmem_shared>> -> memref<10000x128xf32, #tpu.memory_space<vmem_shared>>
    tpu.wait_indirect_dma semaphore(%arg16 : memref<!tpu.dma_semaphore, #tpu.memory_space<semaphore_mem>>) src(%dma_wait3A_501 : memref<64x128xf32, #tpu.memory_space<vmem>>) dst(%dma_wait3A_507 : memref<10000x128xf32, #tpu.memory_space<vmem_shared>>)
    %dma_wait3A_508 = arith.constant 3 : i32
    %dma_wait3A_509 = arith.constant 3 : i32
    %dma_wait3A_510 = arith.constant 0 : i32
    %dma_wait3A_511 = arith.constant 0 : i32
    %dma_wait3A_512 = tpu.memref_slice %arg5[%dma_wait3A_508, %dma_wait3A_510, %dma_wait3A_511] : memref<6x64x128xf32, #tpu.memory_space<vmem>> -> memref<1x64x128xf32, #tpu.memory_space<vmem>>
    %dma_wait3A_513 = tpu.memref_squeeze %dma_wait3A_512 : memref<1x64x128xf32, #tpu.memory_space<vmem>> -> memref<64x128xf32, #tpu.memory_space<vmem>>
    %dma_wait3A_514 = arith.constant 0 : i32
    %dma_wait3A_515 = tpu.memref_slice %arg6[%dma_wait3A_509, %dma_wait3A_514] : memref<6x64xi32, #tpu.memory_space<vmem>> -> memref<1x64xi32, #tpu.memory_space<vmem>>
    %dma_wait3A_516 = tpu.memref_squeeze %dma_wait3A_515 : memref<1x64xi32, #tpu.memory_space<vmem>> -> memref<64xi32, #tpu.memory_space<vmem>>
    %dma_wait3A_517 = arith.constant 0 : i32
    %dma_wait3A_518 = arith.constant 0 : i32
    %dma_wait3A_519 = tpu.memref_slice %arg7[%dma_wait3A_517, %dma_wait3A_518] : memref<10000x128xf32, #tpu.memory_space<vmem_shared>> -> memref<10000x128xf32, #tpu.memory_space<vmem_shared>>
    tpu.wait_indirect_dma semaphore(%arg17 : memref<!tpu.dma_semaphore, #tpu.memory_space<semaphore_mem>>) src(%dma_wait3A_513 : memref<64x128xf32, #tpu.memory_space<vmem>>) dst(%dma_wait3A_519 : memref<10000x128xf32, #tpu.memory_space<vmem_shared>>)
    %dma_wait3A_520 = arith.constant 4 : i32
    %dma_wait3A_521 = arith.constant 4 : i32
    %dma_wait3A_522 = arith.constant 0 : i32
    %dma_wait3A_523 = arith.constant 0 : i32
    %dma_wait3A_524 = tpu.memref_slice %arg5[%dma_wait3A_520, %dma_wait3A_522, %dma_wait3A_523] : memref<6x64x128xf32, #tpu.memory_space<vmem>> -> memref<1x64x128xf32, #tpu.memory_space<vmem>>
    %dma_wait3A_525 = tpu.memref_squeeze %dma_wait3A_524 : memref<1x64x128xf32, #tpu.memory_space<vmem>> -> memref<64x128xf32, #tpu.memory_space<vmem>>
    %dma_wait3A_526 = arith.constant 0 : i32
    %dma_wait3A_527 = tpu.memref_slice %arg6[%dma_wait3A_521, %dma_wait3A_526] : memref<6x64xi32, #tpu.memory_space<vmem>> -> memref<1x64xi32, #tpu.memory_space<vmem>>
    %dma_wait3A_528 = tpu.memref_squeeze %dma_wait3A_527 : memref<1x64xi32, #tpu.memory_space<vmem>> -> memref<64xi32, #tpu.memory_space<vmem>>
    %dma_wait3A_529 = arith.constant 0 : i32
    %dma_wait3A_530 = arith.constant 0 : i32
    %dma_wait3A_531 = tpu.memref_slice %arg7[%dma_wait3A_529, %dma_wait3A_530] : memref<10000x128xf32, #tpu.memory_space<vmem_shared>> -> memref<10000x128xf32, #tpu.memory_space<vmem_shared>>
    tpu.wait_indirect_dma semaphore(%arg18 : memref<!tpu.dma_semaphore, #tpu.memory_space<semaphore_mem>>) src(%dma_wait3A_525 : memref<64x128xf32, #tpu.memory_space<vmem>>) dst(%dma_wait3A_531 : memref<10000x128xf32, #tpu.memory_space<vmem_shared>>)
    %dma_wait3A_532 = arith.constant 5 : i32
    %dma_wait3A_533 = arith.constant 5 : i32
    %dma_wait3A_534 = arith.constant 0 : i32
    %dma_wait3A_535 = arith.constant 0 : i32
    %dma_wait3A_536 = tpu.memref_slice %arg5[%dma_wait3A_532, %dma_wait3A_534, %dma_wait3A_535] : memref<6x64x128xf32, #tpu.memory_space<vmem>> -> memref<1x64x128xf32, #tpu.memory_space<vmem>>
    %dma_wait3A_537 = tpu.memref_squeeze %dma_wait3A_536 : memref<1x64x128xf32, #tpu.memory_space<vmem>> -> memref<64x128xf32, #tpu.memory_space<vmem>>
    %dma_wait3A_538 = arith.constant 0 : i32
    %dma_wait3A_539 = tpu.memref_slice %arg6[%dma_wait3A_533, %dma_wait3A_538] : memref<6x64xi32, #tpu.memory_space<vmem>> -> memref<1x64xi32, #tpu.memory_space<vmem>>
    %dma_wait3A_540 = tpu.memref_squeeze %dma_wait3A_539 : memref<1x64xi32, #tpu.memory_space<vmem>> -> memref<64xi32, #tpu.memory_space<vmem>>
    %dma_wait3A_541 = arith.constant 0 : i32
    %dma_wait3A_542 = arith.constant 0 : i32
    %dma_wait3A_543 = tpu.memref_slice %arg7[%dma_wait3A_541, %dma_wait3A_542] : memref<10000x128xf32, #tpu.memory_space<vmem_shared>> -> memref<10000x128xf32, #tpu.memory_space<vmem_shared>>
    tpu.wait_indirect_dma semaphore(%arg19 : memref<!tpu.dma_semaphore, #tpu.memory_space<semaphore_mem>>) src(%dma_wait3A_537 : memref<64x128xf32, #tpu.memory_space<vmem>>) dst(%dma_wait3A_543 : memref<10000x128xf32, #tpu.memory_space<vmem_shared>>)
    %barrier3A_544 = arith.constant 0 : index
    tpu.barrier barrier_id(%barrier3A_544)
    "tpu.region"() ({
      %run_scoped3A = tpu.sem_alloc : memref<!tpu.dma_semaphore, #tpu.memory_space<semaphore_mem>>
      %dma_start3A_550 = arith.constant 0 : i32
      %dma_start3A_551 = tpu.memref_slice %arg4[%arg0, %mul3A_0, %dma_start3A_550] : memref<2x10000x128xf32, #tpu.memory_space<hbm>> -> memref<1x624x128xf32, #tpu.memory_space<hbm>>
      %dma_start3A_552 = tpu.memref_squeeze %dma_start3A_551 : memref<1x624x128xf32, #tpu.memory_space<hbm>> -> memref<624x128xf32, #tpu.memory_space<hbm>>
      %dma_start3A_553 = arith.constant 0 : i32
      %dma_start3A_554 = tpu.memref_slice %arg7[%mul3A_0, %dma_start3A_553] : memref<10000x128xf32, #tpu.memory_space<vmem_shared>> -> memref<624x128xf32, #tpu.memory_space<vmem_shared>>
      tpu.enqueue_dma source(%dma_start3A_554 : memref<624x128xf32, #tpu.memory_space<vmem_shared>>) target(%dma_start3A_552 : memref<624x128xf32, #tpu.memory_space<hbm>>) target_semaphore(%run_scoped3A : memref<!tpu.dma_semaphore, #tpu.memory_space<semaphore_mem>>)
      %dma_wait3A_555 = arith.constant 0 : i32
      %dma_wait3A_556 = tpu.memref_slice %arg4[%arg0, %mul3A_0, %dma_wait3A_555] : memref<2x10000x128xf32, #tpu.memory_space<hbm>> -> memref<1x624x128xf32, #tpu.memory_space<hbm>>
      %dma_wait3A_557 = tpu.memref_squeeze %dma_wait3A_556 : memref<1x624x128xf32, #tpu.memory_space<hbm>> -> memref<624x128xf32, #tpu.memory_space<hbm>>
      %dma_wait3A_558 = arith.constant 0 : i32
      %dma_wait3A_559 = tpu.memref_slice %arg7[%mul3A_0, %dma_wait3A_558] : memref<10000x128xf32, #tpu.memory_space<vmem_shared>> -> memref<624x128xf32, #tpu.memory_space<vmem_shared>>
      tpu.wait_dma2 semaphore(%run_scoped3A : memref<!tpu.dma_semaphore, #tpu.memory_space<semaphore_mem>>) src(%dma_wait3A_559 : memref<624x128xf32, #tpu.memory_space<vmem_shared>>) dst(%dma_wait3A_557 : memref<624x128xf32, #tpu.memory_space<hbm>>)
      tpu.yield
    }) : () -> ()
    %eq3A_545 = arith.constant 15 : i32
    %eq3A_546 = arith.cmpi eq, %arg1, %eq3A_545 : i32
    %convert_element_type3A_547 = arith.extui %eq3A_546 : i1 to i32
    %cond3A_548 = arith.constant 0 : i32
    %cond3A_549 = arith.cmpi ne, %convert_element_type3A_547, %cond3A_548 : i32
    scf.if %cond3A_549 {
      "tpu.region"() ({
        %run_scoped3A = tpu.sem_alloc : memref<!tpu.dma_semaphore, #tpu.memory_space<semaphore_mem>>
        %dma_start3A_550 = arith.constant 9984 : i32
        %dma_start3A_551 = arith.constant 0 : i32
        %dma_start3A_552 = tpu.memref_slice %arg4[%arg0, %dma_start3A_550, %dma_start3A_551] : memref<2x10000x128xf32, #tpu.memory_space<hbm>> -> memref<1x16x128xf32, #tpu.memory_space<hbm>>
        %dma_start3A_553 = tpu.memref_squeeze %dma_start3A_552 : memref<1x16x128xf32, #tpu.memory_space<hbm>> -> memref<16x128xf32, #tpu.memory_space<hbm>>
        %dma_start3A_554 = arith.constant 9984 : i32
        %dma_start3A_555 = arith.constant 0 : i32
        %dma_start3A_556 = tpu.memref_slice %arg7[%dma_start3A_554, %dma_start3A_555] : memref<10000x128xf32, #tpu.memory_space<vmem_shared>> -> memref<16x128xf32, #tpu.memory_space<vmem_shared>>
        tpu.enqueue_dma source(%dma_start3A_556 : memref<16x128xf32, #tpu.memory_space<vmem_shared>>) target(%dma_start3A_553 : memref<16x128xf32, #tpu.memory_space<hbm>>) target_semaphore(%run_scoped3A : memref<!tpu.dma_semaphore, #tpu.memory_space<semaphore_mem>>)
        %dma_wait3A_557 = arith.constant 9984 : i32
        %dma_wait3A_558 = arith.constant 0 : i32
        %dma_wait3A_559 = tpu.memref_slice %arg4[%arg0, %dma_wait3A_557, %dma_wait3A_558] : memref<2x10000x128xf32, #tpu.memory_space<hbm>> -> memref<1x16x128xf32, #tpu.memory_space<hbm>>
        %dma_wait3A_560 = tpu.memref_squeeze %dma_wait3A_559 : memref<1x16x128xf32, #tpu.memory_space<hbm>> -> memref<16x128xf32, #tpu.memory_space<hbm>>
        %dma_wait3A_561 = arith.constant 9984 : i32
        %dma_wait3A_562 = arith.constant 0 : i32
        %dma_wait3A_563 = tpu.memref_slice %arg7[%dma_wait3A_561, %dma_wait3A_562] : memref<10000x128xf32, #tpu.memory_space<vmem_shared>> -> memref<16x128xf32, #tpu.memory_space<vmem_shared>>
        tpu.wait_dma2 semaphore(%run_scoped3A : memref<!tpu.dma_semaphore, #tpu.memory_space<semaphore_mem>>) src(%dma_wait3A_563 : memref<16x128xf32, #tpu.memory_space<vmem_shared>>) dst(%dma_wait3A_560 : memref<16x128xf32, #tpu.memory_space<hbm>>)
        tpu.yield
      }) : () -> ()
    } else {
    }
    return
  }
}

module attributes {stable_mosaic.version = 14 : i64} {
  func.func @body(%arg0: i32, %arg1: memref<2000x128xf32, #tpu.memory_space<vmem>>, %arg2: memref<2x2000x128xf32, #tpu.memory_space<vmem>>, %arg3: memref<128x256xf32, #tpu.memory_space<vmem>>, %arg4: memref<128x256xf32, #tpu.memory_space<vmem>>, %arg5: memref<1x256xf32, #tpu.memory_space<vmem>>, %arg6: memref<256x256xf32, #tpu.memory_space<vmem>>, %arg7: memref<1x256xf32, #tpu.memory_space<vmem>>, %arg8: memref<256x128xf32, #tpu.memory_space<vmem>>, %arg9: memref<1x128xf32, #tpu.memory_space<vmem>>, %arg10: memref<1x128xf32, #tpu.memory_space<vmem>>, %arg11: memref<1x128xf32, #tpu.memory_space<vmem>>, %arg12: memref<2000x128xf32, #tpu.memory_space<vmem>>) attributes {dimension_semantics = [#tpu.dimension_semantics<arbitrary>], iteration_bounds = array<i64: 5>, scalar_prefetch = 0 : i64, scratch_operands = 0 : i64, tpu.core_type = #tpu.core_type<tc>, window_params = [{transform_indices = @transform_0, window_bounds = array<i64: 2000, 128>}, {transform_indices = @transform_1, window_bounds = array<i64: 2, 2000, 128>}, {pipeline_mode = #tpu.pipeline_mode<synchronous>, transform_indices = @transform_2, window_bounds = array<i64: 128, 256>}, {pipeline_mode = #tpu.pipeline_mode<synchronous>, transform_indices = @transform_3, window_bounds = array<i64: 128, 256>}, {pipeline_mode = #tpu.pipeline_mode<synchronous>, transform_indices = @transform_4, window_bounds = array<i64: 1, 256>}, {pipeline_mode = #tpu.pipeline_mode<synchronous>, transform_indices = @transform_5, window_bounds = array<i64: 256, 256>}, {pipeline_mode = #tpu.pipeline_mode<synchronous>, transform_indices = @transform_6, window_bounds = array<i64: 1, 256>}, {pipeline_mode = #tpu.pipeline_mode<synchronous>, transform_indices = @transform_7, window_bounds = array<i64: 256, 128>}, {pipeline_mode = #tpu.pipeline_mode<synchronous>, transform_indices = @transform_8, window_bounds = array<i64: 1, 128>}, {pipeline_mode = #tpu.pipeline_mode<synchronous>, transform_indices = @transform_9, window_bounds = array<i64: 1, 128>}, {pipeline_mode = #tpu.pipeline_mode<synchronous>, transform_indices = @transform_10, window_bounds = array<i64: 1, 128>}, {transform_indices = @transform_11, window_bounds = array<i64: 2000, 128>}]} {
    %get3A = arith.constant 0 : index
    %get3A_0 = arith.constant 0 : index
    %get3A_1 = vector.load %arg1[%get3A, %get3A_0] : memref<2000x128xf32, #tpu.memory_space<vmem>>, vector<2000x128xf32>
    %get3A_2 = arith.constant 0 : index
    %get3A_3 = arith.constant 0 : index
    %get3A_4 = arith.constant 0 : index
    %get3A_5 = vector.load %arg2[%get3A_2, %get3A_3, %get3A_4] : memref<2x2000x128xf32, #tpu.memory_space<vmem>>, vector<1x2000x128xf32>
    %get3A_6 = vector.shape_cast %get3A_5 : vector<1x2000x128xf32> to vector<2000x128xf32>
    %get3A_7 = arith.constant 1 : index
    %get3A_8 = arith.constant 0 : index
    %get3A_9 = arith.constant 0 : index
    %get3A_10 = vector.load %arg2[%get3A_7, %get3A_8, %get3A_9] : memref<2x2000x128xf32, #tpu.memory_space<vmem>>, vector<1x2000x128xf32>
    %get3A_11 = vector.shape_cast %get3A_10 : vector<1x2000x128xf32> to vector<2000x128xf32>
    %add3A = arith.addf %get3A_6, %get3A_11 : vector<2000x128xf32>
    %get3A_12 = arith.constant 0 : index
    %get3A_13 = arith.constant 0 : index
    %get3A_14 = vector.load %arg3[%get3A_12, %get3A_13] : memref<128x256xf32, #tpu.memory_space<vmem>>, vector<128x256xf32>
    %dot_general3A = arith.constant dense<0.000000e+00> : vector<2000x256xf32>
    %dot_general3A_15 = tpu.matmul %get3A_1, %get3A_14, %dot_general3A {dimension_numbers = #tpu.dot_dimension_numbers<[1], [0], [0], [1], [0, 0, 1, 1], [], []>, transpose_lhs_hint = false} : vector<2000x128xf32>, vector<128x256xf32>, vector<2000x256xf32> -> vector<2000x256xf32>
    %get3A_16 = arith.constant 0 : index
    %get3A_17 = arith.constant 0 : index
    %get3A_18 = vector.load %arg4[%get3A_16, %get3A_17] : memref<128x256xf32, #tpu.memory_space<vmem>>, vector<128x256xf32>
    %dot_general3A_19 = arith.constant dense<0.000000e+00> : vector<2000x256xf32>
    %dot_general3A_20 = tpu.matmul %add3A, %get3A_18, %dot_general3A_19 {dimension_numbers = #tpu.dot_dimension_numbers<[1], [0], [0], [1], [0, 0, 1, 1], [], []>, transpose_lhs_hint = false} : vector<2000x128xf32>, vector<128x256xf32>, vector<2000x256xf32> -> vector<2000x256xf32>
    %add3A_21 = arith.addf %dot_general3A_15, %dot_general3A_20 : vector<2000x256xf32>
    %get3A_22 = arith.constant 0 : index
    %get3A_23 = arith.constant 0 : index
    %get3A_24 = vector.load %arg5[%get3A_22, %get3A_23] : memref<1x256xf32, #tpu.memory_space<vmem>>, vector<1x256xf32>
    %add3A_25 = vector.broadcast %get3A_24 : vector<1x256xf32> to vector<2000x256xf32>
    %add3A_26 = arith.addf %add3A_21, %add3A_25 : vector<2000x256xf32>
    %max3A = arith.constant 0.000000e+00 : f32
    %max3A_27 = vector.broadcast %max3A : f32 to vector<2000x256xf32>
    %max3A_28 = arith.maximumf %add3A_26, %max3A_27 : vector<2000x256xf32>
    %get3A_29 = arith.constant 0 : index
    %get3A_30 = arith.constant 0 : index
    %get3A_31 = vector.load %arg6[%get3A_29, %get3A_30] : memref<256x256xf32, #tpu.memory_space<vmem>>, vector<256x256xf32>
    %dot_general3A_32 = arith.constant dense<0.000000e+00> : vector<2000x256xf32>
    %dot_general3A_33 = tpu.matmul %max3A_28, %get3A_31, %dot_general3A_32 {dimension_numbers = #tpu.dot_dimension_numbers<[1], [0], [0], [1], [0, 0, 1, 1], [], []>, transpose_lhs_hint = false} : vector<2000x256xf32>, vector<256x256xf32>, vector<2000x256xf32> -> vector<2000x256xf32>
    %get3A_34 = arith.constant 0 : index
    %get3A_35 = arith.constant 0 : index
    %get3A_36 = vector.load %arg7[%get3A_34, %get3A_35] : memref<1x256xf32, #tpu.memory_space<vmem>>, vector<1x256xf32>
    %add3A_37 = vector.broadcast %get3A_36 : vector<1x256xf32> to vector<2000x256xf32>
    %add3A_38 = arith.addf %dot_general3A_33, %add3A_37 : vector<2000x256xf32>
    %max3A_39 = arith.constant 0.000000e+00 : f32
    %max3A_40 = vector.broadcast %max3A_39 : f32 to vector<2000x256xf32>
    %max3A_41 = arith.maximumf %add3A_38, %max3A_40 : vector<2000x256xf32>
    %get3A_42 = arith.constant 0 : index
    %get3A_43 = arith.constant 0 : index
    %get3A_44 = vector.load %arg8[%get3A_42, %get3A_43] : memref<256x128xf32, #tpu.memory_space<vmem>>, vector<256x128xf32>
    %dot_general3A_45 = arith.constant dense<0.000000e+00> : vector<2000x128xf32>
    %dot_general3A_46 = tpu.matmul %max3A_41, %get3A_44, %dot_general3A_45 {dimension_numbers = #tpu.dot_dimension_numbers<[1], [0], [0], [1], [0, 0, 1, 1], [], []>, transpose_lhs_hint = false} : vector<2000x256xf32>, vector<256x128xf32>, vector<2000x128xf32> -> vector<2000x128xf32>
    %get3A_47 = arith.constant 0 : index
    %get3A_48 = arith.constant 0 : index
    %get3A_49 = vector.load %arg9[%get3A_47, %get3A_48] : memref<1x128xf32, #tpu.memory_space<vmem>>, vector<1x128xf32>
    %add3A_50 = vector.broadcast %get3A_49 : vector<1x128xf32> to vector<2000x128xf32>
    %add3A_51 = arith.addf %dot_general3A_46, %add3A_50 : vector<2000x128xf32>
    %reduce_sum3A = arith.constant dense<0.000000e+00> : vector<2000xf32>
    %reduce_sum3A_52 = vector.multi_reduction <add>, %add3A_51, %reduce_sum3A [1] : vector<2000x128xf32> to vector<2000xf32>
    %broadcast_in_dim3A = vector.shape_cast %reduce_sum3A_52 : vector<2000xf32> to vector<2000x1xf32>
    %div3A = arith.constant 1.280000e+02 : f32
    %div3A_53 = vector.broadcast %div3A : f32 to vector<2000x1xf32>
    %div3A_54 = arith.divf %broadcast_in_dim3A, %div3A_53 : vector<2000x1xf32>
    %sub3A = vector.broadcast %div3A_54 : vector<2000x1xf32> to vector<2000x128xf32>
    %sub3A_55 = arith.subf %add3A_51, %sub3A : vector<2000x128xf32>
    %square3A = arith.mulf %sub3A_55, %sub3A_55 : vector<2000x128xf32>
    %reduce_sum3A_56 = arith.constant dense<0.000000e+00> : vector<2000xf32>
    %reduce_sum3A_57 = vector.multi_reduction <add>, %square3A, %reduce_sum3A_56 [1] : vector<2000x128xf32> to vector<2000xf32>
    %broadcast_in_dim3A_58 = vector.shape_cast %reduce_sum3A_57 : vector<2000xf32> to vector<2000x1xf32>
    %div3A_59 = arith.constant 1.280000e+02 : f32
    %div3A_60 = vector.broadcast %div3A_59 : f32 to vector<2000x1xf32>
    %div3A_61 = arith.divf %broadcast_in_dim3A_58, %div3A_60 : vector<2000x1xf32>
    %sub3A_62 = vector.broadcast %div3A_54 : vector<2000x1xf32> to vector<2000x128xf32>
    %sub3A_63 = arith.subf %add3A_51, %sub3A_62 : vector<2000x128xf32>
    %add3A_64 = arith.constant 9.99999974E-6 : f32
    %add3A_65 = vector.broadcast %add3A_64 : f32 to vector<2000x1xf32>
    %add3A_66 = arith.addf %div3A_61, %add3A_65 : vector<2000x1xf32>
    %rsqrt3A = math.rsqrt %add3A_66 : vector<2000x1xf32>
    %mul3A = vector.broadcast %rsqrt3A : vector<2000x1xf32> to vector<2000x128xf32>
    %mul3A_67 = arith.mulf %sub3A_63, %mul3A : vector<2000x128xf32>
    %get3A_68 = arith.constant 0 : index
    %get3A_69 = arith.constant 0 : index
    %get3A_70 = vector.load %arg10[%get3A_68, %get3A_69] : memref<1x128xf32, #tpu.memory_space<vmem>>, vector<1x128xf32>
    %mul3A_71 = vector.broadcast %get3A_70 : vector<1x128xf32> to vector<2000x128xf32>
    %mul3A_72 = arith.mulf %mul3A_67, %mul3A_71 : vector<2000x128xf32>
    %get3A_73 = arith.constant 0 : index
    %get3A_74 = arith.constant 0 : index
    %get3A_75 = vector.load %arg11[%get3A_73, %get3A_74] : memref<1x128xf32, #tpu.memory_space<vmem>>, vector<1x128xf32>
    %add3A_76 = vector.broadcast %get3A_75 : vector<1x128xf32> to vector<2000x128xf32>
    %add3A_77 = arith.addf %mul3A_72, %add3A_76 : vector<2000x128xf32>
    %add3A_78 = arith.addf %get3A_1, %add3A_77 : vector<2000x128xf32>
    %swap3A = arith.constant 0 : index
    %swap3A_79 = arith.constant 0 : index
    %swap3A_80 = vector.load %arg12[%swap3A, %swap3A_79] : memref<2000x128xf32, #tpu.memory_space<vmem>>, vector<2000x128xf32>
    tpu.vector_store %arg12[%swap3A, %swap3A_79], %add3A_78 {strides = array<i32>} : memref<2000x128xf32, #tpu.memory_space<vmem>>, vector<2000x128xf32>,
    return
  }
  func.func @transform_0(%arg0: i32) -> (i32, i32) {
    %c0_i32 = arith.constant 0 : i32
    %c0_i32_0 = arith.constant 0 : i32
    return %arg0, %c0_i32 : i32, i32
  }
  func.func @transform_1(%arg0: i32) -> (i32, i32, i32) {
    %c0_i32 = arith.constant 0 : i32
    %c0_i32_0 = arith.constant 0 : i32
    %c0_i32_1 = arith.constant 0 : i32
    return %c0_i32, %arg0, %c0_i32_0 : i32, i32, i32
  }
  func.func @transform_2(%arg0: i32) -> (i32, i32) {
    %c0_i32 = arith.constant 0 : i32
    %c0_i32_0 = arith.constant 0 : i32
    %c0_i32_1 = arith.constant 0 : i32
    return %c0_i32, %c0_i32_0 : i32, i32
  }
  func.func @transform_3(%arg0: i32) -> (i32, i32) {
    %c0_i32 = arith.constant 0 : i32
    %c0_i32_0 = arith.constant 0 : i32
    %c0_i32_1 = arith.constant 0 : i32
    return %c0_i32, %c0_i32_0 : i32, i32
  }
  func.func @transform_4(%arg0: i32) -> (i32, i32) {
    %c0_i32 = arith.constant 0 : i32
    %c0_i32_0 = arith.constant 0 : i32
    %c0_i32_1 = arith.constant 0 : i32
    return %c0_i32, %c0_i32_0 : i32, i32
  }
  func.func @transform_5(%arg0: i32) -> (i32, i32) {
    %c0_i32 = arith.constant 0 : i32
    %c0_i32_0 = arith.constant 0 : i32
    %c0_i32_1 = arith.constant 0 : i32
    return %c0_i32, %c0_i32_0 : i32, i32
  }
  func.func @transform_6(%arg0: i32) -> (i32, i32) {
    %c0_i32 = arith.constant 0 : i32
    %c0_i32_0 = arith.constant 0 : i32
    %c0_i32_1 = arith.constant 0 : i32
    return %c0_i32, %c0_i32_0 : i32, i32
  }
  func.func @transform_7(%arg0: i32) -> (i32, i32) {
    %c0_i32 = arith.constant 0 : i32
    %c0_i32_0 = arith.constant 0 : i32
    %c0_i32_1 = arith.constant 0 : i32
    return %c0_i32, %c0_i32_0 : i32, i32
  }
  func.func @transform_8(%arg0: i32) -> (i32, i32) {
    %c0_i32 = arith.constant 0 : i32
    %c0_i32_0 = arith.constant 0 : i32
    %c0_i32_1 = arith.constant 0 : i32
    return %c0_i32, %c0_i32_0 : i32, i32
  }
  func.func @transform_9(%arg0: i32) -> (i32, i32) {
    %c0_i32 = arith.constant 0 : i32
    %c0_i32_0 = arith.constant 0 : i32
    %c0_i32_1 = arith.constant 0 : i32
    return %c0_i32, %c0_i32_0 : i32, i32
  }
  func.func @transform_10(%arg0: i32) -> (i32, i32) {
    %c0_i32 = arith.constant 0 : i32
    %c0_i32_0 = arith.constant 0 : i32
    %c0_i32_1 = arith.constant 0 : i32
    return %c0_i32, %c0_i32_0 : i32, i32
  }
  func.func @transform_11(%arg0: i32) -> (i32, i32) {
    %c0_i32 = arith.constant 0 : i32
    %c0_i32_0 = arith.constant 0 : i32
    return %arg0, %c0_i32 : i32, i32
  }
}

</mosaic_0001>

<sc_bundles>
// kernel: kernel.4.cloned.1.call-start
scs
__scs_entry_jumppad:
0x0: {  	(pc) =	sbr.rel $0x88, $3  }
0x1: {  	(tag) =	ssettag $0x0;
	lr =	simm.s32 $0x1  }
0x2: {  	[smem:$0x3F96] =	sst lr;
	_ =	strace $0xD0000000  }
0x3: {  	_ = 	snop  }
0x4: {  	_ = 	snop  }
0x5: {  	_ = 	snop  }
0x6: {  	_ = 	snop  }
0x7: {  	_ = 	snop  }
__scs_overlays_trampoline_lowered:
0x8: {  	[smem:$0x3FA5] =	sst s0  }
0x9: {  	[smem:$0x3FA6] =	sst s1  }
0xa: {  	[smem:$0x3FA7] =	sst s2  }
0xb: {  	[smem:$0x3FA8] =	sst s3  }
0xc: {  	[smem:$0x3FA9] =	sst s4  }
0xd: {  	[smem:$0x3FAA] =	sst s5  }
0xe: {  	[smem:$0x3FAB] =	sst s6  }
0xf: {  	[smem:$0x3FAC] =	sst s7  }
0x10: {  	[smem:$0x3FAD] =	sst s8  }
0x11: {  	[smem:$0x3FAE] =	sst s9;
	s0 =	simm.s32 @!p0 $0x0  }
0x12: {  	s1 =	sld [smem:$0x3F94];
	s0 =	simm.s32 @p0 $0x1  }
0x13: {  	[smem:$0x3FAF] =	sst s0;
	s0 =	simm.s32 @!p1 $0x0  }
0x14: {  	s2 =	sld [smem:$0x3F93];
	s0 =	simm.s32 @p1 $0x1  }
0x15: {  	[smem:$0x3FB0] =	sst s0;
	s0 =	simm.s32 @!p2 $0x0  }
0x16: {  	s3 =	sld [smem:$0x3FDB];
	s0 =	simm.s32 @p2 $0x1  }
0x17: {  	s4 =	simm.s32 $0x1BF5;
	[smem:$0x3FB2] =	sst s0  }
0x18: {  	s0 =	sld [smem:$0x3F95];
	_ =	swait.ge [sflag:s4], $0x0  }
0x19: {  	s7 =	sld [smem:$0x3F96]  }
0x1a: {  	s8 =	sadd.s32 $0xFFFFE003, lr  }
0x1b: {  	s9 =	sadd.s32 $0xFFFFFEF7, lr;
	s5 =	simm.s32 $0xFFFFFFFF;
	p2 =	slt.u32 s8, $0xFFFFF086  }
0x1c: {  	p1 =	slt.u32 s9, $0xF7A;
	s5 =	simm.s32 @!p2 $0x0  }
0x1d: {  	s5 =	simm.s32 @p1 $0x1;
	p0 =	seq.s32 s7, s2  }
0x1e: {  	s7 =	smul.u32 @!p0 $0xF7A, s2;
	p2 =	seq.s32 @!p0 s5, $0x0  }
0x1f: {  	s9 =	smul.u32 $0xF7A, s1;
	s8 =	simm.s32 @!p0 $0x1BF5;
	p2 =	por !p2, p0  }
0x20: {  	[sflag:s8] =	ssyncset.s32 @!p0 $0xFFFFF086;
	s6 =	sadd.s32 @!p0 s3, s7;
	s7 =	simm.s32 @!p0 $0x108  }
0x21: {  	s3 =	sadd.s32 s3, s9;
	s6 =	sadd.s32 @!p0 $0x88, s6;
	s7 =	simm.s32 @p2 $0x1082  }
0x22: {  	[simem:s7], [sflag:s8] =	dma.local @!p0 [hbm:s6], $0xF7A  }
0x23: {  	s9 =	sor.u32 $0xD0000000, s2;
	s6 =	simm.s32 $0x108;
	_ =	swait.ge @!p0 [sflag:s8], $0x0  }
0x24: {  	s3 =	sadd.s32 $0x88, s3;
	s6 =	simm.s32 @!p1 $0x1082;
	[sflag:s4] =	ssyncset.s32 $0xFFFFF086  }
0x25: {  	[simem:s6], [sflag:s4] =	dma.local [hbm:s3], $0xF7A  }
0x26: {  	[smem:$0x3F96] =	sst s1;
	(tag) =	ssettag s2;
	_ =	strace s9  }
0x27: {  	s1 =	sld [smem:$0x3FA6]  }
0x28: {  	s2 =	sld [smem:$0x3FA7]  }
0x29: {  	s4 =	sld [smem:$0x3FA9]  }
0x2a: {  	p0 =	seq.s32 s5, $0x0;
	s5 =	sld [smem:$0x3FAA]  }
0x2b: {  	s6 =	sld [smem:$0x3FAB]  }
0x2c: {  	s7 =	sld [smem:$0x3FAC]  }
0x2d: {  	s3 =	simm.s32 $0x108;
	s8 =	sld [smem:$0x3FAD]  }
0x2e: {  	s3 =	simm.s32 @!p0 $0x1082;
	s9 =	sld [smem:$0x3FAE]  }
0x2f: {  	lr =	sadd.s32 s0, s3;
	s0 =	sld [smem:$0x3FA5]  }
0x30: {  	s3 =	sld [smem:$0x3FA8]  }
0x31: {  	[smem:$0x3FB1] =	sst s10  }
0x32: {  	s10 =	sld [smem:$0x3FAF];
	_ =	sdelay $0x3  }
0x33: {  	p0 =	seq.s32 s10, $0x1;
	s10 =	sld [smem:$0x3FB1];
	_ =	sdelay $0x3  }
0x34: {  	[smem:$0x3FB1] =	sst s10  }
0x35: {  	s10 =	sld [smem:$0x3FB0];
	_ =	sdelay $0x3  }
0x36: {  	p1 =	seq.s32 s10, $0x1;
	s10 =	sld [smem:$0x3FB1];
	_ =	sdelay $0x3  }
0x37: {  	[smem:$0x3FB1] =	sst s10  }
0x38: {  	s10 =	sld [smem:$0x3FB2]  }
0x39: {  	_ = 	snop;
	(pc) =	sbr.ind lr, $3  }
0x3a: {  	_ = 	snop  }
0x3b: {  	_ = 	snop  }
0x3c: {  	p2 =	seq.s32 s10, $0x1;
	s10 =	sld [smem:$0x3FB1]  }
0x3d: {  	_ =	shalt  }
0x3e: {  	_ =	shalt  }
0x3f: {  	_ =	shalt  }
0x40: {  	_ =	shalt  }
0x41: {  	_ =	shalt  }
0x42: {  	_ =	shalt  }
0x43: {  	_ =	shalt  }
0x44: {  	_ =	shalt  }
0x45: {  	_ =	shalt  }
0x46: {  	_ =	shalt  }
0x47: {  	_ =	shalt  }
0x48: {  	_ =	shalt  }
0x49: {  	_ =	shalt  }
0x4a: {  	_ =	shalt  }
0x4b: {  	_ =	shalt  }
0x4c: {  	_ =	shalt  }
0x4d: {  	_ =	shalt  }
0x4e: {  	_ =	shalt  }
0x4f: {  	_ =	shalt  }
0x50: {  	_ =	shalt  }
0x51: {  	_ =	shalt  }
0x52: {  	_ =	shalt  }
0x53: {  	_ =	shalt  }
0x54: {  	_ =	shalt  }
0x55: {  	_ =	shalt  }
0x56: {  	_ =	shalt  }
0x57: {  	_ =	shalt  }
0x58: {  	_ =	shalt  }
0x59: {  	_ =	shalt  }
0x5a: {  	_ =	shalt  }
0x5b: {  	_ =	shalt  }
0x5c: {  	_ =	shalt  }
0x5d: {  	_ =	shalt  }
0x5e: {  	_ =	shalt  }
0x5f: {  	_ =	shalt  }
0x60: {  	_ =	shalt  }
0x61: {  	_ =	shalt  }
0x62: {  	_ =	shalt  }
0x63: {  	_ =	shalt  }
0x64: {  	_ =	shalt  }
0x65: {  	_ =	shalt  }
0x66: {  	_ =	shalt  }
0x67: {  	_ =	shalt  }
0x68: {  	_ =	shalt  }
0x69: {  	_ =	shalt  }
0x6a: {  	_ =	shalt  }
0x6b: {  	_ =	shalt  }
0x6c: {  	_ =	shalt  }
0x6d: {  	_ =	shalt  }
0x6e: {  	_ =	shalt  }
0x6f: {  	_ =	shalt  }
0x70: {  	_ =	shalt  }
0x71: {  	_ =	shalt  }
0x72: {  	_ =	shalt  }
0x73: {  	_ =	shalt  }
0x74: {  	_ =	shalt  }
0x75: {  	_ =	shalt  }
0x76: {  	_ =	shalt  }
0x77: {  	_ =	shalt  }
0x78: {  	_ =	shalt  }
0x79: {  	_ =	shalt  }
0x7a: {  	_ =	shalt  }
0x7b: {  	_ =	shalt  }
0x7c: {  	_ =	shalt  }
0x7d: {  	_ =	shalt  }
0x7e: {  	_ =	shalt  }
0x7f: {  	_ =	shalt  }
0x80: {  	_ =	shalt  }
0x81: {  	_ =	shalt  }
0x82: {  	_ =	shalt  }
0x83: {  	_ =	shalt  }
0x84: {  	_ =	shalt  }
0x85: {  	_ =	shalt  }
0x86: {  	_ =	shalt  }
0x87: {  	_ =	shalt  }
.Lfunc_end0:
.L_simem_size_0:
called_computation_lowered:
.L_overlay_start_0:
0x88: {  	s2 =	sld [smem:$0x3FD9]  }
0x89: {  	s3 =	sld [smem:$0x3FFE];
	_ =	sdelay $0x1  }
0x8a: {  	s1 =	srdreg.scid  }
0x8b: {  	s0 =	sand.u32 $0x1, s1  }
0x8c: {  	s17 =	sshll.u32 s0, $0xA;
	s2 =	sadd.s32 s3, s2  }
0x8d: {  	s2 =	sadd.s32 s2, s17  }
0x8e: {  	[smem:$0x3FBD] =	sst s2  }
0x8f: {  	_ = 	snop  }
0x90: {  	s2 =	sld [smem:$0x3FC9]  }
0x91: {  	s18 =	sld [smem:$0x3FD0];
	(tm) =	ssettm $0x1  }
0x92: {  	s4 =	sld [smem:$0x3FFB];
	_ =	sdelay $0x3  }
0x93: {  	_ =	strace s4  }
0x94: {  	s4 =	sld [smem:$0x3FFC];
	_ =	sdelay $0x3  }
0x95: {  	_ =	strace s4  }
0x96: {  	s4 =	sld [smem:$0x3FFD];
	_ =	sdelay $0x3  }
0x97: {  	_ =	strace s4  }
0x98: {  	_ =	strace $0x8FFFFFFF  }
0x99: {  	s19 =	sld [smem:$0x3FDB];
	_ =	sdelay $0x1  }
0x9a: {  	s5 =	simm.s32 $_scs_section_size  }
0x9b: {  	s6 =	simm.s32 $_size__tile_overlayer_lowered;
	s7 =	simm.s32 $_tile_overlayer_lowered  }
0x9c: {  	s22 =	simm.s32 $0x1BFF;
	s21 =	sshll.u32 s7, $0x1;
	s4 =	sadd.s32 s5, s19  }
0x9d: {  	s8 =	simm.s32 $0x0;
	s20 =	sshll.u32 s6, $0x1;
	s6 =	sadd.s32 s21, s4  }
0x9e: {  	[timem:s8], [sflag:s22] =	dma.local [hbm:s6], s20  }
0x9f: {  	_ =	swait.ge [sflag:s22], s20  }
0xa0: {  	s5 =	ssub.s32 $0x0, s20;
	[sflag:s22] =	ssyncset.done $0x0  }
0xa1: {  	[sflag:s22] =	ssyncadd.s32 s5;
	_ =	sdelay $0x1  }
0xa2: {  	s23 =	simm.s32 $0x1B8B  }
0xa3: {  	_ =	swait.ge [sflag:s23], $0x1  }
0xa4: {  	[sflag:s23] =	ssyncset.done $0x0  }
0xa5: {  	s25 =	simm.s32 $0x1B8E;
	s24 =	sld [smem:$0x3FFE];
	[sflag:s23] =	ssyncadd.s32 $0xFFFFFFFF  }
0xa6: {  	s26 =	simm.s32 $execute0_lowered;
	[smem:$0x3FD2] =	sst s25  }
0xa7: {  	s6 =	sshll.u32 s26, $0x1;
	_ =	strace $0x80000046;
	[dreg:$0x1] =	wrdreg $0xFFFFFFFF  }
0xa8: {  	s28 =	simm.s32 $_size_execute0_lowered;
	s4 =	sadd.s32 s4, s6;
	[dreg:$0x0] =	wrdreg $0x0  }
0xa9: {  	s6 =	sshll.u32 s28, $0x1;
	[dreg:$0x2] =	wrdreg s4  }
0xaa: {  	[dreg:$0x3] =	wrdreg s6  }
0xab: {  	[dreg:$0x4] =	wrdreg $0xC0  }
0xac: {  	_ =	task [dreg:s8], $0x5FFFF  }
0xad: {  	[dreg:$0x1] =	wrdreg $0xFFFFFFFF  }
0xae: {  	[dreg:$0x0] =	wrdreg $0x60  }
0xaf: {  	[dreg:$0x2] =	wrdreg s2  }
0xb0: {  	[dreg:$0x3] =	wrdreg s18  }
0xb1: {  	[dreg:$0x4] =	wrdreg s24  }
0xb2: {  	[dreg:$0x5] =	wrdreg $0xC4000  }
0xb3: {  	[dreg:$0x6] =	wrdreg $0x9  }
0xb4: {  	_ =	task.clear_ibuf [dreg:s8], $0x7FFFF;
	_ =	strace $0x90000046  }
0xb5: {  	s29 =	simm.s32 $0x9;
	_ =	strace $0x80000048  }
0xb6: {  	_ =	swait.ge [sflag:s29], $0x1  }
0xb7: {  	[sflag:s29] =	ssyncadd.s32 $0xFFFFFFFF  }
0xb8: {  	_ =	strace $0x90000048  }
0xb9: {  	_ =	sfence  }
0xba: {  	s30 =	sld [smem:$0x0];
	_ =	sdelay $0x2  }
0xbb: {  	s31 =	sshll.u32 s1, $0xD;
	s1 =	sshrl.u32 s1, $0x2  }
0xbc: {  	s3 =	sand.u32 $0x4000, s31;
	s1 =	sadd.s32 s1, s30  }
0xbd: {  	s0 =	sor.u32 s3, s0;
	s1 =	sshll.u32 s1, $0x11  }
0xbe: {  	s0 =	sor.u32 s1, s0  }
0xbf: {  	s0 =	sadd.s32 $0x8F2B, s0  }
0xc0: {  	[sflag:s0] =	ssyncadd.remote.s32 $0x1  }
0xc1: {  	_ =	sfence.sel $0xFFFF  }
0xc2: {  	[dreg:$0x0] =	wrdreg $0xFFFFFFFF;
	(pc) =	sbr.abs _section_cstart, $3  }
0xc3: {  	[dreg:$0x1] =	wrdreg $0xFFFFFFFF  }
0xc4: {  	_ =	task.clear_ibuf [dreg:s8], $0x2FFFF;
	_ =	strace $0x9FFFFFFF  }
0xc5: {  	(tm) =	ssettm $0x7FFFFFFF  }
tec
execute0_lowered:
.L_overlay_start_1:
0x0: {  	(tag) =	ssettag $0x1  }
0x1: {  	s1 =	srdreg.scid  }
0x2: {  	s12 =	stileid.u32;
	s1 =	sand.u32 $0x1, s1  }
0x3: {  	s20 =	smul.u32 $0x4E000, s12;
	s4 =	sshll.u32 s1, $0x4  }
0x4: {  	s10 =	rddreg [dreg:$0x0];
	s25 =	smul.u32 $0x13800, s12;
	s4 =	sor.u32 s12, s4  }
0x5: {  	s2 =	rddreg [dreg:$0x1];
	s6 =	smul.u32 $0x5000, s4  }
0x6: {  	s0 =	rddreg [dreg:$0x2];
	s8 =	smul.u32 $0xA0, s4  }
0x7: {  	s3 =	rddreg [dreg:$0x3];
	s5 =	simm.s32 $0x0;
	s4 =	smul.u32 $0x28000, s4  }
0x8: {  	[smem:$0x7FF] =	sst s5;
	s31 =	smul.u32 $0x5000, s12  }
0x9: {  	_ =	strace $0x80000047;
	s7 =	ssub.s32 $0x2, s1;
	s11 =	sadd.s32 s10, s4  }
0xa: {  	s23 =	smul.u32 $0x138800, s1;
	s18 =	sadd.s32 $0x400, s11;
	[dreg:$0x9] =	wrdreg s11  }
0xb: {  	s30 =	smul.u32 $0x50000, s1;
	s21 =	sadd.s32 $0x800, s11;
	[dreg:$0xb] =	wrdreg s18  }
0xc: {  	s6 =	sshrl.u32 s6, $0x3;
	s10 =	sadd.s32 $0xC00, s11;
	[dreg:$0xd] =	wrdreg s21  }
0xd: {  	s4 =	sshrl.u32 s20, $0x2;
	s11 =	sadd.s32 $0x1000, s11;
	[dreg:$0xf] =	wrdreg s10  }
0xe: {  	s16 =	sadd.s32 s2, s6;
	s13 =	sadd.s32 s4, s3;
	[dreg:$0x11] =	wrdreg s11  }
0xf: {  	s9 =	sshrl.u32 s7, $0x1;
	s17 =	sadd.s32 $0x13880, s16;
	[dreg:$0x13] =	wrdreg s13  }
0x10: {  	s7 =	ssub.s32 s7, s9;
	s19 =	sadd.s32 $0x13890, s16;
	[dreg:$0xa] =	wrdreg s17  }
0x11: {  	s14 =	sadd.s32 s31, s30;
	s22 =	sadd.s32 $0x138A0, s16;
	[dreg:$0xc] =	wrdreg s19  }
0x12: {  	s8 =	ssub.s32 $0x1388, s8;
	s24 =	sadd.s32 $0x138B0, s16;
	[dreg:$0xe] =	wrdreg s22  }
0x13: {  	s6 =	smin.u32 s8, $0xA0;
	s9 =	sadd.s32 $0x138C0, s16;
	[dreg:$0x10] =	wrdreg s24  }
0x14: {  	s8 =	sshrl.u32 s23, $0x3;
	s16 =	sor.u32 $0x400, s14;
	[dreg:$0x12] =	wrdreg s9  }
0x15: {  	s10 =	sadd.s32 s25, s23;
	s23 =	sadd.s32 $0x6000, s13;
	[dreg:$0x7] =	wrdreg s16  }
0x16: {  	s25 =	sadd.s32 $0x8000, s13;
	[dreg:$0x17] =	wrdreg s23  }
0x17: {  	s30 =	sadd.s32 $0x10000, s13;
	[dreg:$0x1a] =	wrdreg s25  }
0x18: {  	s0 =	sadd.s32 $0x1A00, s0;
	s31 =	sadd.s32 $0x12000, s13;
	[dreg:$0x1e] =	wrdreg s30  }
0x19: {  	s28 =	smul.u32 $0xA0, s12;
	s17 =	sadd.s32 $0x2000, s13;
	[dreg:$0x1f] =	wrdreg s31  }
0x1a: {  	s26 =	smul.u32 $0xA00, s1;
	s22 =	sadd.s32 $0x4000, s13;
	[dreg:$0x15] =	wrdreg s17  }
0x1b: {  	s15 =	smul.u32 $0xA00, s12;
	s24 =	smax.u32 s7, $0x1;
	[dreg:$0x16] =	wrdreg s22  }
0x1c: {  	s9 =	sadd.s32 s28, s26;
	s26 =	sadd.s32 $0xA000, s13;
	[dreg:$0x19] =	wrdreg s24  }
0x1d: {  	p1 =	sne.s32 s12, $0xF;
	s28 =	sadd.s32 $0xC000, s13;
	[dreg:$0x1b] =	wrdreg s26  }
0x1e: {  	s29 =	sshrl.u32 s10, $0x3;
	s7 =	sadd.s32 $0x138000, s3;
	[dreg:$0x1c] =	wrdreg s28  }
0x1f: {  	s1 =	smul.u32 $0xA000, s1;
	s4 =	sadd.s32 s0, s29;
	[smem:$0x7FD] =	sst s7  }
0x20: {  	s19 =	sshll.u32 s9, $0xA;
	s29 =	sadd.s32 $0xE000, s13;
	[dreg:$0x14] =	wrdreg s4  }
0x21: {  	s21 =	sadd.s32 s15, s1;
	s9 =	sor.u32 $0x2800, s19;
	[dreg:$0x1d] =	wrdreg s29  }
0x22: {  	s0 =	sadd.s32 s0, s8;
	s18 =	sor.u32 $0x2000, s19;
	[dreg:$0x8] =	wrdreg s9  }
0x23: {  	s10 =	simm.s32 $0xD;
	s0 =	sadd.s32 $0x27000, s0;
	[dreg:$0x6] =	wrdreg s18  }
0x24: {  	s20 =	sor.u32 $0x1800, s19;
	[dreg:$0x18] =	wrdreg s0;
	s0 =	simm.s32 @!p1 $0x0  }
0x25: {  	s8 =	sadd.s32 $0x13880, s2;
	[dreg:$0x5] =	wrdreg s20;
	s0 =	simm.s32 @p1 $0x1  }
0x26: {  	v0 =	vimm.f32 $0.0e+00;
	s9 =	simm.s32 $0xA000;
	s20 =	simm.s32 $0x0;
	[smem:$0x7FC] =	sst s0  }
.LBB2_1:
0x27: {  	s0 =	rddreg [dreg:$0x9]  }
0x28: {  	s4 =	rddreg [dreg:$0xa]  }
0x29: {  	[tilespmem:s5], [sflag:$0x1] =	stream.linear.gather [hbm4b:s0+s5], $0x2000, $0x38;
	[tilespmem:$0x1FC80] =	vst v63  }
0x2a: {  	s1 =	simm.s32 $0xC000;
	s11 =	rddreg [dreg:$0xb]  }
0x2b: {  	[tilespmem:s1], [sflag:$0x1] =	stream.linear.gather [hbm4b:s4+s5], $0x80, $0x38;
	[tilespmem:$0x1FC80] =	vst v63  }
0x2c: {  	s12 =	simm.s32 $0x2000;
	s14 =	rddreg [dreg:$0xc]  }
0x2d: {  	[tilespmem:s12], [sflag:$0x2] =	stream.linear.gather [hbm4b:s11+s5], $0x2000, $0x38;
	[tilespmem:$0x1FC80] =	vst v63  }
0x2e: {  	s15 =	simm.s32 $0xC080;
	s16 =	rddreg [dreg:$0xd]  }
0x2f: {  	[tilespmem:s15], [sflag:$0x2] =	stream.linear.gather [hbm4b:s14+s5], $0x80, $0x38;
	[tilespmem:$0x1FC80] =	vst v63  }
0x30: {  	s17 =	simm.s32 $0x4000;
	s18 =	rddreg [dreg:$0xe]  }
0x31: {  	[tilespmem:s17], [sflag:$0x3] =	stream.linear.gather [hbm4b:s16+s5], $0x2000, $0x38;
	[tilespmem:$0x1FC80] =	vst v63  }
0x32: {  	s22 =	simm.s32 $0xC100;
	s23 =	rddreg [dreg:$0xf]  }
0x33: {  	[tilespmem:s22], [sflag:$0x3] =	stream.linear.gather [hbm4b:s18+s5], $0x80, $0x38;
	[tilespmem:$0x1FC80] =	vst v63  }
0x34: {  	s24 =	simm.s32 $0x6000;
	s25 =	rddreg [dreg:$0x10]  }
0x35: {  	[tilespmem:s24], [sflag:$0x4] =	stream.linear.gather [hbm4b:s23+s5], $0x2000, $0x38;
	[tilespmem:$0x1FC80] =	vst v63  }
0x36: {  	s26 =	simm.s32 $0xC180;
	s28 =	rddreg [dreg:$0x11]  }
0x37: {  	[tilespmem:s26], [sflag:$0x4] =	stream.linear.gather [hbm4b:s25+s5], $0x80, $0x38;
	[tilespmem:$0x1FC80] =	vst v63  }
0x38: {  	s29 =	simm.s32 $0x8000;
	s30 =	rddreg [dreg:$0x12]  }
0x39: {  	[tilespmem:s29], [sflag:$0x5] =	stream.linear.gather [hbm4b:s28+s5], $0x2000, $0x38;
	[tilespmem:$0x1FC80] =	vst v63  }
0x3a: {  	s31 =	simm.s32 $0xC200;
	s0 =	simm.s32 $0x0;
	s1 =	simm.s32 $0x200  }
0x3b: {  	[tilespmem:s31], [sflag:$0x5] =	stream.linear.gather [hbm4b:s30+s5], $0x80, $0x38;
	[tilespmem:$0x1FC80] =	vst v63  }
.LBB2_2:
0x3c: {  	p0 =	sne.s32 s1, $0x7E00;
	[tilespmem:s0+$0xA070] =	vst v0  }
0x3d: {  	[tilespmem:s0+$0xA000] =	vst v0  }
0x3e: {  	[tilespmem:s0+$0xA010] =	vst v0  }
.Ltmp0:
0x3f: {  	[tilespmem:s0+$0xA020] =	vst v0;
	(pc) =	sbr.rel @p0 .LBB2_2-.Ltmp0, $4  }
0x40: {  	[tilespmem:s0+$0xA030] =	vst v0  }
0x41: {  	[tilespmem:s0+$0xA040] =	vst v0  }
0x42: {  	[tilespmem:s0+$0xA050] =	vst v0  }
0x43: {  	[tilespmem:s0+$0xA060] =	vst v0;
	s0 =	sshra.s32 s1, $0x2;
	s1 =	sadd.s32 $0x200, s1  }
0x44: {  	[tilespmem:s0+$0xA070] =	vst v0  }
0x45: {  	[tilespmem:s0+$0xA000] =	vst v0  }
0x46: {  	[tilespmem:s0+$0xA010] =	vst v0  }
0x47: {  	[tilespmem:s0+$0xA020] =	vst v0  }
0x48: {  	[tilespmem:s0+$0xA030] =	vst v0  }
0x49: {  	[tilespmem:s0+$0xA040] =	vst v0  }
0x4a: {  	[tilespmem:s0+$0xA050] =	vst v0  }
0x4b: {  	[tilespmem:s0+$0xA060] =	vst v0  }
0x4c: {  	[spmem:s13] =	stream.linear.scatter [tilespmem:s9], [sflag:$0xD], $0x2000, $0x38;
	[tilespmem:$0x1FC80] =	vst v63  }
0x4d: {  	s16 =	rddreg [dreg:$0x15]  }
0x4e: {  	[spmem:s16] =	stream.linear.scatter [tilespmem:s9], [sflag:$0xD], $0x2000, $0x38;
	[tilespmem:$0x1FC80] =	vst v63  }
0x4f: {  	s17 =	rddreg [dreg:$0x16]  }
0x50: {  	[spmem:s17] =	stream.linear.scatter [tilespmem:s9], [sflag:$0xD], $0x2000, $0x38;
	[tilespmem:$0x1FC80] =	vst v63  }
0x51: {  	s18 =	rddreg [dreg:$0x17]  }
0x52: {  	[spmem:s18] =	stream.linear.scatter [tilespmem:s9], [sflag:$0xD], $0x2000, $0x38;
	[tilespmem:$0x1FC80] =	vst v63  }
0x53: {  	s22 =	rddreg [dreg:$0x1a]  }
0x54: {  	[spmem:s22] =	stream.linear.scatter [tilespmem:s9], [sflag:$0xD], $0x2000, $0x38;
	[tilespmem:$0x1FC80] =	vst v63  }
0x55: {  	s23 =	rddreg [dreg:$0x1b]  }
0x56: {  	[spmem:s23] =	stream.linear.scatter [tilespmem:s9], [sflag:$0xD], $0x2000, $0x38;
	[tilespmem:$0x1FC80] =	vst v63  }
0x57: {  	s24 =	rddreg [dreg:$0x1c]  }
0x58: {  	[spmem:s24] =	stream.linear.scatter [tilespmem:s9], [sflag:$0xD], $0x2000, $0x38;
	[tilespmem:$0x1FC80] =	vst v63  }
0x59: {  	s25 =	rddreg [dreg:$0x1d]  }
0x5a: {  	[spmem:s25] =	stream.linear.scatter [tilespmem:s9], [sflag:$0xD], $0x2000, $0x38;
	[tilespmem:$0x1FC80] =	vst v63  }
0x5b: {  	s26 =	rddreg [dreg:$0x1e]  }
0x5c: {  	[spmem:s26] =	stream.linear.scatter [tilespmem:s9], [sflag:$0xD], $0x2000, $0x38;
	[tilespmem:$0x1FC80] =	vst v63  }
0x5d: {  	s28 =	rddreg [dreg:$0x1f]  }
0x5e: {  	[spmem:s28] =	stream.linear.scatter [tilespmem:s9], [sflag:$0xD], $0x1800, $0x38;
	[tilespmem:$0x1FC80] =	vst v63  }
0x5f: {  	s0 =	simm.s32 @!p1 $0xA000  }
0x60: {  	[spmem:s7] =	stream.linear.scatter @!p1 [tilespmem:s0], [sflag:$0xD], $0x800, $0x38;
	[tilespmem:$0x1FC80] =	vst v63  }
0x61: {  	_ =	swait.ge [sflag:s10], $0x2000  }
0x62: {  	[sflag:s10] =	ssyncset.done $0x0  }
0x63: {  	[sflag:s10] =	ssyncadd.s32 $0xFFFFE000  }
0x64: {  	_ =	swait.ge [sflag:s10], $0x2000  }
0x65: {  	[sflag:s10] =	ssyncset.done $0x0  }
0x66: {  	[sflag:s10] =	ssyncadd.s32 $0xFFFFE000  }
0x67: {  	_ =	swait.ge [sflag:s10], $0x2000  }
0x68: {  	[sflag:s10] =	ssyncset.done $0x0  }
0x69: {  	[sflag:s10] =	ssyncadd.s32 $0xFFFFE000  }
0x6a: {  	_ =	swait.ge [sflag:s10], $0x2000  }
0x6b: {  	[sflag:s10] =	ssyncset.done $0x0  }
0x6c: {  	[sflag:s10] =	ssyncadd.s32 $0xFFFFE000  }
0x6d: {  	_ =	swait.ge [sflag:s10], $0x2000  }
0x6e: {  	[sflag:s10] =	ssyncset.done $0x0  }
0x6f: {  	[sflag:s10] =	ssyncadd.s32 $0xFFFFE000  }
0x70: {  	_ =	swait.ge [sflag:s10], $0x2000  }
0x71: {  	[sflag:s10] =	ssyncset.done $0x0  }
0x72: {  	[sflag:s10] =	ssyncadd.s32 $0xFFFFE000  }
0x73: {  	_ =	swait.ge [sflag:s10], $0x2000  }
0x74: {  	[sflag:s10] =	ssyncset.done $0x0  }
0x75: {  	[sflag:s10] =	ssyncadd.s32 $0xFFFFE000  }
0x76: {  	_ =	swait.ge [sflag:s10], $0x2000  }
0x77: {  	[sflag:s10] =	ssyncset.done $0x0  }
0x78: {  	[sflag:s10] =	ssyncadd.s32 $0xFFFFE000  }
0x79: {  	_ =	swait.ge [sflag:s10], $0x2000  }
0x7a: {  	[sflag:s10] =	ssyncset.done $0x0  }
0x7b: {  	p0 =	sle.u32 s6, $0x0;
	[sflag:s10] =	ssyncadd.s32 $0xFFFFE000  }
0x7c: {  	s30 =	simm.s32 $0x10;
	p6 =	sle.u32 s6, $0x2;
	_ =	swait.ge [sflag:s10], $0x1800  }
0x7d: {  	s29 =	simm.s32 $0x0;
	s1 =	simm.s32 @!p0 $0x1;
	[sflag:s10] =	ssyncset.done $0x0  }
0x7e: {  	s12 =	simm.s32 @!p0 $0x0;
	s0 =	simm.s32 @!p1 $0xD;
	[sflag:s10] =	ssyncadd.s32 $0xFFFFE800  }
0x7f: {  	s13 =	simm.s32 @!p0 $0x40;
	s14 =	simm.s32 @!p0 $0xC000;
	_ =	swait.ge @!p1 [sflag:s0], $0x800  }
0x80: {  	s22 =	simm.s32 $0xA;
	s23 =	simm.s32 $0xA0;
	[sflag:s0] =	ssyncset.done @!p1 $0x0  }
0x81: {  	s24 =	simm.s32 $0xA0;
	[sflag:s0] =	ssyncadd.s32 @!p1 $0xFFFFF800;
	p1 =	sle.u32 @!p0 s6, $0x5  }
0x82: {  	s26 =	simm.s32 $0x0;
	[bflag:$0x0] =	sbarrier.arrive $0xFFFF;
	p3 =	por p1, p0  }
0x83: {  	p2 =	por @!p3 $0x1, $0x1;
	s4 =	rddreg [dreg:$0x0];
	s7 =	simm.s32 @!p3 $0x50  }
0x84: {  	_ =	swait.ge @!p0 [sflag:s1], $0x2000;
	s11 =	sadd.s32 @!p3 $0x50, s21;
	s15 =	simm.s32 @!p3 $0x0  }
0x85: {  	s31 =	simm.s32 @!p3 $0xA000;
	s0 =	sadd.s32 @!p3 s4, s19;
	[sflag:s1] =	ssyncset.done @!p0 $0x0  }
0x86: {  	p1 =	por @!p0 p2, p1;
	s7 =	sand.u32 @!p3 $0x70, s7;
	[sflag:s1] =	ssyncadd.s32 @!p0 $0xFFFFE000  }
0x87: {  	s11 =	sand.u32 @!p3 $0xFFFFF80, s11;
	p2 =	sle.u32 s6, $0x1;
	_ =	swait.ge @!p0 [sflag:s1], $0x80  }
0x88: {  	s7 =	sadd.s32 @!p3 s7, s8;
	p1 =	por p1, p0;
	[sflag:s1] =	ssyncset.done @!p0 $0x0  }
0x89: {  	s7 =	sadd.s32 @!p3 s11, s7;
	s11 =	simm.s32 @!p1 $0xC;
	[sflag:s1] =	ssyncadd.s32 @!p0 $0xFFFFFF80  }
0x8a: {  	[spmem:s3] =	stream.indirect.scatter.add.f32 @!p0 [tilespmem:s12], [sflag:$0x7], $0x80, s14, s13, $0xb8;
	[tilespmem:$0x1FC80] =	vst v63  }
0x8b: {  	s25 =	smov.u32 s4;
	p0 =	sle.u32 @!p6 s6, $0x7;
	_ =	swait.ge @!p1 [sflag:s11], $0x2000  }
0x8c: {  	s0 =	sadd.s32 @!p3 $0x1400, s0;
	p4 =	por p0, p6;
	[sflag:s11] =	ssyncset.done @!p1 $0x0  }
0x8d: {  	s14 =	sadd.s32 @!p4 s4, s19;
	[sflag:s11] =	ssyncadd.s32 @!p1 $0xFFFFE000;
	p1 =	sle.u32 @!p2 s6, $0x6  }
0x8e: {  	s1 =	simm.s32 @!p4 $0x70;
	s12 =	sadd.s32 @!p4 $0x70, s21;
	p0 =	por p1, p2  }
0x8f: {  	s11 =	sand.u32 @!p4 $0x70, s1;
	s1 =	smov.u32 s4;
	s13 =	simm.s32 @!p0 $0xC000  }
.LBB2_4:
0x90: {  	[tilespmem:s31], [sflag:$0x6] =	stream.linear.gather @!p3 [hbm4b:s0+s15], $0x2000, $0x38;
	[tilespmem:$0x1FC80] =	vst v63  }
0x91: {  	s31 =	smov.u32 s30  }
0x92: {  	s16 =	simm.s32 @!p3 $0xC280;
	s18 =	simm.s32 @!p2 $0x2;
	s0 =	sadd.s32 @!p4 $0x1C00, s14  }
0x93: {  	s17 =	sadd.s32 $0xFFFFFFF6, s30;
	s14 =	sadd.s32 @!p0 $0xFFFFFFC0, s23;
	s28 =	simm.s32 @!p2 $0x40  }
0x94: {  	[tilespmem:s16], [sflag:$0x6] =	stream.linear.gather @!p3 [hbm4b:s7+s15], $0x80, $0x38;
	[tilespmem:$0x1FC80] =	vst v63  }
0x95: {  	s4 =	simm.s32 @!p0 $0x7;
	p1 =	sge.u32 s17, s6;
	_ =	swait.ge @!p2 [sflag:s18], $0x2000  }
0x96: {  	s15 =	simm.s32 @!p2 $0xC080;
	s17 =	sadd.s32 @!p1 $0xFFFFFFFB, s30;
	[sflag:s18] =	ssyncset.done @!p2 $0x0  }
0x97: {  	s7 =	sadd.s32 $0xFFFFFFFA, s22;
	p3 =	sge.u32 @!p1 s17, s6;
	[sflag:s18] =	ssyncadd.s32 @!p2 $0xFFFFE000  }
0x98: {  	p5 =	sge.u32 s7, s6;
	s7 =	simm.s32 @!p3 $0x0;
	_ =	swait.ge @!p2 [sflag:s18], $0x80  }
0x99: {  	s16 =	simm.s32 @!p2 $0x2000;
	s7 =	simm.s32 @p3 $0x1;
	[sflag:s18] =	ssyncset.done @!p2 $0x0  }
0x9a: {  	[smem:$0x7FA] =	sst s7;
	s7 =	sadd.s32 @!p5 $0xFFFFFFFF, s22;
	[sflag:s18] =	ssyncadd.s32 @!p2 $0xFFFFFF80  }
0x9b: {  	[spmem:s3] =	stream.indirect.scatter.add.f32 @!p2 [tilespmem:s16], [sflag:$0x8], $0x80, s15, s28, $0xb8;
	[tilespmem:$0x1FC80] =	vst v63  }
0x9c: {  	s30 =	sadd.s32 $0x6, s30;
	p3 =	sge.u32 @!p5 s7, s6;
	_ =	swait.ge @!p0 [sflag:s4], $0x2000  }
0x9d: {  	s16 =	simm.s32 @!p0 $0x0;
	s7 =	rddreg [dreg:$0x5];
	[sflag:s4] =	ssyncset.done @!p0 $0x0  }
0x9e: {  	p2 =	sne.s32 s30, $0xAC;
	[sflag:s4] =	ssyncadd.s32 @!p0 $0xFFFFE000;
	s4 =	sadd.s32 @!p0 s25, s7  }
0x9f: {  	[tilespmem:s16], [sflag:$0x1] =	stream.linear.gather @!p0 [hbm4b:s4+s16], $0x2000, $0x38;
	[tilespmem:$0x1FC80] =	vst v63  }
0xa0: {  	s15 =	sadd.s32 @!p0 s21, s14;
	s14 =	sand.u32 @!p0 $0x60, s14;
	s4 =	simm.s32 @!p2 $0x0  }
0xa1: {  	s15 =	sand.u32 @!p0 $0xFFFFF80, s15;
	s14 =	sadd.s32 @!p0 s14, s8;
	s4 =	simm.s32 @p2 $0x1  }
0xa2: {  	s14 =	sadd.s32 @!p0 s15, s14;
	[smem:$0x7FB] =	sst s4;
	s4 =	simm.s32 @!p6 $0x3  }
0xa3: {  	[tilespmem:s13], [sflag:$0x1] =	stream.linear.gather @!p0 [hbm4b:s14+s16], $0x80, $0x38;
	[tilespmem:$0x1FC80] =	vst v63  }
0xa4: {  	_ =	swait.ge @!p6 [sflag:s4], $0x2000  }
0xa5: {  	[sflag:s4] =	ssyncset.done @!p6 $0x0  }
0xa6: {  	s12 =	sand.u32 @!p4 $0xFFFFF80, s12;
	s18 =	sadd.s32 $0xFFFFFFF9, s22;
	[sflag:s4] =	ssyncadd.s32 @!p6 $0xFFFFE000  }
0xa7: {  	s15 =	simm.s32 @!p4 $0x8;
	s7 =	sadd.s32 @!p4 s11, s8;
	_ =	swait.ge @!p6 [sflag:s4], $0x80  }
0xa8: {  	s7 =	sadd.s32 @!p4 s12, s7;
	s13 =	simm.s32 @!p6 $0xC100;
	[sflag:s4] =	ssyncset.done @!p6 $0x0  }
0xa9: {  	s14 =	simm.s32 @!p6 $0x4000;
	[sflag:s4] =	ssyncadd.s32 @!p6 $0xFFFFFF80;
	s4 =	simm.s32 @!p6 $0x40  }
0xaa: {  	[spmem:s3] =	stream.indirect.scatter.add.f32 @!p6 [tilespmem:s14], [sflag:$0x9], $0x80, s13, s4, $0xb8;
	[tilespmem:$0x1FC80] =	vst v63  }
0xab: {  	p2 =	sge.u32 s18, s6;
	s16 =	simm.s32 @!p4 $0x2000;
	p6 =	por p3, p5  }
0xac: {  	s4 =	simm.s32 @!p2 $0x4;
	s14 =	simm.s32 @!p2 $0x6000;
	_ =	swait.ge @!p4 [sflag:s15], $0x2000  }
0xad: {  	s13 =	simm.s32 @!p4 $0x0;
	s12 =	sadd.s32 @!p6 $0xFFFFFFF0, s23;
	[sflag:s15] =	ssyncset.done @!p4 $0x0  }
0xae: {  	s23 =	sadd.s32 $0x60, s23;
	s17 =	sand.u32 @!p6 $0x70, s12;
	[sflag:s15] =	ssyncadd.s32 @!p4 $0xFFFFE000  }
0xaf: {  	[tilespmem:s16], [sflag:$0x2] =	stream.linear.gather @!p4 [hbm4b:s0+s13], $0x2000, $0x38;
	[tilespmem:$0x1FC80] =	vst v63  }
0xb0: {  	s15 =	sadd.s32 @!p6 s21, s12;
	s12 =	sadd.s32 @!p2 $0xFFFFFFFE, s22;
	s0 =	simm.s32 @!p4 $0xC080  }
0xb1: {  	[tilespmem:s0], [sflag:$0x2] =	stream.linear.gather @!p4 [hbm4b:s7+s13], $0x80, $0x38;
	[tilespmem:$0x1FC80] =	vst v63  }
0xb2: {  	s16 =	sadd.s32 @!p6 s25, s19;
	p0 =	sge.u32 @!p2 s12, s6;
	_ =	swait.ge @!p2 [sflag:s4], $0x2000  }
0xb3: {  	p0 =	por p0, p2;
	s12 =	sadd.s32 @!p6 $0x2400, s16;
	[sflag:s4] =	ssyncset.done @!p2 $0x0  }
0xb4: {  	s16 =	sadd.s32 @!p6 s17, s8;
	s0 =	simm.s32 @!p2 $0xC180;
	[sflag:s4] =	ssyncadd.s32 @!p2 $0xFFFFE000  }
0xb5: {  	s7 =	simm.s32 @!p2 $0x40;
	s13 =	sand.u32 @!p6 $0xFFFFF80, s15;
	_ =	swait.ge @!p2 [sflag:s4], $0x80  }
0xb6: {  	s15 =	simm.s32 @!p0 $0x9;
	s17 =	simm.s32 @!p0 $0x0;
	[sflag:s4] =	ssyncset.done @!p2 $0x0  }
0xb7: {  	s18 =	simm.s32 @!p0 $0x4000;
	s28 =	sld [smem:$0x7FA];
	[sflag:s4] =	ssyncadd.s32 @!p2 $0xFFFFFF80  }
0xb8: {  	[spmem:s3] =	stream.indirect.scatter.add.f32 @!p2 [tilespmem:s14], [sflag:$0xA], $0x80, s0, s7, $0xb8;
	[tilespmem:$0x1FC80] =	vst v63  }
0xb9: {  	s13 =	sadd.s32 @!p6 s13, s16;
	s7 =	sand.u32 @!p0 $0x300, s26;
	_ =	swait.ge @!p0 [sflag:s15], $0x2000  }
0xba: {  	p4 =	seq.s32 s28, $0x1;
	[sflag:s15] =	ssyncset.done @!p0 $0x0;
	s4 =	rddreg [dreg:$0x7]  }
0xbb: {  	p3 =	por p4, p1;
	[sflag:s15] =	ssyncadd.s32 @!p0 $0xFFFFE000;
	s4 =	sadd.s32 @!p0 s29, s4  }
0xbc: {  	s14 =	sadd.s32 @!p3 $0xFFFFFFB0, s23;
	s15 =	rddreg [dreg:$0x6];
	s4 =	sand.u32 @!p0 $0x7FFFFC00, s4  }
0xbd: {  	s16 =	sadd.s32 @!p3 s21, s14;
	s14 =	sand.u32 @!p3 $0x70, s14;
	s4 =	sor.u32 @!p0 s7, s4  }
0xbe: {  	s7 =	sand.u32 @!p3 $0xFFFFF80, s16;
	s14 =	sadd.s32 @!p3 s14, s8;
	s4 =	sadd.s32 @!p0 $0x9C400, s4  }
0xbf: {  	s7 =	sadd.s32 @!p3 s7, s14;
	s14 =	sadd.s32 @!p0 s1, s15;
	s4 =	sshrl.u32 @!p0 s4, $0x3  }
0xc0: {  	[tilespmem:s18], [sflag:$0x3] =	stream.linear.gather @!p0 [hbm4b:s14+s17], $0x2000, $0x38;
	[tilespmem:$0x1FC80] =	vst v63  }
0xc1: {  	s11 =	simm.s32 @!p5 $0x5;
	s15 =	simm.s32 @!p0 $0xC100;
	s4 =	sadd.s32 @!p0 s2, s4  }
0xc2: {  	[tilespmem:s15], [sflag:$0x3] =	stream.linear.gather @!p0 [hbm4b:s4+s17], $0x80, $0x38;
	[tilespmem:$0x1FC80] =	vst v63  }
0xc3: {  	_ =	swait.ge @!p5 [sflag:s11], $0x2000  }
0xc4: {  	[sflag:s11] =	ssyncset.done @!p5 $0x0  }
0xc5: {  	[sflag:s11] =	ssyncadd.s32 @!p5 $0xFFFFE000  }
0xc6: {  	_ =	swait.ge @!p5 [sflag:s11], $0x80  }
0xc7: {  	s16 =	simm.s32 @!p5 $0xC200;
	s14 =	simm.s32 @!p5 $0x40;
	[sflag:s11] =	ssyncset.done @!p5 $0x0  }
0xc8: {  	s4 =	simm.s32 @!p6 $0xA;
	s15 =	simm.s32 @!p5 $0x8000;
	[sflag:s11] =	ssyncadd.s32 @!p5 $0xFFFFFF80  }
0xc9: {  	[spmem:s3] =	stream.indirect.scatter.add.f32 @!p5 [tilespmem:s15], [sflag:$0xB], $0x80, s16, s14, $0xb8;
	[tilespmem:$0x1FC80] =	vst v63  }
0xca: {  	_ =	swait.ge @!p6 [sflag:s4], $0x2000  }
0xcb: {  	s11 =	simm.s32 @!p6 $0x0;
	s16 =	sadd.s32 $0xFFFFFFFB, s22;
	[sflag:s4] =	ssyncset.done @!p6 $0x0  }
0xcc: {  	s14 =	simm.s32 @!p6 $0x6000;
	p0 =	sge.u32 s16, s6;
	[sflag:s4] =	ssyncadd.s32 @!p6 $0xFFFFE000  }
0xcd: {  	[tilespmem:s14], [sflag:$0x4] =	stream.linear.gather @!p6 [hbm4b:s12+s11], $0x2000, $0x38;
	[tilespmem:$0x1FC80] =	vst v63  }
0xce: {  	s4 =	simm.s32 @!p6 $0xC180;
	s12 =	simm.s32 @!p0 $0x6  }
0xcf: {  	[tilespmem:s4], [sflag:$0x4] =	stream.linear.gather @!p6 [hbm4b:s13+s11], $0x80, $0x38;
	[tilespmem:$0x1FC80] =	vst v63  }
0xd0: {  	p2 =	seq.s32 @!p3 s31, $0xA;
	_ =	swait.ge @!p0 [sflag:s12], $0x2000  }
0xd1: {  	p4 =	por @!p1 p2, p4;
	p2 =	sge.u32 @!p0 s22, s6;
	[sflag:s12] =	ssyncset.done @!p0 $0x0  }
0xd2: {  	p2 =	por p2, p0;
	[sflag:s12] =	ssyncadd.s32 @!p0 $0xFFFFE000  }
0xd3: {  	s14 =	simm.s32 @!p2 $0xB;
	s15 =	sand.u32 @!p2 $0x60, s24;
	_ =	swait.ge @!p0 [sflag:s12], $0x80  }
0xd4: {  	s4 =	simm.s32 @!p0 $0xC280;
	s11 =	simm.s32 @!p0 $0xA000;
	[sflag:s12] =	ssyncset.done @!p0 $0x0  }
0xd5: {  	s13 =	simm.s32 @!p0 $0x40;
	[sflag:s12] =	ssyncadd.s32 @!p0 $0xFFFFFF80;
	s12 =	sadd.s32 @!p2 s24, s21  }
0xd6: {  	[spmem:s3] =	stream.indirect.scatter.add.f32 @!p0 [tilespmem:s11], [sflag:$0xC], $0x80, s4, s13, $0xb8;
	[tilespmem:$0x1FC80] =	vst v63  }
0xd7: {  	s15 =	sadd.s32 @!p2 s15, s8;
	s4 =	sand.u32 @!p2 $0xFFFFF80, s12;
	_ =	swait.ge @!p2 [sflag:s14], $0x2000  }
0xd8: {  	s12 =	simm.s32 @!p2 $0x0;
	[sflag:s14] =	ssyncset.done @!p2 $0x0;
	s11 =	rddreg [dreg:$0x8]  }
0xd9: {  	s13 =	simm.s32 @!p2 $0x8000;
	[sflag:s14] =	ssyncadd.s32 @!p2 $0xFFFFE000;
	s1 =	sadd.s32 @!p2 s1, s11  }
0xda: {  	[tilespmem:s13], [sflag:$0x5] =	stream.linear.gather @!p2 [hbm4b:s1+s12], $0x2000, $0x38;
	[tilespmem:$0x1FC80] =	vst v63  }
0xdb: {  	s4 =	sadd.s32 @!p2 s4, s15;
	s14 =	simm.s32 @!p1 $0x1;
	s13 =	simm.s32 @!p2 $0xC200  }
0xdc: {  	[tilespmem:s13], [sflag:$0x5] =	stream.linear.gather @!p2 [hbm4b:s4+s12], $0x80, $0x38;
	[tilespmem:$0x1FC80] =	vst v63  }
0xdd: {  	_ =	swait.ge @!p1 [sflag:s14], $0x2000  }
0xde: {  	[sflag:s14] =	ssyncset.done @!p1 $0x0  }
0xdf: {  	s22 =	smov.u32 s31;
	[sflag:s14] =	ssyncadd.s32 @!p1 $0xFFFFE000  }
0xe0: {  	s18 =	sadd.s32 $0xFFFFFFF8, s22;
	p0 =	por p4, p1;
	_ =	swait.ge @!p1 [sflag:s14], $0x80  }
0xe1: {  	s11 =	simm.s32 @!p0 $0xC;
	s4 =	simm.s32 @!p1 $0x0;
	[sflag:s14] =	ssyncset.done @!p1 $0x0  }
0xe2: {  	s12 =	simm.s32 @!p1 $0x40;
	s13 =	simm.s32 @!p1 $0xC000;
	[sflag:s14] =	ssyncadd.s32 @!p1 $0xFFFFFF80  }
0xe3: {  	[spmem:s3] =	stream.indirect.scatter.add.f32 @!p1 [tilespmem:s4], [sflag:$0x7], $0x80, s13, s12, $0xb8;
	[tilespmem:$0x1FC80] =	vst v63  }
0xe4: {  	s17 =	sadd.s32 $0xFFFFFFF7, s22;
	p6 =	sge.u32 s18, s6;
	_ =	swait.ge @!p0 [sflag:s11], $0x2000  }
0xe5: {  	p2 =	sge.u32 s17, s6;
	[sflag:s11] =	ssyncset.done @!p0 $0x0;
	s28 =	sld [smem:$0x7FB]  }
0xe6: {  	s4 =	sadd.s32 @!p6 $0xFFFFFFFD, s22;
	[sflag:s11] =	ssyncadd.s32 @!p0 $0xFFFFE000;
	s11 =	sadd.s32 @!p2 $0xFFFFFFFC, s22  }
0xe7: {  	s25 =	sadd.s32 $0x1800, s25;
	p0 =	sge.u32 @!p6 s4, s6;
	p1 =	sge.u32 @!p2 s11, s6  }
0xe8: {  	p4 =	por p0, p6;
	p0 =	por p1, p2;
	p1 =	seq.s32 s28, $0x1  }
.Ltmp1:
0xe9: {  	s26 =	sadd.s32 $0x300, s26;
	s0 =	sadd.s32 @!p3 s25, s19;
	(pc) =	sbr.rel @p1 .LBB2_4-.Ltmp1, $4  }
0xea: {  	s29 =	smov.u32 s26;
	s0 =	sadd.s32 @!p3 $0x1400, s0  }
0xeb: {  	s31 =	simm.s32 @!p3 $0xA000;
	s24 =	smov.u32 s23;
	s15 =	simm.s32 @!p3 $0x0  }
0xec: {  	s1 =	smov.u32 s25;
	s14 =	sadd.s32 @!p4 s25, s19;
	s4 =	sadd.s32 @!p4 $0xFFFFFFD0, s23  }
0xed: {  	s13 =	simm.s32 @!p0 $0xC000;
	s12 =	sadd.s32 @!p4 s21, s4;
	s11 =	sand.u32 @!p4 $0x70, s4  }
0xee: {  	[tilespmem:s31], [sflag:$0x6] =	stream.linear.gather @!p3 [hbm4b:s0+s15], $0x2000, $0x38;
	[tilespmem:$0x1FC80] =	vst v63  }
0xef: {  	s0 =	simm.s32 @!p3 $0xC280  }
0xf0: {  	[tilespmem:s0], [sflag:$0x6] =	stream.linear.gather @!p3 [hbm4b:s7+s15], $0x80, $0x38;
	[tilespmem:$0x1FC80] =	vst v63  }
0xf1: {  	s0 =	simm.s32 @!p2 $0x2  }
0xf2: {  	_ =	swait.ge @!p2 [sflag:s0], $0x2000  }
0xf3: {  	[sflag:s0] =	ssyncset.done @!p2 $0x0  }
0xf4: {  	[sflag:s0] =	ssyncadd.s32 @!p2 $0xFFFFE000  }
0xf5: {  	_ =	swait.ge @!p2 [sflag:s0], $0x80  }
0xf6: {  	s4 =	simm.s32 @!p2 $0xC080;
	[sflag:s0] =	ssyncset.done @!p2 $0x0  }
0xf7: {  	s7 =	simm.s32 @!p2 $0x2000;
	[sflag:s0] =	ssyncadd.s32 @!p2 $0xFFFFFF80;
	s0 =	simm.s32 @!p2 $0x40  }
0xf8: {  	[spmem:s3] =	stream.indirect.scatter.add.f32 @!p2 [tilespmem:s7], [sflag:$0x8], $0x80, s4, s0, $0xb8;
	[tilespmem:$0x1FC80] =	vst v63  }
0xf9: {  	s0 =	simm.s32 @!p0 $0x7  }
0xfa: {  	_ =	swait.ge @!p0 [sflag:s0], $0x2000  }
0xfb: {  	s7 =	sadd.s32 @!p0 $0xFFFFFFC0, s23;
	s4 =	rddreg [dreg:$0x5];
	[sflag:s0] =	ssyncset.done @!p0 $0x0  }
0xfc: {  	[sflag:s0] =	ssyncadd.s32 @!p0 $0xFFFFE000;
	s0 =	simm.s32 @!p0 $0x0;
	s4 =	sadd.s32 @!p0 s25, s4  }
0xfd: {  	[tilespmem:s0], [sflag:$0x1] =	stream.linear.gather @!p0 [hbm4b:s4+s0], $0x2000, $0x38;
	[tilespmem:$0x1FC80] =	vst v63  }
0xfe: {  	s4 =	sadd.s32 @!p0 s21, s7;
	s7 =	sand.u32 @!p0 $0x60, s7  }
0xff: {  	s4 =	sand.u32 @!p0 $0xFFFFF80, s4;
	s7 =	sadd.s32 @!p0 s7, s8  }
0x100: {  	s4 =	sadd.s32 @!p0 s4, s7  }
0x101: {  	[tilespmem:s13], [sflag:$0x1] =	stream.linear.gather @!p0 [hbm4b:s4+s0], $0x80, $0x38;
	[tilespmem:$0x1FC80] =	vst v63  }
0x102: {  	s0 =	simm.s32 @!p6 $0x3  }
0x103: {  	_ =	swait.ge @!p6 [sflag:s0], $0x2000  }
0x104: {  	[sflag:s0] =	ssyncset.done @!p6 $0x0  }
0x105: {  	[sflag:s0] =	ssyncadd.s32 @!p6 $0xFFFFE000  }
0x106: {  	_ =	swait.ge @!p6 [sflag:s0], $0x80  }
0x107: {  	s7 =	simm.s32 @!p6 $0x4000;
	[sflag:s0] =	ssyncset.done @!p6 $0x0  }
0x108: {  	s4 =	simm.s32 @!p6 $0xC100;
	[sflag:s0] =	ssyncadd.s32 @!p6 $0xFFFFFF80;
	s0 =	simm.s32 @!p6 $0x40  }
0x109: {  	[spmem:s3] =	stream.indirect.scatter.add.f32 @!p6 [tilespmem:s7], [sflag:$0x9], $0x80, s4, s0, $0xb8;
	[tilespmem:$0x1FC80] =	vst v63  }
0x10a: {  	s0 =	simm.s32 @!p4 $0x8  }
0x10b: {  	_ =	swait.ge @!p4 [sflag:s0], $0x2000  }
0x10c: {  	s13 =	sadd.s32 $0xFFFFFFF9, s22;
	s4 =	sadd.s32 @!p4 $0x1C00, s14;
	[sflag:s0] =	ssyncset.done @!p4 $0x0  }
0x10d: {  	s7 =	simm.s32 @!p4 $0x0;
	[sflag:s0] =	ssyncadd.s32 @!p4 $0xFFFFE000;
	s0 =	simm.s32 @!p4 $0x2000  }
0x10e: {  	[tilespmem:s0], [sflag:$0x2] =	stream.linear.gather @!p4 [hbm4b:s4+s7], $0x2000, $0x38;
	[tilespmem:$0x1FC80] =	vst v63  }
0x10f: {  	s11 =	sadd.s32 @!p4 s11, s8;
	p1 =	sge.u32 s13, s6;
	s4 =	sand.u32 @!p4 $0xFFFFF80, s12  }
0x110: {  	s0 =	sadd.s32 @!p4 s4, s11;
	s4 =	simm.s32 @!p1 $0x4;
	s11 =	simm.s32 @!p4 $0xC080  }
0x111: {  	[tilespmem:s11], [sflag:$0x2] =	stream.linear.gather @!p4 [hbm4b:s0+s7], $0x80, $0x38;
	[tilespmem:$0x1FC80] =	vst v63  }
0x112: {  	_ =	swait.ge @!p1 [sflag:s4], $0x2000  }
0x113: {  	[sflag:s4] =	ssyncset.done @!p1 $0x0  }
0x114: {  	s0 =	sadd.s32 @!p1 $0xFFFFFFFE, s22;
	[sflag:s4] =	ssyncadd.s32 @!p1 $0xFFFFE000  }
0x115: {  	s7 =	simm.s32 @!p1 $0x6000;
	p0 =	sge.u32 @!p1 s0, s6;
	_ =	swait.ge @!p1 [sflag:s4], $0x80  }
0x116: {  	s11 =	simm.s32 @!p1 $0x40;
	p0 =	por p0, p1;
	[sflag:s4] =	ssyncset.done @!p1 $0x0  }
0x117: {  	s0 =	simm.s32 @!p1 $0xC180;
	[sflag:s4] =	ssyncadd.s32 @!p1 $0xFFFFFF80;
	s4 =	simm.s32 @!p0 $0x9  }
0x118: {  	[spmem:s3] =	stream.indirect.scatter.add.f32 @!p1 [tilespmem:s7], [sflag:$0xA], $0x80, s0, s11, $0xb8;
	[tilespmem:$0x1FC80] =	vst v63  }
0x119: {  	_ =	swait.ge @!p0 [sflag:s4], $0x2000  }
0x11a: {  	s0 =	rddreg [dreg:$0x6]  }
0x11b: {  	s11 =	simm.s32 @!p0 $0x4000;
	[sflag:s4] =	ssyncset.done @!p0 $0x0;
	s7 =	rddreg [dreg:$0x7]  }
0x11c: {  	[sflag:s4] =	ssyncadd.s32 @!p0 $0xFFFFE000;
	s4 =	simm.s32 @!p0 $0x0;
	s0 =	sadd.s32 @!p0 s1, s0  }
0x11d: {  	[tilespmem:s11], [sflag:$0x3] =	stream.linear.gather @!p0 [hbm4b:s0+s4], $0x2000, $0x38;
	[tilespmem:$0x1FC80] =	vst v63  }
0x11e: {  	s0 =	sadd.s32 @!p0 s29, s7  }
0x11f: {  	s7 =	sand.u32 @!p0 $0x300, s26;
	s0 =	sand.u32 @!p0 $0x7FFFFC00, s0  }
0x120: {  	s0 =	sor.u32 @!p0 s7, s0  }
0x121: {  	s0 =	sadd.s32 @!p0 $0x9C400, s0  }
0x122: {  	s14 =	sadd.s32 $0xFFFFFFFA, s22;
	s0 =	sshrl.u32 @!p0 s0, $0x3  }
0x123: {  	p1 =	sge.u32 s14, s6;
	s7 =	simm.s32 @!p0 $0xC100;
	s0 =	sadd.s32 @!p0 s2, s0  }
0x124: {  	[tilespmem:s7], [sflag:$0x3] =	stream.linear.gather @!p0 [hbm4b:s0+s4], $0x80, $0x38;
	[tilespmem:$0x1FC80] =	vst v63  }
0x125: {  	s0 =	simm.s32 @!p1 $0x5  }
0x126: {  	_ =	swait.ge @!p1 [sflag:s0], $0x2000  }
0x127: {  	[sflag:s0] =	ssyncset.done @!p1 $0x0  }
0x128: {  	[sflag:s0] =	ssyncadd.s32 @!p1 $0xFFFFE000  }
0x129: {  	_ =	swait.ge @!p1 [sflag:s0], $0x80  }
0x12a: {  	s4 =	simm.s32 @!p1 $0x40;
	[sflag:s0] =	ssyncset.done @!p1 $0x0  }
0x12b: {  	s7 =	simm.s32 @!p1 $0xC200;
	[sflag:s0] =	ssyncadd.s32 @!p1 $0xFFFFFF80;
	s0 =	simm.s32 @!p1 $0x8000  }
0x12c: {  	[spmem:s3] =	stream.indirect.scatter.add.f32 @!p1 [tilespmem:s0], [sflag:$0xB], $0x80, s7, s4, $0xb8;
	[tilespmem:$0x1FC80] =	vst v63  }
0x12d: {  	s0 =	sadd.s32 @!p1 $0xFFFFFFFF, s22  }
0x12e: {  	p0 =	sge.u32 @!p1 s0, s6  }
0x12f: {  	p0 =	por p0, p1  }
0x130: {  	s0 =	simm.s32 @!p0 $0xA  }
0x131: {  	s4 =	sadd.s32 @!p0 s25, s19;
	_ =	swait.ge @!p0 [sflag:s0], $0x2000  }
0x132: {  	s7 =	sadd.s32 @!p0 $0xFFFFFFF0, s23;
	s11 =	simm.s32 @!p0 $0x0;
	[sflag:s0] =	ssyncset.done @!p0 $0x0  }
0x133: {  	s4 =	sadd.s32 @!p0 $0x2400, s4;
	[sflag:s0] =	ssyncadd.s32 @!p0 $0xFFFFE000;
	s0 =	simm.s32 @!p0 $0x6000  }
0x134: {  	[tilespmem:s0], [sflag:$0x4] =	stream.linear.gather @!p0 [hbm4b:s4+s11], $0x2000, $0x38;
	[tilespmem:$0x1FC80] =	vst v63  }
0x135: {  	s0 =	sadd.s32 @!p0 s21, s7;
	s4 =	sand.u32 @!p0 $0x70, s7  }
0x136: {  	s15 =	sadd.s32 $0xFFFFFFFB, s22;
	s0 =	sand.u32 @!p0 $0xFFFFF80, s0;
	s4 =	sadd.s32 @!p0 s4, s8  }
0x137: {  	p1 =	sge.u32 s15, s6;
	s0 =	sadd.s32 @!p0 s0, s4;
	s4 =	simm.s32 @!p0 $0xC180  }
0x138: {  	[tilespmem:s4], [sflag:$0x4] =	stream.linear.gather @!p0 [hbm4b:s0+s11], $0x80, $0x38;
	[tilespmem:$0x1FC80] =	vst v63  }
0x139: {  	s0 =	simm.s32 @!p1 $0x6  }
0x13a: {  	_ =	swait.ge @!p1 [sflag:s0], $0x2000  }
0x13b: {  	[sflag:s0] =	ssyncset.done @!p1 $0x0  }
0x13c: {  	[sflag:s0] =	ssyncadd.s32 @!p1 $0xFFFFE000  }
0x13d: {  	s7 =	simm.s32 @!p1 $0xA000;
	_ =	swait.ge @!p1 [sflag:s0], $0x80  }
0x13e: {  	s4 =	simm.s32 @!p1 $0xC280;
	p0 =	sge.u32 @!p1 s22, s6;
	[sflag:s0] =	ssyncset.done @!p1 $0x0  }
0x13f: {  	p0 =	por p0, p1;
	[sflag:s0] =	ssyncadd.s32 @!p1 $0xFFFFFF80;
	s0 =	simm.s32 @!p1 $0x40  }
0x140: {  	[spmem:s3] =	stream.indirect.scatter.add.f32 @!p1 [tilespmem:s7], [sflag:$0xC], $0x80, s4, s0, $0xb8;
	[tilespmem:$0x1FC80] =	vst v63  }
0x141: {  	s0 =	simm.s32 @!p0 $0xB  }
0x142: {  	_ =	swait.ge @!p0 [sflag:s0], $0x2000  }
0x143: {  	[sflag:s0] =	ssyncset.done @!p0 $0x0  }
0x144: {  	s4 =	rddreg [dreg:$0x8];
	[sflag:s0] =	ssyncadd.s32 @!p0 $0xFFFFE000  }
0x145: {  	s0 =	simm.s32 @!p0 $0x0;
	s1 =	sadd.s32 @!p0 s1, s4;
	s4 =	simm.s32 @!p0 $0x8000  }
0x146: {  	[tilespmem:s4], [sflag:$0x5] =	stream.linear.gather @!p0 [hbm4b:s1+s0], $0x2000, $0x38;
	[tilespmem:$0x1FC80] =	vst v63  }
0x147: {  	s1 =	sand.u32 @!p0 $0x60, s24;
	s4 =	sadd.s32 @!p0 s24, s21  }
0x148: {  	s1 =	sadd.s32 @!p0 s1, s8;
	s4 =	sand.u32 @!p0 $0xFFFFF80, s4  }
0x149: {  	s16 =	simm.s32 $0x7;
	s1 =	sadd.s32 @!p0 s4, s1;
	s4 =	simm.s32 @!p0 $0xC200  }
0x14a: {  	[tilespmem:s4], [sflag:$0x5] =	stream.linear.gather @!p0 [hbm4b:s1+s0], $0x80, $0x38;
	[tilespmem:$0x1FC80] =	vst v63  }
0x14b: {  	_ =	swait.ge [sflag:s16], $0x2000  }
0x14c: {  	[sflag:s16] =	ssyncset.done $0x0  }
0x14d: {  	s17 =	simm.s32 $0x8;
	[sflag:s16] =	ssyncadd.s32 $0xFFFFE000  }
0x14e: {  	_ =	swait.ge [sflag:s17], $0x2000  }
0x14f: {  	[sflag:s17] =	ssyncset.done $0x0  }
0x150: {  	s18 =	simm.s32 $0x9;
	[sflag:s17] =	ssyncadd.s32 $0xFFFFE000  }
0x151: {  	_ =	swait.ge [sflag:s18], $0x2000  }
0x152: {  	[sflag:s18] =	ssyncset.done $0x0  }
0x153: {  	s22 =	simm.s32 $0xA;
	[sflag:s18] =	ssyncadd.s32 $0xFFFFE000  }
0x154: {  	_ =	swait.ge [sflag:s22], $0x2000  }
0x155: {  	[sflag:s22] =	ssyncset.done $0x0  }
0x156: {  	s23 =	simm.s32 $0xB;
	[sflag:s22] =	ssyncadd.s32 $0xFFFFE000  }
0x157: {  	_ =	swait.ge [sflag:s23], $0x2000  }
0x158: {  	[sflag:s23] =	ssyncset.done $0x0  }
0x159: {  	s24 =	simm.s32 $0xC;
	[sflag:s23] =	ssyncadd.s32 $0xFFFFE000  }
0x15a: {  	_ =	swait.ge [sflag:s24], $0x2000  }
0x15b: {  	[sflag:s24] =	ssyncset.done $0x0  }
0x15c: {  	[sflag:s24] =	ssyncadd.s32 $0xFFFFE000  }
0x15d: {  	s25 =	stileid.u32;
	[bflag:$0x0] =	sbarrier.arrive $0xFFFF  }
0x15e: {  	s29 =	simm.s32 $0xE;
	s0 =	sshll.u32 s25, $0x6;
	s13 =	rddreg [dreg:$0x13]  }
0x15f: {  	s0 =	sor.u32 $0x1C0E, s0;
	s28 =	rddreg [dreg:$0x14];
	s26 =	sshrl.u32 s13, $0x3  }
0x160: {  	[hbm:s28], [sflag:s0] =	dma.local [spmem:s26], $0x2700  }
0x161: {  	_ =	swait.ge [sflag:s29], $0x2700  }
0x162: {  	s30 =	sld [smem:$0x7FC]  }
0x163: {  	s7 =	sld [smem:$0x7FD];
	_ =	sdelay $0x1  }
0x164: {  	[sflag:s29] =	ssyncset.done $0x0;
	p1 =	seq.s32 s30, $0x1  }
0x165: {  	s4 =	rddreg [dreg:$0x18];
	[sflag:s29] =	ssyncadd.s32 $0xFFFFD900;
	s1 =	sshrl.u32 @!p1 s7, $0x3  }
0x166: {  	[hbm:s4], [sflag:s0] =	dma.local @!p1 [spmem:s1], $0x100  }
0x167: {  	s0 =	simm.s32 @!p1 $0xE  }
0x168: {  	_ =	swait.ge @!p1 [sflag:s0], $0x100  }
0x169: {  	s20 =	sadd.s32 $0x1, s20;
	s31 =	rddreg [dreg:$0x19]  }
0x16a: {  	p0 =	sne.s32 s20, s31  }
.Ltmp2:
0x16b: {  	_ = 	snop;
	(pc) =	sbr.rel @p0 .LBB2_1-.Ltmp2, $3  }
0x16c: {  	_ =	sdelay $0x1  }
0x16d: {  	[sflag:s0] =	ssyncset.done @!p1 $0x0  }
0x16e: {  	[sflag:s0] =	ssyncadd.s32 @!p1 $0xFFFFFF00  }
0x16f: {  	_ =	sfence.sel $0x180000  }
0x170: {  	[bflag:$0x0] =	sbarrier.arrive $0xFFFF  }
0x171: {  	_ =	strace $0x90000047  }
0x172: {  	s0 =	stileid.u32;
	[bflag:$0x2] =	sbarrier.arrive $0xFFFF  }
0x173: {  	p0 =	sne.s32 s0, $0x0;
	s0 =	rddreg [dreg:$0x4]  }
0x174: {  	s0 =	sadd.s32 @!p0 $0x100000, s0  }
0x175: {  	[sflag:s0] =	ssyncadd.tile.s32 @!p0 $0x1;
	_ =	shalt  }
.Lfunc_end2:
_tile_overlayer_lowered:
.L_overlay_start_2:
0x176: {  	(tag) =	ssettag $0x2  }
0x177: {  	s0 =	rddreg [dreg:$0x0];
	s2 =	stileid.u32  }
0x178: {  	s1 =	rddreg [dreg:$0x1];
	p0 =	sne.s32 s2, $0x0  }
0x179: {  	s3 =	rddreg [dreg:$0x2];
	[bflag:$0x3] =	sbarrier.arrive $0xFFFF;
	s2 =	simm.s32 @!p0 $0x1C0E  }
0x17a: {  	[timem:s3], [sflag:s2] =	dma.local @!p0 [hbm:s0], s1  }
0x17b: {  	s0 =	simm.s32 @!p0 $0xE  }
0x17c: {  	_ =	swait.ge @!p0 [sflag:s0], s1  }
0x17d: {  	s1 =	ssub.s32 @!p0 $0x0, s1;
	[sflag:s0] =	ssyncset.done @!p0 $0x0  }
0x17e: {  	[sflag:s0] =	ssyncadd.s32 @!p0 s1  }
0x17f: {  	[bflag:$0x3] =	sbarrier.arrive $0xFFFF  }
0x180: {  	_ =	shalt  }

</sc_bundles>
